<compile_context>
chip_gen: v7x
topology: tpu7x:2x2x1
jax: 0.10.2.dev20260603
libtpu: 0.0.44.dev20260713+nightly
codegen_flags: <defaults>
</compile_context>

<pallas_src>
import jax
import jax.numpy as jnp
from jax import lax
from jax.experimental import pallas as pl
from jax.experimental.pallas import tpu as pltpu
from jax.experimental.pallas import tpu_sc as plsc

N = 10000
E = 160000
D = 256
EMB = 128
DE = 16

NPAD = 10240
NC, NS = 2, 16
NW = NC * NS

SB = 200
SJ = E // NS // SB
GB = 200
GJ = 2 * E // NW // GB
KPS = 1
KPG = 2

def _sc_mesh():
    return plsc.VectorSubcoreMesh(
        core_axis_name="c", subcore_axis_name="s",
        num_cores=NC, num_subcores=NS)


def _segsum_body(tab, srcr, dstr, zeros, out, idxs, idxd, rows, shared, sems):
    c = lax.axis_index("c")
    s = lax.axis_index("s")
    pltpu.sync_copy(zeros, shared.at[pl.ds(s * 640, 640)])
    pltpu.sync_copy(srcr.at[s], idxs)
    pltpu.sync_copy(dstr.at[s], idxd)
    plsc.subcore_barrier()

    def body(jj, carry):
        j0 = jj * KPS
        cps = [pltpu.async_copy(
                   tab.at[idxs.at[pl.ds((j0 + k) * SB, SB)],
                          pl.ds(c * 128, 128)],
                   rows[k], sems[k])
               for k in range(KPS)]
        for k in range(KPS):
            cps[k].wait()
            pltpu.sync_copy(rows[k],
                            shared.at[idxd.at[pl.ds((j0 + k) * SB, SB)]],
                            add=True)
        return carry

    lax.fori_loop(0, SJ // KPS, body, 0)
    plsc.subcore_barrier()
    pltpu.sync_copy(shared.at[pl.ds(s * 640, 640)],
                    out.at[pl.ds(c * NPAD + s * 640, 640)])


def _segsum(tab, srcr, dstr, zeros):
    return pl.kernel(
        _segsum_body,
        out_type=jax.ShapeDtypeStruct((2 * NPAD, 128), jnp.float32),
        mesh=_sc_mesh(),
        scratch_types=[
            pltpu.VMEM((SJ * SB,), jnp.int32),
            pltpu.VMEM((SJ * SB,), jnp.int32),
            [pltpu.VMEM((SB, 128), jnp.float32)] * KPS,
            pltpu.VMEM_SHARED((NPAD, 128), jnp.float32),
            [pltpu.SemaphoreType.DMA] * KPS,
        ],
    )(tab, srcr, dstr, zeros)


PW = D // 2 + EMB


def _egather_body(tab, tasks, out, idx, rows, sems):
    w = lax.axis_index("c") * NS + lax.axis_index("s")
    pltpu.sync_copy(tasks.at[w], idx)
    base = w * (GJ * GB)

    def body(jj, carry):
        j0 = jj * KPG
        cps = [pltpu.async_copy(
                   tab.at[idx.at[pl.ds((j0 + k) * GB, GB)]], rows[k], sems[k])
               for k in range(KPG)]
        for k in range(KPG):
            cps[k].wait()
            pltpu.sync_copy(rows[k],
                            out.at[pl.ds(base + (j0 + k) * GB, GB)])
        return carry

    lax.fori_loop(0, GJ // KPG, body, 0)


def _egather(tab, tasks):
    return pl.kernel(
        _egather_body,
        out_type=jax.ShapeDtypeStruct((2 * E, PW), jnp.uint32),
        mesh=_sc_mesh(),
        scratch_types=[
            pltpu.VMEM((GJ * GB,), jnp.int32),
            [pltpu.VMEM((GB, PW), jnp.uint32)] * KPG,
            [pltpu.SemaphoreType.DMA] * KPG,
        ],
    )(tab, tasks)


MR = 1000
MNB = N // MR

def _mlp1_body(x_ref, al_ref, ar_ref, wx_ref, bx_ref, wy_ref, by_ref, o_ref):
    m = x_ref[...] + jnp.concatenate([al_ref[...], ar_ref[...]], axis=1)
    h = jnp.maximum(
        jnp.dot(m, wx_ref[...], preferred_element_type=jnp.float32)
        + bx_ref[...], 0.0)
    o = jnp.dot(h, wy_ref[...], preferred_element_type=jnp.float32) + by_ref[...]
    o_ref[...] = jnp.maximum(o, 0.0)


def _mlp1(x, al, ar, wx, bx, wy, by):
    return pl.pallas_call(
        _mlp1_body,
        grid=(MNB,),
        in_specs=[
            pl.BlockSpec((MR, D), lambda i: (i, 0)),
            pl.BlockSpec((MR, EMB), lambda i: (i, 0)),
            pl.BlockSpec((MR, EMB), lambda i: (i, 0)),
            pl.BlockSpec((D, D), lambda i: (0, 0)),
            pl.BlockSpec((1, D), lambda i: (0, 0)),
            pl.BlockSpec((D, D), lambda i: (0, 0)),
            pl.BlockSpec((1, D), lambda i: (0, 0)),
        ],
        out_specs=pl.BlockSpec((MR, D), lambda i: (i, 0)),
        out_shape=jax.ShapeDtypeStruct((N, D), jnp.float32),
    )(x, al, ar, wx, bx, wy, by)


def _pack(p, z):
    bits = lax.bitcast_convert_type(p, jnp.uint32) + jnp.uint32(0x8000)
    lo = bits[:, :D // 2] >> 16
    hi = bits[:, D // 2:] & jnp.uint32(0xFFFF0000)
    return jnp.concatenate(
        [lo | hi, lax.bitcast_convert_type(z, jnp.uint32)], axis=1)


def _l2_body(x_ref, al_ref, ar_ref, wx_ref, bx_ref, wy_ref, by_ref, wa_ref,
             z_ref, pt_ref, pb_ref):
    m = x_ref[...] + jnp.concatenate([al_ref[...], ar_ref[...]], axis=1)
    h = jnp.maximum(
        jnp.dot(m, wx_ref[...], preferred_element_type=jnp.float32)
        + bx_ref[...], 0.0)
    z = jnp.dot(h, wy_ref[...], preferred_element_type=jnp.float32) + by_ref[...]
    z_ref[...] = z
    wa = wa_ref[...]
    pt = jnp.dot(z, wa[:EMB, :], preferred_element_type=jnp.float32)
    pb = jnp.dot(z, wa[EMB:, :], preferred_element_type=jnp.float32)
    pt_ref[...] = _pack(pt, z)
    pb_ref[...] = _pack(pb, z)


def _l2(x, al, ar, wx, bx, wy, by, wa):
    return pl.pallas_call(
        _l2_body,
        grid=(MNB,),
        in_specs=[
            pl.BlockSpec((MR, D), lambda i: (i, 0)),
            pl.BlockSpec((MR, EMB), lambda i: (i, 0)),
            pl.BlockSpec((MR, EMB), lambda i: (i, 0)),
            pl.BlockSpec((D, D), lambda i: (0, 0)),
            pl.BlockSpec((1, D), lambda i: (0, 0)),
            pl.BlockSpec((D, EMB), lambda i: (0, 0)),
            pl.BlockSpec((1, EMB), lambda i: (0, 0)),
            pl.BlockSpec((D, D), lambda i: (0, 0)),
        ],
        out_specs=[
            pl.BlockSpec((MR, EMB), lambda i: (i, 0)),
            pl.BlockSpec((MR, PW), lambda i: (i, 0)),
            pl.BlockSpec((MR, PW), lambda i: (i, 0)),
        ],
        out_shape=[
            jax.ShapeDtypeStruct((N, EMB), jnp.float32),
            jax.ShapeDtypeStruct((N, PW), jnp.uint32),
            jax.ShapeDtypeStruct((N, PW), jnp.uint32),
        ],
    )(x, al, ar, wx, bx, wy, by, wa)


EB = 2000
ENB = E // EB


def _unpack(w):
    wp = w[:, :D // 2]
    lo = lax.bitcast_convert_type(wp << 16, jnp.float32)
    hi = lax.bitcast_convert_type(wp & jnp.uint32(0xFFFF0000), jnp.float32)
    z = lax.bitcast_convert_type(w[:, D // 2:], jnp.float32)
    return jnp.concatenate([lo, hi], axis=1), z

def _edge_body(gs_ref, gd_ref, yf_ref, ea_ref, wb_ref, ba_ref, bb_ref,
               logit_ref, prob_ref, wh_ref, lt_ref, le_ref, la_ref, acc_ref):
    i = pl.program_id(0)
    ps, zs = _unpack(gs_ref[...])
    pd, zd = _unpack(gd_ref[...])
    hidden = jnp.maximum(ps + pd + ba_ref[...], 0.0)
    wh = (jnp.dot(hidden, wb_ref[...], preferred_element_type=jnp.float32)
          + bb_ref[...])
    wh_ref[...] = wh

    dif = zs - zd
    lane = lax.broadcasted_iota(jnp.int32, (EB, EMB), 1)
    d2 = jnp.sum(jnp.where(lane < EMB - 1, dif * dif, 0.0), axis=1,
                 keepdims=True)
    mass = zd[:, EMB - 1:EMB]
    logits = mass - jnp.log(d2 + 1e-8)
    logit_ref[...] = logits
    prob_ref[...] = jax.nn.sigmoid(logits)

    yf = yf_ref[...]
    bce = (jnp.maximum(logits, 0.0) - logits * yf
           + jnp.log1p(jnp.exp(-jnp.abs(logits))))
    bsum = jnp.sum(bce)
    asum = jnp.sum(((wh - ea_ref[...]) ** 2) * yf)
    csum = jnp.sum(yf)

    @pl.when(i == 0)
    def _():
        acc_ref[0] = bsum
        acc_ref[1] = asum
        acc_ref[2] = csum

    @pl.when(i > 0)
    def _():
        acc_ref[0] = acc_ref[0] + bsum
        acc_ref[1] = acc_ref[1] + asum
        acc_ref[2] = acc_ref[2] + csum

    @pl.when(i == ENB - 1)
    def _():
        le = acc_ref[0] / E
        la = acc_ref[1] / jnp.maximum(acc_ref[2] * DE, 1.0)
        le_ref[...] = jnp.full((1, 1), le, jnp.float32)
        la_ref[...] = jnp.full((1, 1), la, jnp.float32)
        lt_ref[...] = jnp.full((1, 1), le + la, jnp.float32)


def _edge(g, yf, ea, wb, ba, bb):
    return pl.pallas_call(
        _edge_body,
        grid=(ENB,),
        in_specs=[
            pl.BlockSpec((EB, PW), lambda i: (i, 0)),
            pl.BlockSpec((EB, PW), lambda i: (i + ENB, 0)),
            pl.BlockSpec((EB, 1), lambda i: (i, 0)),
            pl.BlockSpec((EB, DE), lambda i: (i, 0)),
            pl.BlockSpec((D, DE), lambda i: (0, 0)),
            pl.BlockSpec((1, D), lambda i: (0, 0)),
            pl.BlockSpec((1, DE), lambda i: (0, 0)),
        ],
        out_specs=[
            pl.BlockSpec((EB, 1), lambda i: (i, 0)),
            pl.BlockSpec((EB, 1), lambda i: (i, 0)),
            pl.BlockSpec((EB, DE), lambda i: (i, 0)),
            pl.BlockSpec((1, 1), lambda i: (0, 0)),
            pl.BlockSpec((1, 1), lambda i: (0, 0)),
            pl.BlockSpec((1, 1), lambda i: (0, 0)),
        ],
        out_shape=[
            jax.ShapeDtypeStruct((E, 1), jnp.float32),
            jax.ShapeDtypeStruct((E, 1), jnp.float32),
            jax.ShapeDtypeStruct((E, DE), jnp.float32),
            jax.ShapeDtypeStruct((1, 1), jnp.float32),
            jax.ShapeDtypeStruct((1, 1), jnp.float32),
            jax.ShapeDtypeStruct((1, 1), jnp.float32),
        ],
        scratch_shapes=[pltpu.SMEM((3,), jnp.float32)],
        compiler_params=pltpu.CompilerParams(
            dimension_semantics=("arbitrary",)),
    )(g, g, yf, ea, wb, ba, bb)


def kernel(x, edge_index, y, edge_attr, W1a, b1a, W1b, b1b, W2a, b2a, W2b,
           b2b, Wa, ba, Wb, bb):
    src = edge_index[0]
    dst = edge_index[1]

    srcr = src.reshape(NS, SJ * SB)
    dstr = dst.reshape(NS, SJ * SB)
    tasks = jnp.concatenate([src, dst + NPAD]).reshape(NW, GJ * GB)
    zeros = jnp.zeros((640, EMB), jnp.float32)

    o1 = _segsum(x, srcr, dstr, zeros)
    h1 = _mlp1(x, o1[:N], o1[NPAD:NPAD + N],
               W1a, b1a.reshape(1, -1), W1b, b1b.reshape(1, -1))

    o2 = _segsum(h1, srcr, dstr, zeros)
    z, ptz, pbz = _l2(h1, o2[:N], o2[NPAD:NPAD + N],
                      W2a, b2a.reshape(1, -1), W2b, b2b.reshape(1, -1), Wa)

    pad = ((0, NPAD - N), (0, 0))
    tab3 = jnp.concatenate([jnp.pad(ptz, pad), jnp.pad(pbz, pad)], axis=0)
    g = _egather(tab3, tasks)

    yf = y.astype(jnp.float32).reshape(E, 1)
    logits, prob, wh, lt, le, la = _edge(
        g, yf, edge_attr, Wb, ba.reshape(1, -1), bb.reshape(1, -1))

    return (lt[0, 0], le[0, 0], la[0, 0], logits[:, 0], prob[:, 0], z, wh)

# --- scband reference (transcript-rebuilt; emitter-appended) ---
"""Pipeline reference for scband-atggnngin-consistency-86328842650109 (READ-ONLY COPY).

The authoritative reference and input builder live on the scoring server;
editing this copy changes nothing except your own understanding.
"""

import jax, jax.numpy as jnp
import numpy as np

N = 10000
E = 160000
D_IN = 256
HID = 256
EMB = 128
D_EDGE = 16


def setup_inputs(seed: int = 0) -> dict:
    key = jax.random.key(seed)
    ks = jax.random.split(key, 12)
    inp = {}
    inp["x"] = jax.random.normal(ks[0], (N, D_IN), dtype=jnp.float32)
    inp["edge_index"] = jax.random.randint(ks[1], (2, E), 0, N, dtype=jnp.int32)
    inp["y"] = jax.random.randint(ks[2], (E,), 0, 2, dtype=jnp.int32)
    inp["edge_attr"] = jax.random.uniform(ks[3], (E, D_EDGE), dtype=jnp.float32)

    def p(k, shape):
        return jax.random.normal(k, shape, dtype=jnp.float32) * 0.05

    # GIN layer 1 MLP
    inp["W1a"] = p(ks[4], (D_IN, HID)); inp["b1a"] = jnp.zeros((HID,), jnp.float32)
    inp["W1b"] = p(ks[5], (HID, HID)); inp["b1b"] = jnp.zeros((HID,), jnp.float32)
    # GIN layer 2 MLP
    inp["W2a"] = p(ks[6], (HID, HID)); inp["b2a"] = jnp.zeros((HID,), jnp.float32)
    inp["W2b"] = p(ks[7], (HID, EMB)); inp["b2b"] = jnp.zeros((EMB,), jnp.float32)
    # Edge attribute head MLP
    inp["Wa"] = p(ks[8], (2 * EMB, HID)); inp["ba"] = jnp.zeros((HID,), jnp.float32)
    inp["Wb"] = p(ks[9], (HID, D_EDGE)); inp["bb"] = jnp.zeros((D_EDGE,), jnp.float32)
    return inp


def _bce_with_logits(logits, targets):
    return jnp.mean(jnp.maximum(logits, 0.0) - logits * targets + jnp.log1p(jnp.exp(-jnp.abs(logits))))


def _forward(x, edge_index, y, edge_attr, W1a, b1a, W1b, b1b, W2a, b2a, W2b, b2b, Wa, ba, Wb, bb):
    src = edge_index[0]
    dst = edge_index[1]

    def gin_conv(h, Wx, bx, Wy, by):
        # GIN: MLP((1+eps)*h + sum_{j in N(i)} h_j), eps=0
        agg = jax.ops.segment_sum(h[src], dst, num_segments=N)
        m = h + agg
        m = jnp.maximum(m @ Wx + bx, 0.0)
        return m @ Wy + by

    h1 = jnp.maximum(gin_conv(x, W1a, b1a, W1b, b1b), 0.0)
    z = gin_conv(h1, W2a, b2a, W2b, b2b)

    # Gravity decoder: logits_ij = mass_j - log(||p_i - p_j||^2 + eps)
    zp = z[:, :-1]
    mass = z[:, -1]
    diff = zp[src] - zp[dst]
    d2 = jnp.sum(diff * diff, axis=-1)
    logits = mass[dst] - jnp.log(d2 + 1e-8)
    prob = jax.nn.sigmoid(logits)

    yf = y.astype(jnp.float32)
    loss_exist = _bce_with_logits(logits, yf)

    # Edge attribute head
    e_in = jnp.concatenate([z[src], z[dst]], axis=-1)
    w_hat = jnp.maximum(e_in @ Wa + ba, 0.0) @ Wb + bb
    mask = (y == 1).astype(jnp.float32)
    denom = jnp.maximum(jnp.sum(mask) * D_EDGE, 1.0)
    loss_attr = jnp.sum(((w_hat - edge_attr) ** 2) * mask[:, None]) / denom

    loss_total = 1.0 * loss_exist + 1.0 * loss_attr
    return loss_total, loss_exist, loss_attr, logits, prob, z, w_hat


def reference(x, edge_index, y, edge_attr, W1a, b1a, W1b, b1b, W2a, b2a, W2b, b2b, Wa, ba, Wb, bb):
    return _forward(x, edge_index, y, edge_attr, W1a, b1a, W1b, b1b, W2a, b2a, W2b, b2b, Wa, ba, Wb, bb)

if __name__ == "__main__":
    import jax
    _d = setup_inputs()
    print(jax.jit(kernel)(*tuple(_d.values())))

</pallas_src>

<mosaic_0001>
#map = affine_map<(d0, d1) -> (0, 0)>
module attributes {stable_mosaic.version = 14 : i64} {
  func.func @_segsum_body(%arg0: i32, %arg1: i32, %arg2: memref<10000x256xf32, #tpu.memory_space<hbm>>, %arg3: memref<16x10000xi32, #tpu.memory_space<hbm>>, %arg4: memref<16x10000xi32, #tpu.memory_space<hbm>>, %arg5: memref<640x128xf32, #tpu.memory_space<hbm>>, %arg6: memref<20480x128xf32, #tpu.memory_space<hbm>>, %arg7: memref<10000xi32, #tpu.memory_space<vmem>>, %arg8: memref<10000xi32, #tpu.memory_space<vmem>>, %arg9: memref<200x128xf32, #tpu.memory_space<vmem>>, %arg10: memref<10240x128xf32, #tpu.memory_space<vmem_shared>>, %arg11: memref<!tpu.dma_semaphore, #tpu.memory_space<semaphore_mem>>) attributes {dimension_semantics = [#tpu.dimension_semantics<core_parallel>, #tpu.dimension_semantics<subcore_parallel>], iteration_bounds = array<i64: 2, 16>, scalar_prefetch = 0 : i64, scratch_operands = 5 : i64, tpu.core_type = #tpu.core_type<sc_vector_subcore>, window_params = [{transform_indices = #map}, {transform_indices = #map}, {transform_indices = #map}, {transform_indices = #map}, {transform_indices = #map}]} {
    %mul3A = arith.constant 640 : i32
    %mul3A_0 = arith.muli %arg1, %mul3A : i32
    "tpu.region"() ({
      %run_scoped3A = tpu.sem_alloc : memref<!tpu.dma_semaphore, #tpu.memory_space<semaphore_mem>>
      %dma_start3A = arith.constant 0 : i32
      %dma_start3A_13 = tpu.memref_slice %arg10[%mul3A_0, %dma_start3A] : memref<10240x128xf32, #tpu.memory_space<vmem_shared>> -> memref<640x128xf32, #tpu.memory_space<vmem_shared>>
      tpu.enqueue_dma source(%arg5 : memref<640x128xf32, #tpu.memory_space<hbm>>) target(%dma_start3A_13 : memref<640x128xf32, #tpu.memory_space<vmem_shared>>) target_semaphore(%run_scoped3A : memref<!tpu.dma_semaphore, #tpu.memory_space<semaphore_mem>>)
      %dma_wait3A = arith.constant 0 : i32
      %dma_wait3A_14 = tpu.memref_slice %arg10[%mul3A_0, %dma_wait3A] : memref<10240x128xf32, #tpu.memory_space<vmem_shared>> -> memref<640x128xf32, #tpu.memory_space<vmem_shared>>
      tpu.wait_dma2 semaphore(%run_scoped3A : memref<!tpu.dma_semaphore, #tpu.memory_space<semaphore_mem>>) src(%arg5 : memref<640x128xf32, #tpu.memory_space<hbm>>) dst(%dma_wait3A_14 : memref<640x128xf32, #tpu.memory_space<vmem_shared>>)
      tpu.yield
    }) : () -> ()
    "tpu.region"() ({
      %run_scoped3A = tpu.sem_alloc : memref<!tpu.dma_semaphore, #tpu.memory_space<semaphore_mem>>
      %dma_start3A = arith.constant 0 : i32
      %dma_start3A_13 = tpu.memref_slice %arg3[%arg1, %dma_start3A] : memref<16x10000xi32, #tpu.memory_space<hbm>> -> memref<1x10000xi32, #tpu.memory_space<hbm>>
      %dma_start3A_14 = tpu.memref_squeeze %dma_start3A_13 : memref<1x10000xi32, #tpu.memory_space<hbm>> -> memref<10000xi32, #tpu.memory_space<hbm>>
      %dma_start3A_15 = arith.constant 0 : i32
      %dma_start3A_16 = tpu.memref_slice %arg3[%arg1, %dma_start3A_15] : memref<16x10000xi32, #tpu.memory_space<hbm>> -> memref<1x10000xi32, #tpu.memory_space<hbm>>
      %dma_start3A_17 = tpu.memref_squeeze %dma_start3A_16 : memref<1x10000xi32, #tpu.memory_space<hbm>> -> memref<10000xi32, #tpu.memory_space<hbm>>
      tpu.enqueue_dma source(%dma_start3A_17 : memref<10000xi32, #tpu.memory_space<hbm>>) target(%arg7 : memref<10000xi32, #tpu.memory_space<vmem>>) target_semaphore(%run_scoped3A : memref<!tpu.dma_semaphore, #tpu.memory_space<semaphore_mem>>)
      %dma_wait3A = arith.constant 0 : i32
      %dma_wait3A_18 = tpu.memref_slice %arg3[%arg1, %dma_wait3A] : memref<16x10000xi32, #tpu.memory_space<hbm>> -> memref<1x10000xi32, #tpu.memory_space<hbm>>
      %dma_wait3A_19 = tpu.memref_squeeze %dma_wait3A_18 : memref<1x10000xi32, #tpu.memory_space<hbm>> -> memref<10000xi32, #tpu.memory_space<hbm>>
      %dma_wait3A_20 = arith.constant 0 : i32
      %dma_wait3A_21 = tpu.memref_slice %arg3[%arg1, %dma_wait3A_20] : memref<16x10000xi32, #tpu.memory_space<hbm>> -> memref<1x10000xi32, #tpu.memory_space<hbm>>
      %dma_wait3A_22 = tpu.memref_squeeze %dma_wait3A_21 : memref<1x10000xi32, #tpu.memory_space<hbm>> -> memref<10000xi32, #tpu.memory_space<hbm>>
      tpu.wait_dma2 semaphore(%run_scoped3A : memref<!tpu.dma_semaphore, #tpu.memory_space<semaphore_mem>>) src(%dma_wait3A_22 : memref<10000xi32, #tpu.memory_space<hbm>>) dst(%arg7 : memref<10000xi32, #tpu.memory_space<vmem>>)
      tpu.yield
    }) : () -> ()
    "tpu.region"() ({
      %run_scoped3A = tpu.sem_alloc : memref<!tpu.dma_semaphore, #tpu.memory_space<semaphore_mem>>
      %dma_start3A = arith.constant 0 : i32
      %dma_start3A_13 = tpu.memref_slice %arg4[%arg1, %dma_start3A] : memref<16x10000xi32, #tpu.memory_space<hbm>> -> memref<1x10000xi32, #tpu.memory_space<hbm>>
      %dma_start3A_14 = tpu.memref_squeeze %dma_start3A_13 : memref<1x10000xi32, #tpu.memory_space<hbm>> -> memref<10000xi32, #tpu.memory_space<hbm>>
      %dma_start3A_15 = arith.constant 0 : i32
      %dma_start3A_16 = tpu.memref_slice %arg4[%arg1, %dma_start3A_15] : memref<16x10000xi32, #tpu.memory_space<hbm>> -> memref<1x10000xi32, #tpu.memory_space<hbm>>
      %dma_start3A_17 = tpu.memref_squeeze %dma_start3A_16 : memref<1x10000xi32, #tpu.memory_space<hbm>> -> memref<10000xi32, #tpu.memory_space<hbm>>
      tpu.enqueue_dma source(%dma_start3A_17 : memref<10000xi32, #tpu.memory_space<hbm>>) target(%arg8 : memref<10000xi32, #tpu.memory_space<vmem>>) target_semaphore(%run_scoped3A : memref<!tpu.dma_semaphore, #tpu.memory_space<semaphore_mem>>)
      %dma_wait3A = arith.constant 0 : i32
      %dma_wait3A_18 = tpu.memref_slice %arg4[%arg1, %dma_wait3A] : memref<16x10000xi32, #tpu.memory_space<hbm>> -> memref<1x10000xi32, #tpu.memory_space<hbm>>
      %dma_wait3A_19 = tpu.memref_squeeze %dma_wait3A_18 : memref<1x10000xi32, #tpu.memory_space<hbm>> -> memref<10000xi32, #tpu.memory_space<hbm>>
      %dma_wait3A_20 = arith.constant 0 : i32
      %dma_wait3A_21 = tpu.memref_slice %arg4[%arg1, %dma_wait3A_20] : memref<16x10000xi32, #tpu.memory_space<hbm>> -> memref<1x10000xi32, #tpu.memory_space<hbm>>
      %dma_wait3A_22 = tpu.memref_squeeze %dma_wait3A_21 : memref<1x10000xi32, #tpu.memory_space<hbm>> -> memref<10000xi32, #tpu.memory_space<hbm>>
      tpu.wait_dma2 semaphore(%run_scoped3A : memref<!tpu.dma_semaphore, #tpu.memory_space<semaphore_mem>>) src(%dma_wait3A_22 : memref<10000xi32, #tpu.memory_space<hbm>>) dst(%arg8 : memref<10000xi32, #tpu.memory_space<vmem>>)
      tpu.yield
    }) : () -> ()
    %barrier3A = arith.constant 0 : index
    tpu.barrier barrier_id(%barrier3A)
    %scan3A = arith.constant 0 : i32
    %scan3A_1 = arith.constant 0 : i32
    %scan3A_2 = arith.constant 50 : i32
    %scan3A_3 = arith.addi %scan3A_1, %scan3A_2 : i32
    %scan3A_4 = arith.constant 1 : i32
    scf.for %scan3A_13 = %scan3A_1 to %scan3A_3 step %scan3A_4  : i32 {
      %mul3A_14 = arith.constant 1 : i32
      %mul3A_15 = arith.muli %scan3A_13, %mul3A_14 : i32
      %add3A_16 = arith.constant 0 : i32
      %add3A_17 = arith.addi %mul3A_15, %add3A_16 : i32
      %mul3A_18 = arith.constant 200 : i32
      %mul3A_19 = arith.muli %add3A_17, %mul3A_18 : i32
      %mul3A_20 = arith.constant 128 : i32
      %mul3A_21 = arith.muli %arg0, %mul3A_20 : i32
      %dma_start3A = tpu.memref_slice %arg7[%mul3A_19] : memref<10000xi32, #tpu.memory_space<vmem>> -> memref<200xi32, #tpu.memory_space<vmem>>
      %dma_start3A_22 = arith.constant 0 : i32
      %dma_start3A_23 = tpu.memref_slice %arg2[%dma_start3A_22, %mul3A_21] : memref<10000x256xf32, #tpu.memory_space<hbm>> -> memref<10000x128xf32, #tpu.memory_space<hbm>>
      tpu.enqueue_indirect_dma source(%dma_start3A_23 : memref<10000x128xf32, #tpu.memory_space<hbm>>) target(%arg9 : memref<200x128xf32, #tpu.memory_space<vmem>>) offsets(%dma_start3A : memref<200xi32, #tpu.memory_space<vmem>>) semaphore(%arg11 : memref<!tpu.dma_semaphore, #tpu.memory_space<semaphore_mem>>)
      %dma_wait3A = tpu.memref_slice %arg7[%mul3A_19] : memref<10000xi32, #tpu.memory_space<vmem>> -> memref<200xi32, #tpu.memory_space<vmem>>
      %dma_wait3A_24 = arith.constant 0 : i32
      %dma_wait3A_25 = tpu.memref_slice %arg2[%dma_wait3A_24, %mul3A_21] : memref<10000x256xf32, #tpu.memory_space<hbm>> -> memref<10000x128xf32, #tpu.memory_space<hbm>>
      tpu.wait_indirect_dma semaphore(%arg11 : memref<!tpu.dma_semaphore, #tpu.memory_space<semaphore_mem>>) src(%dma_wait3A_25 : memref<10000x128xf32, #tpu.memory_space<hbm>>) dst(%arg9 : memref<200x128xf32, #tpu.memory_space<vmem>>)
      %add3A_26 = arith.constant 0 : i32
      %add3A_27 = arith.addi %mul3A_15, %add3A_26 : i32
      %mul3A_28 = arith.constant 200 : i32
      %mul3A_29 = arith.muli %add3A_27, %mul3A_28 : i32
      "tpu.region"() ({
        %run_scoped3A = tpu.sem_alloc : memref<!tpu.dma_semaphore, #tpu.memory_space<semaphore_mem>>
        %dma_start3A_30 = tpu.memref_slice %arg8[%mul3A_29] : memref<10000xi32, #tpu.memory_space<vmem>> -> memref<200xi32, #tpu.memory_space<vmem>>
        %dma_start3A_31 = arith.constant 0 : i32
        %dma_start3A_32 = arith.constant 0 : i32
        %dma_start3A_33 = tpu.memref_slice %arg10[%dma_start3A_31, %dma_start3A_32] : memref<10240x128xf32, #tpu.memory_space<vmem_shared>> -> memref<10240x128xf32, #tpu.memory_space<vmem_shared>>
        tpu.enqueue_indirect_dma source(%arg9 : memref<200x128xf32, #tpu.memory_space<vmem>>) target(%dma_start3A_33 : memref<10240x128xf32, #tpu.memory_space<vmem_shared>>) offsets(%dma_start3A_30 : memref<200xi32, #tpu.memory_space<vmem>>) semaphore(%run_scoped3A : memref<!tpu.dma_semaphore, #tpu.memory_space<semaphore_mem>>) {add = true}
        %dma_wait3A_34 = tpu.memref_slice %arg8[%mul3A_29] : memref<10000xi32, #tpu.memory_space<vmem>> -> memref<200xi32, #tpu.memory_space<vmem>>
        %dma_wait3A_35 = arith.constant 0 : i32
        %dma_wait3A_36 = arith.constant 0 : i32
        %dma_wait3A_37 = tpu.memref_slice %arg10[%dma_wait3A_35, %dma_wait3A_36] : memref<10240x128xf32, #tpu.memory_space<vmem_shared>> -> memref<10240x128xf32, #tpu.memory_space<vmem_shared>>
        tpu.wait_indirect_dma semaphore(%run_scoped3A : memref<!tpu.dma_semaphore, #tpu.memory_space<semaphore_mem>>) src(%arg9 : memref<200x128xf32, #tpu.memory_space<vmem>>) dst(%dma_wait3A_37 : memref<10240x128xf32, #tpu.memory_space<vmem_shared>>)
        tpu.yield
      }) : () -> ()
    }
    %scan3A_5 = arith.constant 50 : i32
    %barrier3A_6 = arith.constant 0 : index
    tpu.barrier barrier_id(%barrier3A_6)
    %mul3A_7 = arith.constant 640 : i32
    %mul3A_8 = arith.muli %arg1, %mul3A_7 : i32
    %mul3A_9 = arith.constant 10240 : i32
    %mul3A_10 = arith.muli %arg0, %mul3A_9 : i32
    %mul3A_11 = arith.constant 640 : i32
    %mul3A_12 = arith.muli %arg1, %mul3A_11 : i32
    %add3A = arith.addi %mul3A_10, %mul3A_12 : i32
    "tpu.region"() ({
      %run_scoped3A = tpu.sem_alloc : memref<!tpu.dma_semaphore, #tpu.memory_space<semaphore_mem>>
      %dma_start3A = arith.constant 0 : i32
      %dma_start3A_13 = tpu.memref_slice %arg6[%add3A, %dma_start3A] : memref<20480x128xf32, #tpu.memory_space<hbm>> -> memref<640x128xf32, #tpu.memory_space<hbm>>
      %dma_start3A_14 = arith.constant 0 : i32
      %dma_start3A_15 = tpu.memref_slice %arg10[%mul3A_8, %dma_start3A_14] : memref<10240x128xf32, #tpu.memory_space<vmem_shared>> -> memref<640x128xf32, #tpu.memory_space<vmem_shared>>
      tpu.enqueue_dma source(%dma_start3A_15 : memref<640x128xf32, #tpu.memory_space<vmem_shared>>) target(%dma_start3A_13 : memref<640x128xf32, #tpu.memory_space<hbm>>) target_semaphore(%run_scoped3A : memref<!tpu.dma_semaphore, #tpu.memory_space<semaphore_mem>>)
      %dma_wait3A = arith.constant 0 : i32
      %dma_wait3A_16 = tpu.memref_slice %arg6[%add3A, %dma_wait3A] : memref<20480x128xf32, #tpu.memory_space<hbm>> -> memref<640x128xf32, #tpu.memory_space<hbm>>
      %dma_wait3A_17 = arith.constant 0 : i32
      %dma_wait3A_18 = tpu.memref_slice %arg10[%mul3A_8, %dma_wait3A_17] : memref<10240x128xf32, #tpu.memory_space<vmem_shared>> -> memref<640x128xf32, #tpu.memory_space<vmem_shared>>
      tpu.wait_dma2 semaphore(%run_scoped3A : memref<!tpu.dma_semaphore, #tpu.memory_space<semaphore_mem>>) src(%dma_wait3A_18 : memref<640x128xf32, #tpu.memory_space<vmem_shared>>) dst(%dma_wait3A_16 : memref<640x128xf32, #tpu.memory_space<hbm>>)
      tpu.yield
    }) : () -> ()
    return
  }
}

#map = affine_map<(d0, d1) -> (0, 0)>
module attributes {stable_mosaic.version = 14 : i64} {
  func.func @_egather_body(%arg0: i32, %arg1: i32, %arg2: memref<20480x256xi32, #tpu.memory_space<hbm>>, %arg3: memref<32x10000xi32, #tpu.memory_space<hbm>>, %arg4: memref<320000x256xi32, #tpu.memory_space<hbm>>, %arg5: memref<10000xi32, #tpu.memory_space<vmem>>, %arg6: memref<200x256xi32, #tpu.memory_space<vmem>>, %arg7: memref<200x256xi32, #tpu.memory_space<vmem>>, %arg8: memref<!tpu.dma_semaphore, #tpu.memory_space<semaphore_mem>>, %arg9: memref<!tpu.dma_semaphore, #tpu.memory_space<semaphore_mem>>) attributes {dimension_semantics = [#tpu.dimension_semantics<core_parallel>, #tpu.dimension_semantics<subcore_parallel>], iteration_bounds = array<i64: 2, 16>, scalar_prefetch = 0 : i64, scratch_operands = 5 : i64, tpu.core_type = #tpu.core_type<sc_vector_subcore>, window_params = [{transform_indices = #map}, {transform_indices = #map}, {transform_indices = #map}]} {
    %mul3A = arith.constant 16 : i32
    %mul3A_0 = arith.muli %arg0, %mul3A : i32
    %add3A = arith.addi %mul3A_0, %arg1 : i32
    "tpu.region"() ({
      %run_scoped3A = tpu.sem_alloc : memref<!tpu.dma_semaphore, #tpu.memory_space<semaphore_mem>>
      %dma_start3A = arith.constant 0 : i32
      %dma_start3A_8 = tpu.memref_slice %arg3[%add3A, %dma_start3A] : memref<32x10000xi32, #tpu.memory_space<hbm>> -> memref<1x10000xi32, #tpu.memory_space<hbm>>
      %dma_start3A_9 = tpu.memref_squeeze %dma_start3A_8 : memref<1x10000xi32, #tpu.memory_space<hbm>> -> memref<10000xi32, #tpu.memory_space<hbm>>
      %dma_start3A_10 = arith.constant 0 : i32
      %dma_start3A_11 = tpu.memref_slice %arg3[%add3A, %dma_start3A_10] : memref<32x10000xi32, #tpu.memory_space<hbm>> -> memref<1x10000xi32, #tpu.memory_space<hbm>>
      %dma_start3A_12 = tpu.memref_squeeze %dma_start3A_11 : memref<1x10000xi32, #tpu.memory_space<hbm>> -> memref<10000xi32, #tpu.memory_space<hbm>>
      tpu.enqueue_dma source(%dma_start3A_12 : memref<10000xi32, #tpu.memory_space<hbm>>) target(%arg5 : memref<10000xi32, #tpu.memory_space<vmem>>) target_semaphore(%run_scoped3A : memref<!tpu.dma_semaphore, #tpu.memory_space<semaphore_mem>>)
      %dma_wait3A = arith.constant 0 : i32
      %dma_wait3A_13 = tpu.memref_slice %arg3[%add3A, %dma_wait3A] : memref<32x10000xi32, #tpu.memory_space<hbm>> -> memref<1x10000xi32, #tpu.memory_space<hbm>>
      %dma_wait3A_14 = tpu.memref_squeeze %dma_wait3A_13 : memref<1x10000xi32, #tpu.memory_space<hbm>> -> memref<10000xi32, #tpu.memory_space<hbm>>
      %dma_wait3A_15 = arith.constant 0 : i32
      %dma_wait3A_16 = tpu.memref_slice %arg3[%add3A, %dma_wait3A_15] : memref<32x10000xi32, #tpu.memory_space<hbm>> -> memref<1x10000xi32, #tpu.memory_space<hbm>>
      %dma_wait3A_17 = tpu.memref_squeeze %dma_wait3A_16 : memref<1x10000xi32, #tpu.memory_space<hbm>> -> memref<10000xi32, #tpu.memory_space<hbm>>
      tpu.wait_dma2 semaphore(%run_scoped3A : memref<!tpu.dma_semaphore, #tpu.memory_space<semaphore_mem>>) src(%dma_wait3A_17 : memref<10000xi32, #tpu.memory_space<hbm>>) dst(%arg5 : memref<10000xi32, #tpu.memory_space<vmem>>)
      tpu.yield
    }) : () -> ()
    %mul3A_1 = arith.constant 10000 : i32
    %mul3A_2 = arith.muli %add3A, %mul3A_1 : i32
    %scan3A = arith.constant 0 : i32
    %scan3A_3 = arith.constant 0 : i32
    %scan3A_4 = arith.constant 25 : i32
    %scan3A_5 = arith.addi %scan3A_3, %scan3A_4 : i32
    %scan3A_6 = arith.constant 1 : i32
    scf.for %scan3A_8 = %scan3A_3 to %scan3A_5 step %scan3A_6  : i32 {
      %mul3A_9 = arith.constant 2 : i32
      %mul3A_10 = arith.muli %scan3A_8, %mul3A_9 : i32
      %add3A_11 = arith.constant 0 : i32
      %add3A_12 = arith.addi %mul3A_10, %add3A_11 : i32
      %mul3A_13 = arith.constant 200 : i32
      %mul3A_14 = arith.muli %add3A_12, %mul3A_13 : i32
      %dma_start3A = tpu.memref_slice %arg5[%mul3A_14] : memref<10000xi32, #tpu.memory_space<vmem>> -> memref<200xi32, #tpu.memory_space<vmem>>
      %dma_start3A_15 = arith.constant 0 : i32
      %dma_start3A_16 = arith.constant 0 : i32
      %dma_start3A_17 = tpu.memref_slice %arg2[%dma_start3A_15, %dma_start3A_16] : memref<20480x256xi32, #tpu.memory_space<hbm>> -> memref<20480x256xi32, #tpu.memory_space<hbm>>
      tpu.enqueue_indirect_dma source(%dma_start3A_17 : memref<20480x256xi32, #tpu.memory_space<hbm>>) target(%arg6 : memref<200x256xi32, #tpu.memory_space<vmem>>) offsets(%dma_start3A : memref<200xi32, #tpu.memory_space<vmem>>) semaphore(%arg8 : memref<!tpu.dma_semaphore, #tpu.memory_space<semaphore_mem>>)
      %add3A_18 = arith.constant 1 : i32
      %add3A_19 = arith.addi %mul3A_10, %add3A_18 : i32
      %mul3A_20 = arith.constant 200 : i32
      %mul3A_21 = arith.muli %add3A_19, %mul3A_20 : i32
      %dma_start3A_22 = tpu.memref_slice %arg5[%mul3A_21] : memref<10000xi32, #tpu.memory_space<vmem>> -> memref<200xi32, #tpu.memory_space<vmem>>
      %dma_start3A_23 = arith.constant 0 : i32
      %dma_start3A_24 = arith.constant 0 : i32
      %dma_start3A_25 = tpu.memref_slice %arg2[%dma_start3A_23, %dma_start3A_24] : memref<20480x256xi32, #tpu.memory_space<hbm>> -> memref<20480x256xi32, #tpu.memory_space<hbm>>
      tpu.enqueue_indirect_dma source(%dma_start3A_25 : memref<20480x256xi32, #tpu.memory_space<hbm>>) target(%arg7 : memref<200x256xi32, #tpu.memory_space<vmem>>) offsets(%dma_start3A_22 : memref<200xi32, #tpu.memory_space<vmem>>) semaphore(%arg9 : memref<!tpu.dma_semaphore, #tpu.memory_space<semaphore_mem>>)
      %dma_wait3A = tpu.memref_slice %arg5[%mul3A_14] : memref<10000xi32, #tpu.memory_space<vmem>> -> memref<200xi32, #tpu.memory_space<vmem>>
      %dma_wait3A_26 = arith.constant 0 : i32
      %dma_wait3A_27 = arith.constant 0 : i32
      %dma_wait3A_28 = tpu.memref_slice %arg2[%dma_wait3A_26, %dma_wait3A_27] : memref<20480x256xi32, #tpu.memory_space<hbm>> -> memref<20480x256xi32, #tpu.memory_space<hbm>>
      tpu.wait_indirect_dma semaphore(%arg8 : memref<!tpu.dma_semaphore, #tpu.memory_space<semaphore_mem>>) src(%dma_wait3A_28 : memref<20480x256xi32, #tpu.memory_space<hbm>>) dst(%arg6 : memref<200x256xi32, #tpu.memory_space<vmem>>)
      %add3A_29 = arith.constant 0 : i32
      %add3A_30 = arith.addi %mul3A_10, %add3A_29 : i32
      %mul3A_31 = arith.constant 200 : i32
      %mul3A_32 = arith.muli %add3A_30, %mul3A_31 : i32
      %add3A_33 = arith.addi %mul3A_2, %mul3A_32 : i32
      "tpu.region"() ({
        %run_scoped3A = tpu.sem_alloc : memref<!tpu.dma_semaphore, #tpu.memory_space<semaphore_mem>>
        %dma_start3A_43 = arith.constant 0 : i32
        %dma_start3A_44 = tpu.memref_slice %arg4[%add3A_33, %dma_start3A_43] : memref<320000x256xi32, #tpu.memory_space<hbm>> -> memref<200x256xi32, #tpu.memory_space<hbm>>
        %dma_start3A_45 = arith.constant 0 : i32
        %dma_start3A_46 = tpu.memref_slice %arg4[%add3A_33, %dma_start3A_45] : memref<320000x256xi32, #tpu.memory_space<hbm>> -> memref<200x256xi32, #tpu.memory_space<hbm>>
        tpu.enqueue_dma source(%arg6 : memref<200x256xi32, #tpu.memory_space<vmem>>) target(%dma_start3A_46 : memref<200x256xi32, #tpu.memory_space<hbm>>) target_semaphore(%run_scoped3A : memref<!tpu.dma_semaphore, #tpu.memory_space<semaphore_mem>>)
        %dma_wait3A_47 = arith.constant 0 : i32
        %dma_wait3A_48 = tpu.memref_slice %arg4[%add3A_33, %dma_wait3A_47] : memref<320000x256xi32, #tpu.memory_space<hbm>> -> memref<200x256xi32, #tpu.memory_space<hbm>>
        %dma_wait3A_49 = arith.constant 0 : i32
        %dma_wait3A_50 = tpu.memref_slice %arg4[%add3A_33, %dma_wait3A_49] : memref<320000x256xi32, #tpu.memory_space<hbm>> -> memref<200x256xi32, #tpu.memory_space<hbm>>
        tpu.wait_dma2 semaphore(%run_scoped3A : memref<!tpu.dma_semaphore, #tpu.memory_space<semaphore_mem>>) src(%arg6 : memref<200x256xi32, #tpu.memory_space<vmem>>) dst(%dma_wait3A_50 : memref<200x256xi32, #tpu.memory_space<hbm>>)
        tpu.yield
      }) : () -> ()
      %dma_wait3A_34 = tpu.memref_slice %arg5[%mul3A_21] : memref<10000xi32, #tpu.memory_space<vmem>> -> memref<200xi32, #tpu.memory_space<vmem>>
      %dma_wait3A_35 = arith.constant 0 : i32
      %dma_wait3A_36 = arith.constant 0 : i32
      %dma_wait3A_37 = tpu.memref_slice %arg2[%dma_wait3A_35, %dma_wait3A_36] : memref<20480x256xi32, #tpu.memory_space<hbm>> -> memref<20480x256xi32, #tpu.memory_space<hbm>>
      tpu.wait_indirect_dma semaphore(%arg9 : memref<!tpu.dma_semaphore, #tpu.memory_space<semaphore_mem>>) src(%dma_wait3A_37 : memref<20480x256xi32, #tpu.memory_space<hbm>>) dst(%arg7 : memref<200x256xi32, #tpu.memory_space<vmem>>)
      %add3A_38 = arith.constant 1 : i32
      %add3A_39 = arith.addi %mul3A_10, %add3A_38 : i32
      %mul3A_40 = arith.constant 200 : i32
      %mul3A_41 = arith.muli %add3A_39, %mul3A_40 : i32
      %add3A_42 = arith.addi %mul3A_2, %mul3A_41 : i32
      "tpu.region"() ({
        %run_scoped3A = tpu.sem_alloc : memref<!tpu.dma_semaphore, #tpu.memory_space<semaphore_mem>>
        %dma_start3A_43 = arith.constant 0 : i32
        %dma_start3A_44 = tpu.memref_slice %arg4[%add3A_42, %dma_start3A_43] : memref<320000x256xi32, #tpu.memory_space<hbm>> -> memref<200x256xi32, #tpu.memory_space<hbm>>
        %dma_start3A_45 = arith.constant 0 : i32
        %dma_start3A_46 = tpu.memref_slice %arg4[%add3A_42, %dma_start3A_45] : memref<320000x256xi32, #tpu.memory_space<hbm>> -> memref<200x256xi32, #tpu.memory_space<hbm>>
        tpu.enqueue_dma source(%arg7 : memref<200x256xi32, #tpu.memory_space<vmem>>) target(%dma_start3A_46 : memref<200x256xi32, #tpu.memory_space<hbm>>) target_semaphore(%run_scoped3A : memref<!tpu.dma_semaphore, #tpu.memory_space<semaphore_mem>>)
        %dma_wait3A_47 = arith.constant 0 : i32
        %dma_wait3A_48 = tpu.memref_slice %arg4[%add3A_42, %dma_wait3A_47] : memref<320000x256xi32, #tpu.memory_space<hbm>> -> memref<200x256xi32, #tpu.memory_space<hbm>>
        %dma_wait3A_49 = arith.constant 0 : i32
        %dma_wait3A_50 = tpu.memref_slice %arg4[%add3A_42, %dma_wait3A_49] : memref<320000x256xi32, #tpu.memory_space<hbm>> -> memref<200x256xi32, #tpu.memory_space<hbm>>
        tpu.wait_dma2 semaphore(%run_scoped3A : memref<!tpu.dma_semaphore, #tpu.memory_space<semaphore_mem>>) src(%arg7 : memref<200x256xi32, #tpu.memory_space<vmem>>) dst(%dma_wait3A_50 : memref<200x256xi32, #tpu.memory_space<hbm>>)
        tpu.yield
      }) : () -> ()
    }
    %scan3A_7 = arith.constant 25 : i32
    return
  }
}

#map = affine_map<(d0, d1) -> (0, 0)>
module attributes {stable_mosaic.version = 14 : i64} {
  func.func @_segsum_body(%arg0: i32, %arg1: i32, %arg2: memref<10000x256xf32, #tpu.memory_space<hbm>>, %arg3: memref<16x10000xi32, #tpu.memory_space<hbm>>, %arg4: memref<16x10000xi32, #tpu.memory_space<hbm>>, %arg5: memref<640x128xf32, #tpu.memory_space<hbm>>, %arg6: memref<20480x128xf32, #tpu.memory_space<hbm>>, %arg7: memref<10000xi32, #tpu.memory_space<vmem>>, %arg8: memref<10000xi32, #tpu.memory_space<vmem>>, %arg9: memref<200x128xf32, #tpu.memory_space<vmem>>, %arg10: memref<10240x128xf32, #tpu.memory_space<vmem_shared>>, %arg11: memref<!tpu.dma_semaphore, #tpu.memory_space<semaphore_mem>>) attributes {dimension_semantics = [#tpu.dimension_semantics<core_parallel>, #tpu.dimension_semantics<subcore_parallel>], iteration_bounds = array<i64: 2, 16>, scalar_prefetch = 0 : i64, scratch_operands = 5 : i64, tpu.core_type = #tpu.core_type<sc_vector_subcore>, window_params = [{transform_indices = #map}, {transform_indices = #map}, {transform_indices = #map}, {transform_indices = #map}, {transform_indices = #map}]} {
    %mul3A = arith.constant 640 : i32
    %mul3A_0 = arith.muli %arg1, %mul3A : i32
    "tpu.region"() ({
      %run_scoped3A = tpu.sem_alloc : memref<!tpu.dma_semaphore, #tpu.memory_space<semaphore_mem>>
      %dma_start3A = arith.constant 0 : i32
      %dma_start3A_13 = tpu.memref_slice %arg10[%mul3A_0, %dma_start3A] : memref<10240x128xf32, #tpu.memory_space<vmem_shared>> -> memref<640x128xf32, #tpu.memory_space<vmem_shared>>
      tpu.enqueue_dma source(%arg5 : memref<640x128xf32, #tpu.memory_space<hbm>>) target(%dma_start3A_13 : memref<640x128xf32, #tpu.memory_space<vmem_shared>>) target_semaphore(%run_scoped3A : memref<!tpu.dma_semaphore, #tpu.memory_space<semaphore_mem>>)
      %dma_wait3A = arith.constant 0 : i32
      %dma_wait3A_14 = tpu.memref_slice %arg10[%mul3A_0, %dma_wait3A] : memref<10240x128xf32, #tpu.memory_space<vmem_shared>> -> memref<640x128xf32, #tpu.memory_space<vmem_shared>>
      tpu.wait_dma2 semaphore(%run_scoped3A : memref<!tpu.dma_semaphore, #tpu.memory_space<semaphore_mem>>) src(%arg5 : memref<640x128xf32, #tpu.memory_space<hbm>>) dst(%dma_wait3A_14 : memref<640x128xf32, #tpu.memory_space<vmem_shared>>)
      tpu.yield
    }) : () -> ()
    "tpu.region"() ({
      %run_scoped3A = tpu.sem_alloc : memref<!tpu.dma_semaphore, #tpu.memory_space<semaphore_mem>>
      %dma_start3A = arith.constant 0 : i32
      %dma_start3A_13 = tpu.memref_slice %arg3[%arg1, %dma_start3A] : memref<16x10000xi32, #tpu.memory_space<hbm>> -> memref<1x10000xi32, #tpu.memory_space<hbm>>
      %dma_start3A_14 = tpu.memref_squeeze %dma_start3A_13 : memref<1x10000xi32, #tpu.memory_space<hbm>> -> memref<10000xi32, #tpu.memory_space<hbm>>
      %dma_start3A_15 = arith.constant 0 : i32
      %dma_start3A_16 = tpu.memref_slice %arg3[%arg1, %dma_start3A_15] : memref<16x10000xi32, #tpu.memory_space<hbm>> -> memref<1x10000xi32, #tpu.memory_space<hbm>>
      %dma_start3A_17 = tpu.memref_squeeze %dma_start3A_16 : memref<1x10000xi32, #tpu.memory_space<hbm>> -> memref<10000xi32, #tpu.memory_space<hbm>>
      tpu.enqueue_dma source(%dma_start3A_17 : memref<10000xi32, #tpu.memory_space<hbm>>) target(%arg7 : memref<10000xi32, #tpu.memory_space<vmem>>) target_semaphore(%run_scoped3A : memref<!tpu.dma_semaphore, #tpu.memory_space<semaphore_mem>>)
      %dma_wait3A = arith.constant 0 : i32
      %dma_wait3A_18 = tpu.memref_slice %arg3[%arg1, %dma_wait3A] : memref<16x10000xi32, #tpu.memory_space<hbm>> -> memref<1x10000xi32, #tpu.memory_space<hbm>>
      %dma_wait3A_19 = tpu.memref_squeeze %dma_wait3A_18 : memref<1x10000xi32, #tpu.memory_space<hbm>> -> memref<10000xi32, #tpu.memory_space<hbm>>
      %dma_wait3A_20 = arith.constant 0 : i32
      %dma_wait3A_21 = tpu.memref_slice %arg3[%arg1, %dma_wait3A_20] : memref<16x10000xi32, #tpu.memory_space<hbm>> -> memref<1x10000xi32, #tpu.memory_space<hbm>>
      %dma_wait3A_22 = tpu.memref_squeeze %dma_wait3A_21 : memref<1x10000xi32, #tpu.memory_space<hbm>> -> memref<10000xi32, #tpu.memory_space<hbm>>
      tpu.wait_dma2 semaphore(%run_scoped3A : memref<!tpu.dma_semaphore, #tpu.memory_space<semaphore_mem>>) src(%dma_wait3A_22 : memref<10000xi32, #tpu.memory_space<hbm>>) dst(%arg7 : memref<10000xi32, #tpu.memory_space<vmem>>)
      tpu.yield
    }) : () -> ()
    "tpu.region"() ({
      %run_scoped3A = tpu.sem_alloc : memref<!tpu.dma_semaphore, #tpu.memory_space<semaphore_mem>>
      %dma_start3A = arith.constant 0 : i32
      %dma_start3A_13 = tpu.memref_slice %arg4[%arg1, %dma_start3A] : memref<16x10000xi32, #tpu.memory_space<hbm>> -> memref<1x10000xi32, #tpu.memory_space<hbm>>
      %dma_start3A_14 = tpu.memref_squeeze %dma_start3A_13 : memref<1x10000xi32, #tpu.memory_space<hbm>> -> memref<10000xi32, #tpu.memory_space<hbm>>
      %dma_start3A_15 = arith.constant 0 : i32
      %dma_start3A_16 = tpu.memref_slice %arg4[%arg1, %dma_start3A_15] : memref<16x10000xi32, #tpu.memory_space<hbm>> -> memref<1x10000xi32, #tpu.memory_space<hbm>>
      %dma_start3A_17 = tpu.memref_squeeze %dma_start3A_16 : memref<1x10000xi32, #tpu.memory_space<hbm>> -> memref<10000xi32, #tpu.memory_space<hbm>>
      tpu.enqueue_dma source(%dma_start3A_17 : memref<10000xi32, #tpu.memory_space<hbm>>) target(%arg8 : memref<10000xi32, #tpu.memory_space<vmem>>) target_semaphore(%run_scoped3A : memref<!tpu.dma_semaphore, #tpu.memory_space<semaphore_mem>>)
      %dma_wait3A = arith.constant 0 : i32
      %dma_wait3A_18 = tpu.memref_slice %arg4[%arg1, %dma_wait3A] : memref<16x10000xi32, #tpu.memory_space<hbm>> -> memref<1x10000xi32, #tpu.memory_space<hbm>>
      %dma_wait3A_19 = tpu.memref_squeeze %dma_wait3A_18 : memref<1x10000xi32, #tpu.memory_space<hbm>> -> memref<10000xi32, #tpu.memory_space<hbm>>
      %dma_wait3A_20 = arith.constant 0 : i32
      %dma_wait3A_21 = tpu.memref_slice %arg4[%arg1, %dma_wait3A_20] : memref<16x10000xi32, #tpu.memory_space<hbm>> -> memref<1x10000xi32, #tpu.memory_space<hbm>>
      %dma_wait3A_22 = tpu.memref_squeeze %dma_wait3A_21 : memref<1x10000xi32, #tpu.memory_space<hbm>> -> memref<10000xi32, #tpu.memory_space<hbm>>
      tpu.wait_dma2 semaphore(%run_scoped3A : memref<!tpu.dma_semaphore, #tpu.memory_space<semaphore_mem>>) src(%dma_wait3A_22 : memref<10000xi32, #tpu.memory_space<hbm>>) dst(%arg8 : memref<10000xi32, #tpu.memory_space<vmem>>)
      tpu.yield
    }) : () -> ()
    %barrier3A = arith.constant 0 : index
    tpu.barrier barrier_id(%barrier3A)
    %scan3A = arith.constant 0 : i32
    %scan3A_1 = arith.constant 0 : i32
    %scan3A_2 = arith.constant 50 : i32
    %scan3A_3 = arith.addi %scan3A_1, %scan3A_2 : i32
    %scan3A_4 = arith.constant 1 : i32
    scf.for %scan3A_13 = %scan3A_1 to %scan3A_3 step %scan3A_4  : i32 {
      %mul3A_14 = arith.constant 1 : i32
      %mul3A_15 = arith.muli %scan3A_13, %mul3A_14 : i32
      %add3A_16 = arith.constant 0 : i32
      %add3A_17 = arith.addi %mul3A_15, %add3A_16 : i32
      %mul3A_18 = arith.constant 200 : i32
      %mul3A_19 = arith.muli %add3A_17, %mul3A_18 : i32
      %mul3A_20 = arith.constant 128 : i32
      %mul3A_21 = arith.muli %arg0, %mul3A_20 : i32
      %dma_start3A = tpu.memref_slice %arg7[%mul3A_19] : memref<10000xi32, #tpu.memory_space<vmem>> -> memref<200xi32, #tpu.memory_space<vmem>>
      %dma_start3A_22 = arith.constant 0 : i32
      %dma_start3A_23 = tpu.memref_slice %arg2[%dma_start3A_22, %mul3A_21] : memref<10000x256xf32, #tpu.memory_space<hbm>> -> memref<10000x128xf32, #tpu.memory_space<hbm>>
      tpu.enqueue_indirect_dma source(%dma_start3A_23 : memref<10000x128xf32, #tpu.memory_space<hbm>>) target(%arg9 : memref<200x128xf32, #tpu.memory_space<vmem>>) offsets(%dma_start3A : memref<200xi32, #tpu.memory_space<vmem>>) semaphore(%arg11 : memref<!tpu.dma_semaphore, #tpu.memory_space<semaphore_mem>>)
      %dma_wait3A = tpu.memref_slice %arg7[%mul3A_19] : memref<10000xi32, #tpu.memory_space<vmem>> -> memref<200xi32, #tpu.memory_space<vmem>>
      %dma_wait3A_24 = arith.constant 0 : i32
      %dma_wait3A_25 = tpu.memref_slice %arg2[%dma_wait3A_24, %mul3A_21] : memref<10000x256xf32, #tpu.memory_space<hbm>> -> memref<10000x128xf32, #tpu.memory_space<hbm>>
      tpu.wait_indirect_dma semaphore(%arg11 : memref<!tpu.dma_semaphore, #tpu.memory_space<semaphore_mem>>) src(%dma_wait3A_25 : memref<10000x128xf32, #tpu.memory_space<hbm>>) dst(%arg9 : memref<200x128xf32, #tpu.memory_space<vmem>>)
      %add3A_26 = arith.constant 0 : i32
      %add3A_27 = arith.addi %mul3A_15, %add3A_26 : i32
      %mul3A_28 = arith.constant 200 : i32
      %mul3A_29 = arith.muli %add3A_27, %mul3A_28 : i32
      "tpu.region"() ({
        %run_scoped3A = tpu.sem_alloc : memref<!tpu.dma_semaphore, #tpu.memory_space<semaphore_mem>>
        %dma_start3A_30 = tpu.memref_slice %arg8[%mul3A_29] : memref<10000xi32, #tpu.memory_space<vmem>> -> memref<200xi32, #tpu.memory_space<vmem>>
        %dma_start3A_31 = arith.constant 0 : i32
        %dma_start3A_32 = arith.constant 0 : i32
        %dma_start3A_33 = tpu.memref_slice %arg10[%dma_start3A_31, %dma_start3A_32] : memref<10240x128xf32, #tpu.memory_space<vmem_shared>> -> memref<10240x128xf32, #tpu.memory_space<vmem_shared>>
        tpu.enqueue_indirect_dma source(%arg9 : memref<200x128xf32, #tpu.memory_space<vmem>>) target(%dma_start3A_33 : memref<10240x128xf32, #tpu.memory_space<vmem_shared>>) offsets(%dma_start3A_30 : memref<200xi32, #tpu.memory_space<vmem>>) semaphore(%run_scoped3A : memref<!tpu.dma_semaphore, #tpu.memory_space<semaphore_mem>>) {add = true}
        %dma_wait3A_34 = tpu.memref_slice %arg8[%mul3A_29] : memref<10000xi32, #tpu.memory_space<vmem>> -> memref<200xi32, #tpu.memory_space<vmem>>
        %dma_wait3A_35 = arith.constant 0 : i32
        %dma_wait3A_36 = arith.constant 0 : i32
        %dma_wait3A_37 = tpu.memref_slice %arg10[%dma_wait3A_35, %dma_wait3A_36] : memref<10240x128xf32, #tpu.memory_space<vmem_shared>> -> memref<10240x128xf32, #tpu.memory_space<vmem_shared>>
        tpu.wait_indirect_dma semaphore(%run_scoped3A : memref<!tpu.dma_semaphore, #tpu.memory_space<semaphore_mem>>) src(%arg9 : memref<200x128xf32, #tpu.memory_space<vmem>>) dst(%dma_wait3A_37 : memref<10240x128xf32, #tpu.memory_space<vmem_shared>>)
        tpu.yield
      }) : () -> ()
    }
    %scan3A_5 = arith.constant 50 : i32
    %barrier3A_6 = arith.constant 0 : index
    tpu.barrier barrier_id(%barrier3A_6)
    %mul3A_7 = arith.constant 640 : i32
    %mul3A_8 = arith.muli %arg1, %mul3A_7 : i32
    %mul3A_9 = arith.constant 10240 : i32
    %mul3A_10 = arith.muli %arg0, %mul3A_9 : i32
    %mul3A_11 = arith.constant 640 : i32
    %mul3A_12 = arith.muli %arg1, %mul3A_11 : i32
    %add3A = arith.addi %mul3A_10, %mul3A_12 : i32
    "tpu.region"() ({
      %run_scoped3A = tpu.sem_alloc : memref<!tpu.dma_semaphore, #tpu.memory_space<semaphore_mem>>
      %dma_start3A = arith.constant 0 : i32
      %dma_start3A_13 = tpu.memref_slice %arg6[%add3A, %dma_start3A] : memref<20480x128xf32, #tpu.memory_space<hbm>> -> memref<640x128xf32, #tpu.memory_space<hbm>>
      %dma_start3A_14 = arith.constant 0 : i32
      %dma_start3A_15 = tpu.memref_slice %arg10[%mul3A_8, %dma_start3A_14] : memref<10240x128xf32, #tpu.memory_space<vmem_shared>> -> memref<640x128xf32, #tpu.memory_space<vmem_shared>>
      tpu.enqueue_dma source(%dma_start3A_15 : memref<640x128xf32, #tpu.memory_space<vmem_shared>>) target(%dma_start3A_13 : memref<640x128xf32, #tpu.memory_space<hbm>>) target_semaphore(%run_scoped3A : memref<!tpu.dma_semaphore, #tpu.memory_space<semaphore_mem>>)
      %dma_wait3A = arith.constant 0 : i32
      %dma_wait3A_16 = tpu.memref_slice %arg6[%add3A, %dma_wait3A] : memref<20480x128xf32, #tpu.memory_space<hbm>> -> memref<640x128xf32, #tpu.memory_space<hbm>>
      %dma_wait3A_17 = arith.constant 0 : i32
      %dma_wait3A_18 = tpu.memref_slice %arg10[%mul3A_8, %dma_wait3A_17] : memref<10240x128xf32, #tpu.memory_space<vmem_shared>> -> memref<640x128xf32, #tpu.memory_space<vmem_shared>>
      tpu.wait_dma2 semaphore(%run_scoped3A : memref<!tpu.dma_semaphore, #tpu.memory_space<semaphore_mem>>) src(%dma_wait3A_18 : memref<640x128xf32, #tpu.memory_space<vmem_shared>>) dst(%dma_wait3A_16 : memref<640x128xf32, #tpu.memory_space<hbm>>)
      tpu.yield
    }) : () -> ()
    return
  }
}

module attributes {stable_mosaic.version = 14 : i64} {
  func.func @_mlp1_body(%arg0: i32, %arg1: memref<1000x256xf32, #tpu.memory_space<vmem>>, %arg2: memref<1000x128xf32, #tpu.memory_space<vmem>>, %arg3: memref<1000x128xf32, #tpu.memory_space<vmem>>, %arg4: memref<256x256xf32, #tpu.memory_space<vmem>>, %arg5: memref<1x256xf32, #tpu.memory_space<vmem>>, %arg6: memref<256x256xf32, #tpu.memory_space<vmem>>, %arg7: memref<1x256xf32, #tpu.memory_space<vmem>>, %arg8: memref<1000x256xf32, #tpu.memory_space<vmem>>) attributes {dimension_semantics = [#tpu.dimension_semantics<arbitrary>], iteration_bounds = array<i64: 10>, scalar_prefetch = 0 : i64, scratch_operands = 0 : i64, tpu.core_type = #tpu.core_type<tc>, window_params = [{transform_indices = @transform_0, window_bounds = array<i64: 1000, 256>}, {transform_indices = @transform_1, window_bounds = array<i64: 1000, 128>}, {transform_indices = @transform_2, window_bounds = array<i64: 1000, 128>}, {pipeline_mode = #tpu.pipeline_mode<synchronous>, transform_indices = @transform_3, window_bounds = array<i64: 256, 256>}, {pipeline_mode = #tpu.pipeline_mode<synchronous>, transform_indices = @transform_4, window_bounds = array<i64: 1, 256>}, {pipeline_mode = #tpu.pipeline_mode<synchronous>, transform_indices = @transform_5, window_bounds = array<i64: 256, 256>}, {pipeline_mode = #tpu.pipeline_mode<synchronous>, transform_indices = @transform_6, window_bounds = array<i64: 1, 256>}, {transform_indices = @transform_7, window_bounds = array<i64: 1000, 256>}]} {
    %get3A = arith.constant 0 : index
    %get3A_0 = arith.constant 0 : index
    %get3A_1 = vector.load %arg1[%get3A, %get3A_0] : memref<1000x256xf32, #tpu.memory_space<vmem>>, vector<1000x256xf32>
    %get3A_2 = arith.constant 0 : index
    %get3A_3 = arith.constant 0 : index
    %get3A_4 = vector.load %arg2[%get3A_2, %get3A_3] : memref<1000x128xf32, #tpu.memory_space<vmem>>, vector<1000x128xf32>
    %get3A_5 = arith.constant 0 : index
    %get3A_6 = arith.constant 0 : index
    %get3A_7 = vector.load %arg3[%get3A_5, %get3A_6] : memref<1000x128xf32, #tpu.memory_space<vmem>>, vector<1000x128xf32>
    %concatenate3A = tpu.concatenate %get3A_4, %get3A_7 in 1 : vector<1000x128xf32>, vector<1000x128xf32> -> vector<1000x256xf32>
    %add3A = arith.addf %get3A_1, %concatenate3A : vector<1000x256xf32>
    %get3A_8 = arith.constant 0 : index
    %get3A_9 = arith.constant 0 : index
    %get3A_10 = vector.load %arg4[%get3A_8, %get3A_9] : memref<256x256xf32, #tpu.memory_space<vmem>>, vector<256x256xf32>
    %dot_general3A = arith.constant dense<0.000000e+00> : vector<1000x256xf32>
    %dot_general3A_11 = tpu.matmul %add3A, %get3A_10, %dot_general3A {dimension_numbers = #tpu.dot_dimension_numbers<[1], [0], [0], [1], [0, 0, 1, 1], [], []>, transpose_lhs_hint = false} : vector<1000x256xf32>, vector<256x256xf32>, vector<1000x256xf32> -> vector<1000x256xf32>
    %get3A_12 = arith.constant 0 : index
    %get3A_13 = arith.constant 0 : index
    %get3A_14 = vector.load %arg5[%get3A_12, %get3A_13] : memref<1x256xf32, #tpu.memory_space<vmem>>, vector<1x256xf32>
    %add3A_15 = vector.broadcast %get3A_14 : vector<1x256xf32> to vector<1000x256xf32>
    %add3A_16 = arith.addf %dot_general3A_11, %add3A_15 : vector<1000x256xf32>
    %max3A = arith.constant 0.000000e+00 : f32
    %max3A_17 = vector.broadcast %max3A : f32 to vector<1000x256xf32>
    %max3A_18 = arith.maximumf %add3A_16, %max3A_17 : vector<1000x256xf32>
    %get3A_19 = arith.constant 0 : index
    %get3A_20 = arith.constant 0 : index
    %get3A_21 = vector.load %arg6[%get3A_19, %get3A_20] : memref<256x256xf32, #tpu.memory_space<vmem>>, vector<256x256xf32>
    %dot_general3A_22 = arith.constant dense<0.000000e+00> : vector<1000x256xf32>
    %dot_general3A_23 = tpu.matmul %max3A_18, %get3A_21, %dot_general3A_22 {dimension_numbers = #tpu.dot_dimension_numbers<[1], [0], [0], [1], [0, 0, 1, 1], [], []>, transpose_lhs_hint = false} : vector<1000x256xf32>, vector<256x256xf32>, vector<1000x256xf32> -> vector<1000x256xf32>
    %get3A_24 = arith.constant 0 : index
    %get3A_25 = arith.constant 0 : index
    %get3A_26 = vector.load %arg7[%get3A_24, %get3A_25] : memref<1x256xf32, #tpu.memory_space<vmem>>, vector<1x256xf32>
    %add3A_27 = vector.broadcast %get3A_26 : vector<1x256xf32> to vector<1000x256xf32>
    %add3A_28 = arith.addf %dot_general3A_23, %add3A_27 : vector<1000x256xf32>
    %max3A_29 = arith.constant 0.000000e+00 : f32
    %max3A_30 = vector.broadcast %max3A_29 : f32 to vector<1000x256xf32>
    %max3A_31 = arith.maximumf %add3A_28, %max3A_30 : vector<1000x256xf32>
    %swap3A = arith.constant 0 : index
    %swap3A_32 = arith.constant 0 : index
    %swap3A_33 = vector.load %arg8[%swap3A, %swap3A_32] : memref<1000x256xf32, #tpu.memory_space<vmem>>, vector<1000x256xf32>
    tpu.vector_store %arg8[%swap3A, %swap3A_32], %max3A_31 {strides = array<i32>} : memref<1000x256xf32, #tpu.memory_space<vmem>>, vector<1000x256xf32>,
    return
  }
  func.func @transform_0(%arg0: i32) -> (i32, i32) {
    %c0_i32 = arith.constant 0 : i32
    %c0_i32_0 = arith.constant 0 : i32
    return %arg0, %c0_i32 : i32, i32
  }
  func.func @transform_1(%arg0: i32) -> (i32, i32) {
    %c0_i32 = arith.constant 0 : i32
    %c0_i32_0 = arith.constant 0 : i32
    return %arg0, %c0_i32 : i32, i32
  }
  func.func @transform_2(%arg0: i32) -> (i32, i32) {
    %c0_i32 = arith.constant 0 : i32
    %c0_i32_0 = arith.constant 0 : i32
    return %arg0, %c0_i32 : i32, i32
  }
  func.func @transform_3(%arg0: i32) -> (i32, i32) {
    %c0_i32 = arith.constant 0 : i32
    %c0_i32_0 = arith.constant 0 : i32
    %c0_i32_1 = arith.constant 0 : i32
    return %c0_i32, %c0_i32_0 : i32, i32
  }
  func.func @transform_4(%arg0: i32) -> (i32, i32) {
    %c0_i32 = arith.constant 0 : i32
    %c0_i32_0 = arith.constant 0 : i32
    %c0_i32_1 = arith.constant 0 : i32
    return %c0_i32, %c0_i32_0 : i32, i32
  }
  func.func @transform_5(%arg0: i32) -> (i32, i32) {
    %c0_i32 = arith.constant 0 : i32
    %c0_i32_0 = arith.constant 0 : i32
    %c0_i32_1 = arith.constant 0 : i32
    return %c0_i32, %c0_i32_0 : i32, i32
  }
  func.func @transform_6(%arg0: i32) -> (i32, i32) {
    %c0_i32 = arith.constant 0 : i32
    %c0_i32_0 = arith.constant 0 : i32
    %c0_i32_1 = arith.constant 0 : i32
    return %c0_i32, %c0_i32_0 : i32, i32
  }
  func.func @transform_7(%arg0: i32) -> (i32, i32) {
    %c0_i32 = arith.constant 0 : i32
    %c0_i32_0 = arith.constant 0 : i32
    return %arg0, %c0_i32 : i32, i32
  }
}

module attributes {stable_mosaic.version = 14 : i64} {
  func.func @_l2_body(%arg0: i32, %arg1: memref<1000x256xf32, #tpu.memory_space<vmem>>, %arg2: memref<1000x128xf32, #tpu.memory_space<vmem>>, %arg3: memref<1000x128xf32, #tpu.memory_space<vmem>>, %arg4: memref<256x256xf32, #tpu.memory_space<vmem>>, %arg5: memref<1x256xf32, #tpu.memory_space<vmem>>, %arg6: memref<256x128xf32, #tpu.memory_space<vmem>>, %arg7: memref<1x128xf32, #tpu.memory_space<vmem>>, %arg8: memref<256x256xf32, #tpu.memory_space<vmem>>, %arg9: memref<1000x128xf32, #tpu.memory_space<vmem>>, %arg10: memref<1000x256xi32, #tpu.memory_space<vmem>>, %arg11: memref<1000x256xi32, #tpu.memory_space<vmem>>) attributes {dimension_semantics = [#tpu.dimension_semantics<arbitrary>], iteration_bounds = array<i64: 10>, scalar_prefetch = 0 : i64, scratch_operands = 0 : i64, tpu.core_type = #tpu.core_type<tc>, window_params = [{transform_indices = @transform_0, window_bounds = array<i64: 1000, 256>}, {transform_indices = @transform_1, window_bounds = array<i64: 1000, 128>}, {transform_indices = @transform_2, window_bounds = array<i64: 1000, 128>}, {pipeline_mode = #tpu.pipeline_mode<synchronous>, transform_indices = @transform_3, window_bounds = array<i64: 256, 256>}, {pipeline_mode = #tpu.pipeline_mode<synchronous>, transform_indices = @transform_4, window_bounds = array<i64: 1, 256>}, {pipeline_mode = #tpu.pipeline_mode<synchronous>, transform_indices = @transform_5, window_bounds = array<i64: 256, 128>}, {pipeline_mode = #tpu.pipeline_mode<synchronous>, transform_indices = @transform_6, window_bounds = array<i64: 1, 128>}, {pipeline_mode = #tpu.pipeline_mode<synchronous>, transform_indices = @transform_7, window_bounds = array<i64: 256, 256>}, {transform_indices = @transform_8, window_bounds = array<i64: 1000, 128>}, {transform_indices = @transform_9, window_bounds = array<i64: 1000, 256>}, {transform_indices = @transform_10, window_bounds = array<i64: 1000, 256>}]} {
    %get3A = arith.constant 0 : index
    %get3A_0 = arith.constant 0 : index
    %get3A_1 = vector.load %arg1[%get3A, %get3A_0] : memref<1000x256xf32, #tpu.memory_space<vmem>>, vector<1000x256xf32>
    %get3A_2 = arith.constant 0 : index
    %get3A_3 = arith.constant 0 : index
    %get3A_4 = vector.load %arg2[%get3A_2, %get3A_3] : memref<1000x128xf32, #tpu.memory_space<vmem>>, vector<1000x128xf32>
    %get3A_5 = arith.constant 0 : index
    %get3A_6 = arith.constant 0 : index
    %get3A_7 = vector.load %arg3[%get3A_5, %get3A_6] : memref<1000x128xf32, #tpu.memory_space<vmem>>, vector<1000x128xf32>
    %concatenate3A = tpu.concatenate %get3A_4, %get3A_7 in 1 : vector<1000x128xf32>, vector<1000x128xf32> -> vector<1000x256xf32>
    %add3A = arith.addf %get3A_1, %concatenate3A : vector<1000x256xf32>
    %get3A_8 = arith.constant 0 : index
    %get3A_9 = arith.constant 0 : index
    %get3A_10 = vector.load %arg4[%get3A_8, %get3A_9] : memref<256x256xf32, #tpu.memory_space<vmem>>, vector<256x256xf32>
    %dot_general3A = arith.constant dense<0.000000e+00> : vector<1000x256xf32>
    %dot_general3A_11 = tpu.matmul %add3A, %get3A_10, %dot_general3A {dimension_numbers = #tpu.dot_dimension_numbers<[1], [0], [0], [1], [0, 0, 1, 1], [], []>, transpose_lhs_hint = false} : vector<1000x256xf32>, vector<256x256xf32>, vector<1000x256xf32> -> vector<1000x256xf32>
    %get3A_12 = arith.constant 0 : index
    %get3A_13 = arith.constant 0 : index
    %get3A_14 = vector.load %arg5[%get3A_12, %get3A_13] : memref<1x256xf32, #tpu.memory_space<vmem>>, vector<1x256xf32>
    %add3A_15 = vector.broadcast %get3A_14 : vector<1x256xf32> to vector<1000x256xf32>
    %add3A_16 = arith.addf %dot_general3A_11, %add3A_15 : vector<1000x256xf32>
    %max3A = arith.constant 0.000000e+00 : f32
    %max3A_17 = vector.broadcast %max3A : f32 to vector<1000x256xf32>
    %max3A_18 = arith.maximumf %add3A_16, %max3A_17 : vector<1000x256xf32>
    %get3A_19 = arith.constant 0 : index
    %get3A_20 = arith.constant 0 : index
    %get3A_21 = vector.load %arg6[%get3A_19, %get3A_20] : memref<256x128xf32, #tpu.memory_space<vmem>>, vector<256x128xf32>
    %dot_general3A_22 = arith.constant dense<0.000000e+00> : vector<1000x128xf32>
    %dot_general3A_23 = tpu.matmul %max3A_18, %get3A_21, %dot_general3A_22 {dimension_numbers = #tpu.dot_dimension_numbers<[1], [0], [0], [1], [0, 0, 1, 1], [], []>, transpose_lhs_hint = false} : vector<1000x256xf32>, vector<256x128xf32>, vector<1000x128xf32> -> vector<1000x128xf32>
    %get3A_24 = arith.constant 0 : index
    %get3A_25 = arith.constant 0 : index
    %get3A_26 = vector.load %arg7[%get3A_24, %get3A_25] : memref<1x128xf32, #tpu.memory_space<vmem>>, vector<1x128xf32>
    %add3A_27 = vector.broadcast %get3A_26 : vector<1x128xf32> to vector<1000x128xf32>
    %add3A_28 = arith.addf %dot_general3A_23, %add3A_27 : vector<1000x128xf32>
    %swap3A = arith.constant 0 : index
    %swap3A_29 = arith.constant 0 : index
    %swap3A_30 = vector.load %arg9[%swap3A, %swap3A_29] : memref<1000x128xf32, #tpu.memory_space<vmem>>, vector<1000x128xf32>
    tpu.vector_store %arg9[%swap3A, %swap3A_29], %add3A_28 {strides = array<i32>} : memref<1000x128xf32, #tpu.memory_space<vmem>>, vector<1000x128xf32>,
    %get3A_31 = arith.constant 0 : index
    %get3A_32 = arith.constant 0 : index
    %get3A_33 = vector.load %arg8[%get3A_31, %get3A_32] : memref<256x256xf32, #tpu.memory_space<vmem>>, vector<256x256xf32>
    %slice3A = vector.extract_strided_slice %get3A_33 {offsets = [0, 0], sizes = [128, 256], strides = [1, 1]} : vector<256x256xf32> to vector<128x256xf32>
    %dot_general3A_34 = arith.constant dense<0.000000e+00> : vector<1000x256xf32>
    %dot_general3A_35 = tpu.matmul %add3A_28, %slice3A, %dot_general3A_34 {dimension_numbers = #tpu.dot_dimension_numbers<[1], [0], [0], [1], [0, 0, 1, 1], [], []>, transpose_lhs_hint = false} : vector<1000x128xf32>, vector<128x256xf32>, vector<1000x256xf32> -> vector<1000x256xf32>
    %slice3A_36 = vector.extract_strided_slice %get3A_33 {offsets = [128, 0], sizes = [128, 256], strides = [1, 1]} : vector<256x256xf32> to vector<128x256xf32>
    %dot_general3A_37 = arith.constant dense<0.000000e+00> : vector<1000x256xf32>
    %dot_general3A_38 = tpu.matmul %add3A_28, %slice3A_36, %dot_general3A_37 {dimension_numbers = #tpu.dot_dimension_numbers<[1], [0], [0], [1], [0, 0, 1, 1], [], []>, transpose_lhs_hint = false} : vector<1000x128xf32>, vector<128x256xf32>, vector<1000x256xf32> -> vector<1000x256xf32>
    %bitcast_convert_type3A = tpu.bitcast %dot_general3A_35 : vector<1000x256xf32> -> vector<1000x256xi32>
    %add3A_39 = arith.constant 32768 : i32
    %add3A_40 = vector.broadcast %add3A_39 : i32 to vector<1000x256xi32>
    %add3A_41 = arith.addi %bitcast_convert_type3A, %add3A_40 : vector<1000x256xi32>
    %slice3A_42 = vector.extract_strided_slice %add3A_41 {offsets = [0, 0], sizes = [1000, 128], strides = [1, 1]} : vector<1000x256xi32> to vector<1000x128xi32>
    %shift_right_logical3A = arith.constant 16 : i32
    %shift_right_logical3A_43 = vector.broadcast %shift_right_logical3A : i32 to vector<1000x128xi32>
    %shift_right_logical3A_44 = arith.shrui %slice3A_42, %shift_right_logical3A_43 : vector<1000x128xi32>
    %slice3A_45 = vector.extract_strided_slice %add3A_41 {offsets = [0, 128], sizes = [1000, 128], strides = [1, 1]} : vector<1000x256xi32> to vector<1000x128xi32>
    %and3A = arith.constant -65536 : i32
    %and3A_46 = vector.broadcast %and3A : i32 to vector<1000x128xi32>
    %and3A_47 = arith.andi %slice3A_45, %and3A_46 : vector<1000x128xi32>
    %or3A = arith.ori %shift_right_logical3A_44, %and3A_47 : vector<1000x128xi32>
    %bitcast_convert_type3A_48 = tpu.bitcast %add3A_28 : vector<1000x128xf32> -> vector<1000x128xi32>
    %concatenate3A_49 = tpu.concatenate %or3A, %bitcast_convert_type3A_48 in 1 : vector<1000x128xi32>, vector<1000x128xi32> -> vector<1000x256xi32>
    %swap3A_50 = arith.constant 0 : index
    %swap3A_51 = arith.constant 0 : index
    %swap3A_52 = vector.load %arg10[%swap3A_50, %swap3A_51] : memref<1000x256xi32, #tpu.memory_space<vmem>>, vector<1000x256xi32>
    tpu.vector_store %arg10[%swap3A_50, %swap3A_51], %concatenate3A_49 {strides = array<i32>} : memref<1000x256xi32, #tpu.memory_space<vmem>>, vector<1000x256xi32>,
    %bitcast_convert_type3A_53 = tpu.bitcast %dot_general3A_38 : vector<1000x256xf32> -> vector<1000x256xi32>
    %add3A_54 = arith.constant 32768 : i32
    %add3A_55 = vector.broadcast %add3A_54 : i32 to vector<1000x256xi32>
    %add3A_56 = arith.addi %bitcast_convert_type3A_53, %add3A_55 : vector<1000x256xi32>
    %slice3A_57 = vector.extract_strided_slice %add3A_56 {offsets = [0, 0], sizes = [1000, 128], strides = [1, 1]} : vector<1000x256xi32> to vector<1000x128xi32>
    %shift_right_logical3A_58 = arith.constant 16 : i32
    %shift_right_logical3A_59 = vector.broadcast %shift_right_logical3A_58 : i32 to vector<1000x128xi32>
    %shift_right_logical3A_60 = arith.shrui %slice3A_57, %shift_right_logical3A_59 : vector<1000x128xi32>
    %slice3A_61 = vector.extract_strided_slice %add3A_56 {offsets = [0, 128], sizes = [1000, 128], strides = [1, 1]} : vector<1000x256xi32> to vector<1000x128xi32>
    %and3A_62 = arith.constant -65536 : i32
    %and3A_63 = vector.broadcast %and3A_62 : i32 to vector<1000x128xi32>
    %and3A_64 = arith.andi %slice3A_61, %and3A_63 : vector<1000x128xi32>
    %or3A_65 = arith.ori %shift_right_logical3A_60, %and3A_64 : vector<1000x128xi32>
    %bitcast_convert_type3A_66 = tpu.bitcast %add3A_28 : vector<1000x128xf32> -> vector<1000x128xi32>
    %concatenate3A_67 = tpu.concatenate %or3A_65, %bitcast_convert_type3A_66 in 1 : vector<1000x128xi32>, vector<1000x128xi32> -> vector<1000x256xi32>
    %swap3A_68 = arith.constant 0 : index
    %swap3A_69 = arith.constant 0 : index
    %swap3A_70 = vector.load %arg11[%swap3A_68, %swap3A_69] : memref<1000x256xi32, #tpu.memory_space<vmem>>, vector<1000x256xi32>
    tpu.vector_store %arg11[%swap3A_68, %swap3A_69], %concatenate3A_67 {strides = array<i32>} : memref<1000x256xi32, #tpu.memory_space<vmem>>, vector<1000x256xi32>,
    return
  }
  func.func @transform_0(%arg0: i32) -> (i32, i32) {
    %c0_i32 = arith.constant 0 : i32
    %c0_i32_0 = arith.constant 0 : i32
    return %arg0, %c0_i32 : i32, i32
  }
  func.func @transform_1(%arg0: i32) -> (i32, i32) {
    %c0_i32 = arith.constant 0 : i32
    %c0_i32_0 = arith.constant 0 : i32
    return %arg0, %c0_i32 : i32, i32
  }
  func.func @transform_2(%arg0: i32) -> (i32, i32) {
    %c0_i32 = arith.constant 0 : i32
    %c0_i32_0 = arith.constant 0 : i32
    return %arg0, %c0_i32 : i32, i32
  }
  func.func @transform_3(%arg0: i32) -> (i32, i32) {
    %c0_i32 = arith.constant 0 : i32
    %c0_i32_0 = arith.constant 0 : i32
    %c0_i32_1 = arith.constant 0 : i32
    return %c0_i32, %c0_i32_0 : i32, i32
  }
  func.func @transform_4(%arg0: i32) -> (i32, i32) {
    %c0_i32 = arith.constant 0 : i32
    %c0_i32_0 = arith.constant 0 : i32
    %c0_i32_1 = arith.constant 0 : i32
    return %c0_i32, %c0_i32_0 : i32, i32
  }
  func.func @transform_5(%arg0: i32) -> (i32, i32) {
    %c0_i32 = arith.constant 0 : i32
    %c0_i32_0 = arith.constant 0 : i32
    %c0_i32_1 = arith.constant 0 : i32
    return %c0_i32, %c0_i32_0 : i32, i32
  }
  func.func @transform_6(%arg0: i32) -> (i32, i32) {
    %c0_i32 = arith.constant 0 : i32
    %c0_i32_0 = arith.constant 0 : i32
    %c0_i32_1 = arith.constant 0 : i32
    return %c0_i32, %c0_i32_0 : i32, i32
  }
  func.func @transform_7(%arg0: i32) -> (i32, i32) {
    %c0_i32 = arith.constant 0 : i32
    %c0_i32_0 = arith.constant 0 : i32
    %c0_i32_1 = arith.constant 0 : i32
    return %c0_i32, %c0_i32_0 : i32, i32
  }
  func.func @transform_8(%arg0: i32) -> (i32, i32) {
    %c0_i32 = arith.constant 0 : i32
    %c0_i32_0 = arith.constant 0 : i32
    return %arg0, %c0_i32 : i32, i32
  }
  func.func @transform_9(%arg0: i32) -> (i32, i32) {
    %c0_i32 = arith.constant 0 : i32
    %c0_i32_0 = arith.constant 0 : i32
    return %arg0, %c0_i32 : i32, i32
  }
  func.func @transform_10(%arg0: i32) -> (i32, i32) {
    %c0_i32 = arith.constant 0 : i32
    %c0_i32_0 = arith.constant 0 : i32
    return %arg0, %c0_i32 : i32, i32
  }
}

module attributes {stable_mosaic.version = 14 : i64} {
  func.func @_edge_body(%arg0: i32, %arg1: memref<2000x256xi32, #tpu.memory_space<vmem>>, %arg2: memref<2000x256xi32, #tpu.memory_space<vmem>>, %arg3: memref<2000x1xf32, #tpu.memory_space<vmem>>, %arg4: memref<2000x16xf32, #tpu.memory_space<vmem>>, %arg5: memref<256x16xf32, #tpu.memory_space<vmem>>, %arg6: memref<1x256xf32, #tpu.memory_space<vmem>>, %arg7: memref<1x16xf32, #tpu.memory_space<vmem>>, %arg8: memref<2000x1xf32, #tpu.memory_space<vmem>>, %arg9: memref<2000x1xf32, #tpu.memory_space<vmem>>, %arg10: memref<2000x16xf32, #tpu.memory_space<vmem>>, %arg11: memref<1x1xf32, #tpu.memory_space<vmem>>, %arg12: memref<1x1xf32, #tpu.memory_space<vmem>>, %arg13: memref<1x1xf32, #tpu.memory_space<vmem>>, %arg14: memref<3xf32, #tpu.memory_space<smem>>) attributes {dimension_semantics = [#tpu.dimension_semantics<arbitrary>], iteration_bounds = array<i64: 80>, scalar_prefetch = 0 : i64, scratch_operands = 1 : i64, tpu.core_type = #tpu.core_type<tc>, window_params = [{transform_indices = @transform_0, window_bounds = array<i64: 2000, 256>}, {transform_indices = @transform_1, window_bounds = array<i64: 2000, 256>}, {transform_indices = @transform_2, window_bounds = array<i64: 2000, 1>}, {transform_indices = @transform_3, window_bounds = array<i64: 2000, 16>}, {pipeline_mode = #tpu.pipeline_mode<synchronous>, transform_indices = @transform_4, window_bounds = array<i64: 256, 16>}, {pipeline_mode = #tpu.pipeline_mode<synchronous>, transform_indices = @transform_5, window_bounds = array<i64: 1, 256>}, {pipeline_mode = #tpu.pipeline_mode<synchronous>, transform_indices = @transform_6, window_bounds = array<i64: 1, 16>}, {transform_indices = @transform_7, window_bounds = array<i64: 2000, 1>}, {transform_indices = @transform_8, window_bounds = array<i64: 2000, 1>}, {transform_indices = @transform_9, window_bounds = array<i64: 2000, 16>}, {pipeline_mode = #tpu.pipeline_mode<synchronous>, transform_indices = @transform_10, window_bounds = array<i64: 1, 1>}, {pipeline_mode = #tpu.pipeline_mode<synchronous>, transform_indices = @transform_11, window_bounds = array<i64: 1, 1>}, {pipeline_mode = #tpu.pipeline_mode<synchronous>, transform_indices = @transform_12, window_bounds = array<i64: 1, 1>}]} {
    %get3A = arith.constant 0 : index
    %get3A_0 = arith.constant 0 : index
    %get3A_1 = vector.load %arg1[%get3A, %get3A_0] : memref<2000x256xi32, #tpu.memory_space<vmem>>, vector<2000x256xi32>
    %slice3A = vector.extract_strided_slice %get3A_1 {offsets = [0, 0], sizes = [2000, 128], strides = [1, 1]} : vector<2000x256xi32> to vector<2000x128xi32>
    %shift_left3A = arith.constant 16 : i32
    %shift_left3A_2 = vector.broadcast %shift_left3A : i32 to vector<2000x128xi32>
    %shift_left3A_3 = arith.shli %slice3A, %shift_left3A_2 : vector<2000x128xi32>
    %bitcast_convert_type3A = tpu.bitcast %shift_left3A_3 : vector<2000x128xi32> -> vector<2000x128xf32>
    %and3A = arith.constant -65536 : i32
    %and3A_4 = vector.broadcast %and3A : i32 to vector<2000x128xi32>
    %and3A_5 = arith.andi %slice3A, %and3A_4 : vector<2000x128xi32>
    %bitcast_convert_type3A_6 = tpu.bitcast %and3A_5 : vector<2000x128xi32> -> vector<2000x128xf32>
    %slice3A_7 = vector.extract_strided_slice %get3A_1 {offsets = [0, 128], sizes = [2000, 128], strides = [1, 1]} : vector<2000x256xi32> to vector<2000x128xi32>
    %bitcast_convert_type3A_8 = tpu.bitcast %slice3A_7 : vector<2000x128xi32> -> vector<2000x128xf32>
    %concatenate3A = tpu.concatenate %bitcast_convert_type3A, %bitcast_convert_type3A_6 in 1 : vector<2000x128xf32>, vector<2000x128xf32> -> vector<2000x256xf32>
    %get3A_9 = arith.constant 0 : index
    %get3A_10 = arith.constant 0 : index
    %get3A_11 = vector.load %arg2[%get3A_9, %get3A_10] : memref<2000x256xi32, #tpu.memory_space<vmem>>, vector<2000x256xi32>
    %slice3A_12 = vector.extract_strided_slice %get3A_11 {offsets = [0, 0], sizes = [2000, 128], strides = [1, 1]} : vector<2000x256xi32> to vector<2000x128xi32>
    %shift_left3A_13 = arith.constant 16 : i32
    %shift_left3A_14 = vector.broadcast %shift_left3A_13 : i32 to vector<2000x128xi32>
    %shift_left3A_15 = arith.shli %slice3A_12, %shift_left3A_14 : vector<2000x128xi32>
    %bitcast_convert_type3A_16 = tpu.bitcast %shift_left3A_15 : vector<2000x128xi32> -> vector<2000x128xf32>
    %and3A_17 = arith.constant -65536 : i32
    %and3A_18 = vector.broadcast %and3A_17 : i32 to vector<2000x128xi32>
    %and3A_19 = arith.andi %slice3A_12, %and3A_18 : vector<2000x128xi32>
    %bitcast_convert_type3A_20 = tpu.bitcast %and3A_19 : vector<2000x128xi32> -> vector<2000x128xf32>
    %slice3A_21 = vector.extract_strided_slice %get3A_11 {offsets = [0, 128], sizes = [2000, 128], strides = [1, 1]} : vector<2000x256xi32> to vector<2000x128xi32>
    %bitcast_convert_type3A_22 = tpu.bitcast %slice3A_21 : vector<2000x128xi32> -> vector<2000x128xf32>
    %concatenate3A_23 = tpu.concatenate %bitcast_convert_type3A_16, %bitcast_convert_type3A_20 in 1 : vector<2000x128xf32>, vector<2000x128xf32> -> vector<2000x256xf32>
    %add3A = arith.addf %concatenate3A, %concatenate3A_23 : vector<2000x256xf32>
    %get3A_24 = arith.constant 0 : index
    %get3A_25 = arith.constant 0 : index
    %get3A_26 = vector.load %arg6[%get3A_24, %get3A_25] : memref<1x256xf32, #tpu.memory_space<vmem>>, vector<1x256xf32>
    %add3A_27 = vector.broadcast %get3A_26 : vector<1x256xf32> to vector<2000x256xf32>
    %add3A_28 = arith.addf %add3A, %add3A_27 : vector<2000x256xf32>
    %max3A = arith.constant 0.000000e+00 : f32
    %max3A_29 = vector.broadcast %max3A : f32 to vector<2000x256xf32>
    %max3A_30 = arith.maximumf %add3A_28, %max3A_29 : vector<2000x256xf32>
    %get3A_31 = arith.constant 0 : index
    %get3A_32 = arith.constant 0 : index
    %get3A_33 = vector.load %arg5[%get3A_31, %get3A_32] : memref<256x16xf32, #tpu.memory_space<vmem>>, vector<256x16xf32>
    %dot_general3A = arith.constant dense<0.000000e+00> : vector<2000x16xf32>
    %dot_general3A_34 = tpu.matmul %max3A_30, %get3A_33, %dot_general3A {dimension_numbers = #tpu.dot_dimension_numbers<[1], [0], [0], [1], [0, 0, 1, 1], [], []>, transpose_lhs_hint = false} : vector<2000x256xf32>, vector<256x16xf32>, vector<2000x16xf32> -> vector<2000x16xf32>
    %get3A_35 = arith.constant 0 : index
    %get3A_36 = arith.constant 0 : index
    %get3A_37 = vector.load %arg7[%get3A_35, %get3A_36] : memref<1x16xf32, #tpu.memory_space<vmem>>, vector<1x16xf32>
    %add3A_38 = vector.broadcast %get3A_37 : vector<1x16xf32> to vector<2000x16xf32>
    %add3A_39 = arith.addf %dot_general3A_34, %add3A_38 : vector<2000x16xf32>
    %swap3A = arith.constant 0 : index
    %swap3A_40 = arith.constant 0 : index
    %swap3A_41 = vector.load %arg10[%swap3A, %swap3A_40] : memref<2000x16xf32, #tpu.memory_space<vmem>>, vector<2000x16xf32>
    tpu.vector_store %arg10[%swap3A, %swap3A_40], %add3A_39 {strides = array<i32>} : memref<2000x16xf32, #tpu.memory_space<vmem>>, vector<2000x16xf32>,
    %sub3A = arith.subf %bitcast_convert_type3A_8, %bitcast_convert_type3A_22 : vector<2000x128xf32>
    %iota3A = tpu.iota {dimensions = array<i32: 1>} : vector<2000x128xi32>
    %lt3A = arith.constant 127 : i32
    %lt3A_42 = vector.broadcast %lt3A : i32 to vector<2000x128xi32>
    %lt3A_43 = arith.cmpi slt, %iota3A, %lt3A_42 : vector<2000x128xi32>
    %mul3A = arith.mulf %sub3A, %sub3A : vector<2000x128xf32>
    %jit3A = arith.constant 0.000000e+00 : f32
    %broadcast_in_dim3A = vector.broadcast %jit3A : f32 to vector<2000x128xf32>
    %select_n3A = arith.select %lt3A_43, %mul3A, %broadcast_in_dim3A : vector<2000x128xi1>, vector<2000x128xf32>
    %reduce_sum3A = arith.constant dense<0.000000e+00> : vector<2000xf32>
    %reduce_sum3A_44 = vector.multi_reduction <add>, %select_n3A, %reduce_sum3A [1] : vector<2000x128xf32> to vector<2000xf32>
    %broadcast_in_dim3A_45 = vector.shape_cast %reduce_sum3A_44 : vector<2000xf32> to vector<2000x1xf32>
    %slice3A_46 = vector.extract_strided_slice %bitcast_convert_type3A_22 {offsets = [0, 127], sizes = [2000, 1], strides = [1, 1]} : vector<2000x128xf32> to vector<2000x1xf32>
    %add3A_47 = arith.constant 9.99999993E-9 : f32
    %add3A_48 = vector.broadcast %add3A_47 : f32 to vector<2000x1xf32>
    %add3A_49 = arith.addf %broadcast_in_dim3A_45, %add3A_48 : vector<2000x1xf32>
    %log3A = math.log %add3A_49 : vector<2000x1xf32>
    %sub3A_50 = arith.subf %slice3A_46, %log3A : vector<2000x1xf32>
    %swap3A_51 = arith.constant 0 : index
    %swap3A_52 = arith.constant 0 : index
    %swap3A_53 = vector.load %arg8[%swap3A_51, %swap3A_52] : memref<2000x1xf32, #tpu.memory_space<vmem>>, vector<2000x1xf32>
    tpu.vector_store %arg8[%swap3A_51, %swap3A_52], %sub3A_50 {strides = array<i32>} : memref<2000x1xf32, #tpu.memory_space<vmem>>, vector<2000x1xf32>,
    %logistic3A = arith.negf %sub3A_50 : vector<2000x1xf32>
    %logistic3A_54 = math.exp %logistic3A : vector<2000x1xf32>
    %logistic3A_55 = arith.constant 1.000000e+00 : f32
    %logistic3A_56 = vector.broadcast %logistic3A_55 : f32 to vector<2000x1xf32>
    %logistic3A_57 = arith.addf %logistic3A_56, %logistic3A_54 : vector<2000x1xf32>
    %logistic3A_58 = arith.divf %logistic3A_56, %logistic3A_57 : vector<2000x1xf32>
    %swap3A_59 = arith.constant 0 : index
    %swap3A_60 = arith.constant 0 : index
    %swap3A_61 = vector.load %arg9[%swap3A_59, %swap3A_60] : memref<2000x1xf32, #tpu.memory_space<vmem>>, vector<2000x1xf32>
    tpu.vector_store %arg9[%swap3A_59, %swap3A_60], %logistic3A_58 {strides = array<i32>} : memref<2000x1xf32, #tpu.memory_space<vmem>>, vector<2000x1xf32>,
    %get3A_62 = arith.constant 0 : index
    %get3A_63 = arith.constant 0 : index
    %get3A_64 = vector.load %arg3[%get3A_62, %get3A_63] : memref<2000x1xf32, #tpu.memory_space<vmem>>, vector<2000x1xf32>
    %max3A_65 = arith.constant 0.000000e+00 : f32
    %max3A_66 = vector.broadcast %max3A_65 : f32 to vector<2000x1xf32>
    %max3A_67 = arith.maximumf %sub3A_50, %max3A_66 : vector<2000x1xf32>
    %mul3A_68 = arith.mulf %sub3A_50, %get3A_64 : vector<2000x1xf32>
    %sub3A_69 = arith.subf %max3A_67, %mul3A_68 : vector<2000x1xf32>
    %abs3A = math.absf %sub3A_50 : vector<2000x1xf32>
    %neg3A = arith.constant 0.000000e+00 : f32
    %neg3A_70 = vector.broadcast %neg3A : f32 to vector<2000x1xf32>
    %neg3A_71 = arith.subf %neg3A_70, %abs3A : vector<2000x1xf32>
    %exp3A = math.exp %neg3A_71 : vector<2000x1xf32>
    %log1p3A = math.log1p %exp3A : vector<2000x1xf32>
    %add3A_72 = arith.addf %sub3A_69, %log1p3A : vector<2000x1xf32>
    %reduce_sum3A_73 = vector.shape_cast %add3A_72 : vector<2000x1xf32> to vector<1x2000x1xf32>
    %reduce_sum3A_74 = arith.constant dense<0.000000e+00> : vector<1xf32>
    %reduce_sum3A_75 = vector.multi_reduction <add>, %reduce_sum3A_73, %reduce_sum3A_74 [1, 2] : vector<1x2000x1xf32> to vector<1xf32>
    %reduce_sum3A_76 = vector.shape_cast %reduce_sum3A_75 : vector<1xf32> to vector<1x1x1xf32>
    %reduce_sum3A_77 = vector.extract %reduce_sum3A_76[0, 0, 0] : f32 from vector<1x1x1xf32>
    %get3A_78 = arith.constant 0 : index
    %get3A_79 = arith.constant 0 : index
    %get3A_80 = vector.load %arg4[%get3A_78, %get3A_79] : memref<2000x16xf32, #tpu.memory_space<vmem>>, vector<2000x16xf32>
    %sub3A_81 = arith.subf %add3A_39, %get3A_80 : vector<2000x16xf32>
    %integer_pow3A = arith.mulf %sub3A_81, %sub3A_81 : vector<2000x16xf32>
    %mul3A_82 = vector.broadcast %get3A_64 : vector<2000x1xf32> to vector<2000x16xf32>
    %mul3A_83 = arith.mulf %integer_pow3A, %mul3A_82 : vector<2000x16xf32>
    %reduce_sum3A_84 = vector.shape_cast %mul3A_83 : vector<2000x16xf32> to vector<1x2000x16xf32>
    %reduce_sum3A_85 = arith.constant dense<0.000000e+00> : vector<1xf32>
    %reduce_sum3A_86 = vector.multi_reduction <add>, %reduce_sum3A_84, %reduce_sum3A_85 [1, 2] : vector<1x2000x16xf32> to vector<1xf32>
    %reduce_sum3A_87 = vector.shape_cast %reduce_sum3A_86 : vector<1xf32> to vector<1x1x1xf32>
    %reduce_sum3A_88 = vector.extract %reduce_sum3A_87[0, 0, 0] : f32 from vector<1x1x1xf32>
    %reduce_sum3A_89 = vector.shape_cast %get3A_64 : vector<2000x1xf32> to vector<1x2000x1xf32>
    %reduce_sum3A_90 = arith.constant dense<0.000000e+00> : vector<1xf32>
    %reduce_sum3A_91 = vector.multi_reduction <add>, %reduce_sum3A_89, %reduce_sum3A_90 [1, 2] : vector<1x2000x1xf32> to vector<1xf32>
    %reduce_sum3A_92 = vector.shape_cast %reduce_sum3A_91 : vector<1xf32> to vector<1x1x1xf32>
    %reduce_sum3A_93 = vector.extract %reduce_sum3A_92[0, 0, 0] : f32 from vector<1x1x1xf32>
    %eq3A = arith.constant 0 : i32
    %eq3A_94 = arith.cmpi eq, %arg0, %eq3A : i32
    %convert_element_type3A = arith.extui %eq3A_94 : i1 to i32
    %cond3A = arith.constant 0 : i32
    %cond3A_95 = arith.cmpi ne, %convert_element_type3A, %cond3A : i32
    scf.if %cond3A_95 {
      %swap3A_105 = arith.constant 0 : index
      %swap3A_106 = memref.load %arg14[%swap3A_105] : memref<3xf32, #tpu.memory_space<smem>>
      memref.store %reduce_sum3A_77, %arg14[%swap3A_105] : memref<3xf32, #tpu.memory_space<smem>>
      %swap3A_107 = arith.constant 1 : index
      %swap3A_108 = memref.load %arg14[%swap3A_107] : memref<3xf32, #tpu.memory_space<smem>>
      memref.store %reduce_sum3A_88, %arg14[%swap3A_107] : memref<3xf32, #tpu.memory_space<smem>>
      %swap3A_109 = arith.constant 2 : index
      %swap3A_110 = memref.load %arg14[%swap3A_109] : memref<3xf32, #tpu.memory_space<smem>>
      memref.store %reduce_sum3A_93, %arg14[%swap3A_109] : memref<3xf32, #tpu.memory_space<smem>>
    } else {
    }
    %gt3A = arith.constant 0 : i32
    %gt3A_96 = arith.cmpi sgt, %arg0, %gt3A : i32
    %convert_element_type3A_97 = arith.extui %gt3A_96 : i1 to i32
    %cond3A_98 = arith.constant 0 : i32
    %cond3A_99 = arith.cmpi ne, %convert_element_type3A_97, %cond3A_98 : i32
    scf.if %cond3A_99 {
      %get3A_105 = arith.constant 0 : index
      %get3A_106 = memref.load %arg14[%get3A_105] : memref<3xf32, #tpu.memory_space<smem>>
      %add3A_107 = arith.addf %get3A_106, %reduce_sum3A_77 : f32
      %swap3A_108 = arith.constant 0 : index
      %swap3A_109 = memref.load %arg14[%swap3A_108] : memref<3xf32, #tpu.memory_space<smem>>
      memref.store %add3A_107, %arg14[%swap3A_108] : memref<3xf32, #tpu.memory_space<smem>>
      %get3A_110 = arith.constant 1 : index
      %get3A_111 = memref.load %arg14[%get3A_110] : memref<3xf32, #tpu.memory_space<smem>>
      %add3A_112 = arith.addf %get3A_111, %reduce_sum3A_88 : f32
      %swap3A_113 = arith.constant 1 : index
      %swap3A_114 = memref.load %arg14[%swap3A_113] : memref<3xf32, #tpu.memory_space<smem>>
      memref.store %add3A_112, %arg14[%swap3A_113] : memref<3xf32, #tpu.memory_space<smem>>
      %get3A_115 = arith.constant 2 : index
      %get3A_116 = memref.load %arg14[%get3A_115] : memref<3xf32, #tpu.memory_space<smem>>
      %add3A_117 = arith.addf %get3A_116, %reduce_sum3A_93 : f32
      %swap3A_118 = arith.constant 2 : index
      %swap3A_119 = memref.load %arg14[%swap3A_118] : memref<3xf32, #tpu.memory_space<smem>>
      memref.store %add3A_117, %arg14[%swap3A_118] : memref<3xf32, #tpu.memory_space<smem>>
    } else {
    }
    %eq3A_100 = arith.constant 79 : i32
    %eq3A_101 = arith.cmpi eq, %arg0, %eq3A_100 : i32
    %convert_element_type3A_102 = arith.extui %eq3A_101 : i1 to i32
    %cond3A_103 = arith.constant 0 : i32
    %cond3A_104 = arith.cmpi ne, %convert_element_type3A_102, %cond3A_103 : i32
    scf.if %cond3A_104 {
      %get3A_105 = arith.constant 0 : index
      %get3A_106 = memref.load %arg14[%get3A_105] : memref<3xf32, #tpu.memory_space<smem>>
      %div3A = arith.constant 1.600000e+05 : f32
      %div3A_107 = arith.divf %get3A_106, %div3A : f32
      %get3A_108 = arith.constant 1 : index
      %get3A_109 = memref.load %arg14[%get3A_108] : memref<3xf32, #tpu.memory_space<smem>>
      %get3A_110 = arith.constant 2 : index
      %get3A_111 = memref.load %arg14[%get3A_110] : memref<3xf32, #tpu.memory_space<smem>>
      %mul3A_112 = arith.constant 1.600000e+01 : f32
      %mul3A_113 = arith.mulf %get3A_111, %mul3A_112 : f32
      %max3A_114 = arith.constant 1.000000e+00 : f32
      %max3A_115 = arith.maximumf %mul3A_113, %max3A_114 : f32
      %div3A_116 = arith.divf %get3A_109, %max3A_115 : f32
      %broadcast_in_dim3A_117 = vector.broadcast %div3A_107 : f32 to vector<1x1xf32>
      %swap3A_118 = arith.constant 0 : index
      %swap3A_119 = arith.constant 0 : index
      %swap3A_120 = vector.load %arg12[%swap3A_118, %swap3A_119] : memref<1x1xf32, #tpu.memory_space<vmem>>, vector<1x1xf32>
      tpu.vector_store %arg12[%swap3A_118, %swap3A_119], %broadcast_in_dim3A_117 {strides = array<i32>} : memref<1x1xf32, #tpu.memory_space<vmem>>, vector<1x1xf32>,
      %broadcast_in_dim3A_121 = vector.broadcast %div3A_116 : f32 to vector<1x1xf32>
      %swap3A_122 = arith.constant 0 : index
      %swap3A_123 = arith.constant 0 : index
      %swap3A_124 = vector.load %arg13[%swap3A_122, %swap3A_123] : memref<1x1xf32, #tpu.memory_space<vmem>>, vector<1x1xf32>
      tpu.vector_store %arg13[%swap3A_122, %swap3A_123], %broadcast_in_dim3A_121 {strides = array<i32>} : memref<1x1xf32, #tpu.memory_space<vmem>>, vector<1x1xf32>,
      %add3A_125 = arith.addf %div3A_107, %div3A_116 : f32
      %broadcast_in_dim3A_126 = vector.broadcast %add3A_125 : f32 to vector<1x1xf32>
      %swap3A_127 = arith.constant 0 : index
      %swap3A_128 = arith.constant 0 : index
      %swap3A_129 = vector.load %arg11[%swap3A_127, %swap3A_128] : memref<1x1xf32, #tpu.memory_space<vmem>>, vector<1x1xf32>
      tpu.vector_store %arg11[%swap3A_127, %swap3A_128], %broadcast_in_dim3A_126 {strides = array<i32>} : memref<1x1xf32, #tpu.memory_space<vmem>>, vector<1x1xf32>,
    } else {
    }
    return
  }
  func.func @transform_0(%arg0: i32) -> (i32, i32) {
    %c0_i32 = arith.constant 0 : i32
    %c0_i32_0 = arith.constant 0 : i32
    return %arg0, %c0_i32 : i32, i32
  }
  func.func @transform_1(%arg0: i32) -> (i32, i32) {
    %add3A = arith.constant 80 : i32
    %add3A_0 = arith.addi %arg0, %add3A : i32
    %c0_i32 = arith.constant 0 : i32
    %c0_i32_1 = arith.constant 0 : i32
    return %add3A_0, %c0_i32 : i32, i32
  }
  func.func @transform_2(%arg0: i32) -> (i32, i32) {
    %c0_i32 = arith.constant 0 : i32
    %c0_i32_0 = arith.constant 0 : i32
    return %arg0, %c0_i32 : i32, i32
  }
  func.func @transform_3(%arg0: i32) -> (i32, i32) {
    %c0_i32 = arith.constant 0 : i32
    %c0_i32_0 = arith.constant 0 : i32
    return %arg0, %c0_i32 : i32, i32
  }
  func.func @transform_4(%arg0: i32) -> (i32, i32) {
    %c0_i32 = arith.constant 0 : i32
    %c0_i32_0 = arith.constant 0 : i32
    %c0_i32_1 = arith.constant 0 : i32
    return %c0_i32, %c0_i32_0 : i32, i32
  }
  func.func @transform_5(%arg0: i32) -> (i32, i32) {
    %c0_i32 = arith.constant 0 : i32
    %c0_i32_0 = arith.constant 0 : i32
    %c0_i32_1 = arith.constant 0 : i32
    return %c0_i32, %c0_i32_0 : i32, i32
  }
  func.func @transform_6(%arg0: i32) -> (i32, i32) {
    %c0_i32 = arith.constant 0 : i32
    %c0_i32_0 = arith.constant 0 : i32
    %c0_i32_1 = arith.constant 0 : i32
    return %c0_i32, %c0_i32_0 : i32, i32
  }
  func.func @transform_7(%arg0: i32) -> (i32, i32) {
    %c0_i32 = arith.constant 0 : i32
    %c0_i32_0 = arith.constant 0 : i32
    return %arg0, %c0_i32 : i32, i32
  }
  func.func @transform_8(%arg0: i32) -> (i32, i32) {
    %c0_i32 = arith.constant 0 : i32
    %c0_i32_0 = arith.constant 0 : i32
    return %arg0, %c0_i32 : i32, i32
  }
  func.func @transform_9(%arg0: i32) -> (i32, i32) {
    %c0_i32 = arith.constant 0 : i32
    %c0_i32_0 = arith.constant 0 : i32
    return %arg0, %c0_i32 : i32, i32
  }
  func.func @transform_10(%arg0: i32) -> (i32, i32) {
    %c0_i32 = arith.constant 0 : i32
    %c0_i32_0 = arith.constant 0 : i32
    %c0_i32_1 = arith.constant 0 : i32
    return %c0_i32, %c0_i32_0 : i32, i32
  }
  func.func @transform_11(%arg0: i32) -> (i32, i32) {
    %c0_i32 = arith.constant 0 : i32
    %c0_i32_0 = arith.constant 0 : i32
    %c0_i32_1 = arith.constant 0 : i32
    return %c0_i32, %c0_i32_0 : i32, i32
  }
  func.func @transform_12(%arg0: i32) -> (i32, i32) {
    %c0_i32 = arith.constant 0 : i32
    %c0_i32_0 = arith.constant 0 : i32
    %c0_i32_1 = arith.constant 0 : i32
    return %c0_i32, %c0_i32_0 : i32, i32
  }
}

</mosaic_0001>

<sc_bundles>
// kernel: kernel.11.cloned.1.call-start
scs
__scs_entry_jumppad:
0x0: {  	(pc) =	sbr.rel $0x88, $3  }
0x1: {  	(tag) =	ssettag $0x0;
	lr =	simm.s32 $0x1  }
0x2: {  	[smem:$0x3F91] =	sst lr;
	_ =	strace $0xD0000000  }
0x3: {  	_ = 	snop  }
0x4: {  	_ = 	snop  }
0x5: {  	_ = 	snop  }
0x6: {  	_ = 	snop  }
0x7: {  	_ = 	snop  }
__scs_overlays_trampoline_lowered:
0x8: {  	[smem:$0x3FA0] =	sst s0  }
0x9: {  	[smem:$0x3FA1] =	sst s1  }
0xa: {  	[smem:$0x3FA2] =	sst s2  }
0xb: {  	[smem:$0x3FA3] =	sst s3  }
0xc: {  	[smem:$0x3FA4] =	sst s4  }
0xd: {  	[smem:$0x3FA5] =	sst s5  }
0xe: {  	[smem:$0x3FA6] =	sst s6  }
0xf: {  	[smem:$0x3FA7] =	sst s7  }
0x10: {  	[smem:$0x3FA8] =	sst s8  }
0x11: {  	[smem:$0x3FA9] =	sst s9;
	s0 =	simm.s32 @!p0 $0x0  }
0x12: {  	s1 =	sld [smem:$0x3F8F];
	s0 =	simm.s32 @p0 $0x1  }
0x13: {  	[smem:$0x3FAA] =	sst s0;
	s0 =	simm.s32 @!p1 $0x0  }
0x14: {  	s2 =	sld [smem:$0x3F8E];
	s0 =	simm.s32 @p1 $0x1  }
0x15: {  	[smem:$0x3FAB] =	sst s0;
	s0 =	simm.s32 @!p2 $0x0  }
0x16: {  	s3 =	sld [smem:$0x3FDB];
	s0 =	simm.s32 @p2 $0x1  }
0x17: {  	s4 =	simm.s32 $0x1BF5;
	[smem:$0x3FAD] =	sst s0  }
0x18: {  	s0 =	sld [smem:$0x3F90];
	_ =	swait.ge [sflag:s4], $0x0  }
0x19: {  	s7 =	sld [smem:$0x3F91]  }
0x1a: {  	s8 =	sadd.s32 $0xFFFFE003, lr  }
0x1b: {  	s9 =	sadd.s32 $0xFFFFFEF7, lr;
	s5 =	simm.s32 $0xFFFFFFFF;
	p2 =	slt.u32 s8, $0xFFFFF086  }
0x1c: {  	p1 =	slt.u32 s9, $0xF7A;
	s5 =	simm.s32 @!p2 $0x0  }
0x1d: {  	s5 =	simm.s32 @p1 $0x1;
	p0 =	seq.s32 s7, s2  }
0x1e: {  	s7 =	smul.u32 @!p0 $0xF7A, s2;
	p2 =	seq.s32 @!p0 s5, $0x0  }
0x1f: {  	s9 =	smul.u32 $0xF7A, s1;
	s8 =	simm.s32 @!p0 $0x1BF5;
	p2 =	por !p2, p0  }
0x20: {  	[sflag:s8] =	ssyncset.s32 @!p0 $0xFFFFF086;
	s6 =	sadd.s32 @!p0 s3, s7;
	s7 =	simm.s32 @!p0 $0x108  }
0x21: {  	s3 =	sadd.s32 s3, s9;
	s6 =	sadd.s32 @!p0 $0x88, s6;
	s7 =	simm.s32 @p2 $0x1082  }
0x22: {  	[simem:s7], [sflag:s8] =	dma.local @!p0 [hbm:s6], $0xF7A  }
0x23: {  	s9 =	sor.u32 $0xD0000000, s2;
	s6 =	simm.s32 $0x108;
	_ =	swait.ge @!p0 [sflag:s8], $0x0  }
0x24: {  	s3 =	sadd.s32 $0x88, s3;
	s6 =	simm.s32 @!p1 $0x1082;
	[sflag:s4] =	ssyncset.s32 $0xFFFFF086  }
0x25: {  	[simem:s6], [sflag:s4] =	dma.local [hbm:s3], $0xF7A  }
0x26: {  	[smem:$0x3F91] =	sst s1;
	(tag) =	ssettag s2;
	_ =	strace s9  }
0x27: {  	s1 =	sld [smem:$0x3FA1]  }
0x28: {  	s2 =	sld [smem:$0x3FA2]  }
0x29: {  	s4 =	sld [smem:$0x3FA4]  }
0x2a: {  	p0 =	seq.s32 s5, $0x0;
	s5 =	sld [smem:$0x3FA5]  }
0x2b: {  	s6 =	sld [smem:$0x3FA6]  }
0x2c: {  	s7 =	sld [smem:$0x3FA7]  }
0x2d: {  	s3 =	simm.s32 $0x108;
	s8 =	sld [smem:$0x3FA8]  }
0x2e: {  	s3 =	simm.s32 @!p0 $0x1082;
	s9 =	sld [smem:$0x3FA9]  }
0x2f: {  	lr =	sadd.s32 s0, s3;
	s0 =	sld [smem:$0x3FA0]  }
0x30: {  	s3 =	sld [smem:$0x3FA3]  }
0x31: {  	[smem:$0x3FAC] =	sst s10  }
0x32: {  	s10 =	sld [smem:$0x3FAA];
	_ =	sdelay $0x3  }
0x33: {  	p0 =	seq.s32 s10, $0x1;
	s10 =	sld [smem:$0x3FAC];
	_ =	sdelay $0x3  }
0x34: {  	[smem:$0x3FAC] =	sst s10  }
0x35: {  	s10 =	sld [smem:$0x3FAB];
	_ =	sdelay $0x3  }
0x36: {  	p1 =	seq.s32 s10, $0x1;
	s10 =	sld [smem:$0x3FAC];
	_ =	sdelay $0x3  }
0x37: {  	[smem:$0x3FAC] =	sst s10  }
0x38: {  	s10 =	sld [smem:$0x3FAD]  }
0x39: {  	_ = 	snop;
	(pc) =	sbr.ind lr, $3  }
0x3a: {  	_ = 	snop  }
0x3b: {  	_ = 	snop  }
0x3c: {  	p2 =	seq.s32 s10, $0x1;
	s10 =	sld [smem:$0x3FAC]  }
0x3d: {  	_ =	shalt  }
0x3e: {  	_ =	shalt  }
0x3f: {  	_ =	shalt  }
0x40: {  	_ =	shalt  }
0x41: {  	_ =	shalt  }
0x42: {  	_ =	shalt  }
0x43: {  	_ =	shalt  }
0x44: {  	_ =	shalt  }
0x45: {  	_ =	shalt  }
0x46: {  	_ =	shalt  }
0x47: {  	_ =	shalt  }
0x48: {  	_ =	shalt  }
0x49: {  	_ =	shalt  }
0x4a: {  	_ =	shalt  }
0x4b: {  	_ =	shalt  }
0x4c: {  	_ =	shalt  }
0x4d: {  	_ =	shalt  }
0x4e: {  	_ =	shalt  }
0x4f: {  	_ =	shalt  }
0x50: {  	_ =	shalt  }
0x51: {  	_ =	shalt  }
0x52: {  	_ =	shalt  }
0x53: {  	_ =	shalt  }
0x54: {  	_ =	shalt  }
0x55: {  	_ =	shalt  }
0x56: {  	_ =	shalt  }
0x57: {  	_ =	shalt  }
0x58: {  	_ =	shalt  }
0x59: {  	_ =	shalt  }
0x5a: {  	_ =	shalt  }
0x5b: {  	_ =	shalt  }
0x5c: {  	_ =	shalt  }
0x5d: {  	_ =	shalt  }
0x5e: {  	_ =	shalt  }
0x5f: {  	_ =	shalt  }
0x60: {  	_ =	shalt  }
0x61: {  	_ =	shalt  }
0x62: {  	_ =	shalt  }
0x63: {  	_ =	shalt  }
0x64: {  	_ =	shalt  }
0x65: {  	_ =	shalt  }
0x66: {  	_ =	shalt  }
0x67: {  	_ =	shalt  }
0x68: {  	_ =	shalt  }
0x69: {  	_ =	shalt  }
0x6a: {  	_ =	shalt  }
0x6b: {  	_ =	shalt  }
0x6c: {  	_ =	shalt  }
0x6d: {  	_ =	shalt  }
0x6e: {  	_ =	shalt  }
0x6f: {  	_ =	shalt  }
0x70: {  	_ =	shalt  }
0x71: {  	_ =	shalt  }
0x72: {  	_ =	shalt  }
0x73: {  	_ =	shalt  }
0x74: {  	_ =	shalt  }
0x75: {  	_ =	shalt  }
0x76: {  	_ =	shalt  }
0x77: {  	_ =	shalt  }
0x78: {  	_ =	shalt  }
0x79: {  	_ =	shalt  }
0x7a: {  	_ =	shalt  }
0x7b: {  	_ =	shalt  }
0x7c: {  	_ =	shalt  }
0x7d: {  	_ =	shalt  }
0x7e: {  	_ =	shalt  }
0x7f: {  	_ =	shalt  }
0x80: {  	_ =	shalt  }
0x81: {  	_ =	shalt  }
0x82: {  	_ =	shalt  }
0x83: {  	_ =	shalt  }
0x84: {  	_ =	shalt  }
0x85: {  	_ =	shalt  }
0x86: {  	_ =	shalt  }
0x87: {  	_ =	shalt  }
.Lfunc_end0:
.L_simem_size_0:
called_computation.1_lowered:
.L_overlay_start_0:
0x88: {  	s2 =	sld [smem:$0x3FD9]  }
0x89: {  	s3 =	sld [smem:$0x3FFE];
	_ =	sdelay $0x1  }
0x8a: {  	s1 =	srdreg.scid  }
0x8b: {  	s0 =	sand.u32 $0x1, s1  }
0x8c: {  	s14 =	sshll.u32 s0, $0xA;
	s2 =	sadd.s32 s3, s2  }
0x8d: {  	s2 =	sadd.s32 s2, s14  }
0x8e: {  	[smem:$0x3FB8] =	sst s2  }
0x8f: {  	_ = 	snop  }
0x90: {  	s2 =	sld [smem:$0x3FD0];
	_ =	sdelay $0x2  }
0x91: {  	s15 =	simm.s32 $0xA;
	s4 =	simm.s32 $0x10  }
0x92: {  	[smem:s4], [sflag:s15] =	dma.local [hbm:s2], $0x1  }
0x93: {  	_ =	swait.eq [sflag:s15], $0x1  }
0x94: {  	s16 =	sld [smem:$0x14];
	[sflag:s15] =	ssyncset.done $0x0  }
0x95: {  	s17 =	sld [smem:$0x15];
	[sflag:s15] =	ssyncadd.s32 $0xFFFFFFFF  }
0x96: {  	s18 =	sld [smem:$0x16];
	(tm) =	ssettm $0x1  }
0x97: {  	s5 =	sld [smem:$0x3FFB];
	_ =	sdelay $0x3  }
0x98: {  	_ =	strace s5  }
0x99: {  	s5 =	sld [smem:$0x3FFC];
	_ =	sdelay $0x3  }
0x9a: {  	_ =	strace s5  }
0x9b: {  	s5 =	sld [smem:$0x3FFD];
	_ =	sdelay $0x3  }
0x9c: {  	_ =	strace s5  }
0x9d: {  	_ =	strace $0x8FFFFFFF  }
0x9e: {  	s19 =	sld [smem:$0x3FDB];
	_ =	sdelay $0x1  }
0x9f: {  	s6 =	simm.s32 $_scs_section_size  }
0xa0: {  	s7 =	simm.s32 $_size__tile_overlayer_lowered;
	s8 =	simm.s32 $_tile_overlayer_lowered  }
0xa1: {  	s22 =	simm.s32 $0x1BFF;
	s21 =	sshll.u32 s8, $0x1;
	s5 =	sadd.s32 s6, s19  }
0xa2: {  	s9 =	simm.s32 $0x0;
	s20 =	sshll.u32 s7, $0x1;
	s7 =	sadd.s32 s21, s5  }
0xa3: {  	[timem:s9], [sflag:s22] =	dma.local [hbm:s7], s20  }
0xa4: {  	_ =	swait.ge [sflag:s22], s20  }
0xa5: {  	s6 =	ssub.s32 $0x0, s20;
	[sflag:s22] =	ssyncset.done $0x0  }
0xa6: {  	[sflag:s22] =	ssyncadd.s32 s6;
	_ =	sdelay $0x1  }
0xa7: {  	s23 =	simm.s32 $0x1B8B  }
0xa8: {  	_ =	swait.ge [sflag:s23], $0x1  }
0xa9: {  	[sflag:s23] =	ssyncset.done $0x0  }
0xaa: {  	s25 =	simm.s32 $0x1B8E;
	s24 =	sld [smem:$0x3FFE];
	[sflag:s23] =	ssyncadd.s32 $0xFFFFFFFF  }
0xab: {  	s26 =	simm.s32 $execute0_lowered;
	[smem:$0x3FD2] =	sst s25  }
0xac: {  	s7 =	sshll.u32 s26, $0x1;
	_ =	strace $0x80000049;
	[dreg:$0x1] =	wrdreg $0xFFFFFFFF  }
0xad: {  	s28 =	simm.s32 $_size_execute0_lowered;
	s5 =	sadd.s32 s5, s7;
	[dreg:$0x0] =	wrdreg $0x0  }
0xae: {  	s7 =	sshll.u32 s28, $0x1;
	[dreg:$0x2] =	wrdreg s5  }
0xaf: {  	[dreg:$0x3] =	wrdreg s7  }
0xb0: {  	[dreg:$0x4] =	wrdreg $0xC0  }
0xb1: {  	_ =	task [dreg:s9], $0x5FFFF  }
0xb2: {  	[dreg:$0x1] =	wrdreg $0xFFFFFFFF  }
0xb3: {  	[dreg:$0x0] =	wrdreg $0x60  }
0xb4: {  	[dreg:$0x2] =	wrdreg s18  }
0xb5: {  	[dreg:$0x3] =	wrdreg s17  }
0xb6: {  	[dreg:$0x4] =	wrdreg s24  }
0xb7: {  	[dreg:$0x5] =	wrdreg s16  }
0xb8: {  	[dreg:$0x6] =	wrdreg $0xB3000  }
0xb9: {  	[dreg:$0x7] =	wrdreg $0x9  }
0xba: {  	_ =	task.clear_ibuf [dreg:s9], $0x8FFFF;
	_ =	strace $0x90000049  }
0xbb: {  	s29 =	simm.s32 $0x9;
	_ =	strace $0x8000004B  }
0xbc: {  	_ =	swait.ge [sflag:s29], $0x1  }
0xbd: {  	[sflag:s29] =	ssyncadd.s32 $0xFFFFFFFF  }
0xbe: {  	_ =	strace $0x9000004B  }
0xbf: {  	_ =	sfence  }
0xc0: {  	s30 =	sld [smem:$0x0];
	_ =	sdelay $0x2  }
0xc1: {  	s31 =	sshll.u32 s1, $0xD;
	s1 =	sshrl.u32 s1, $0x2  }
0xc2: {  	s3 =	sand.u32 $0x4000, s31;
	s1 =	sadd.s32 s1, s30  }
0xc3: {  	s0 =	sor.u32 s3, s0;
	s1 =	sshll.u32 s1, $0x11  }
0xc4: {  	s0 =	sor.u32 s1, s0  }
0xc5: {  	s0 =	sadd.s32 $0x8F2B, s0  }
0xc6: {  	[sflag:s0] =	ssyncadd.remote.s32 $0x1  }
0xc7: {  	_ =	sfence.sel $0xFFFF  }
0xc8: {  	[dreg:$0x0] =	wrdreg $0xFFFFFFFF;
	(pc) =	sbr.abs _section_cstart, $3  }
0xc9: {  	[dreg:$0x1] =	wrdreg $0xFFFFFFFF  }
0xca: {  	_ =	task.clear_ibuf [dreg:s9], $0x2FFFF;
	_ =	strace $0x9FFFFFFF  }
0xcb: {  	(tm) =	ssettm $0x7FFFFFFF  }
tec
execute0_lowered:
.L_overlay_start_1:
0x0: {  	(tag) =	ssettag $0x1  }
0x1: {  	s0 =	rddreg [dreg:$0x0]  }
0x2: {  	s1 =	rddreg [dreg:$0x1]  }
0x3: {  	s4 =	rddreg [dreg:$0x2]  }
0x4: {  	s2 =	rddreg [dreg:$0x4];
	s3 =	simm.s32 $0x0  }
0x5: {  	s5 =	simm.s32 $0x4F80;
	[smem:$0x7FF] =	sst s3  }
0x6: {  	s18 =	simm.s32 $0x5000;
	_ =	strace $0x8000004A;
	[dreg:$0x6] =	wrdreg s5  }
0x7: {  	s19 =	simm.s32 $0x5080;
	[dreg:$0x7] =	wrdreg s18  }
0x8: {  	s20 =	simm.s32 $0x5100;
	[dreg:$0x8] =	wrdreg s19  }
0x9: {  	s21 =	simm.s32 $0x5180;
	[dreg:$0x9] =	wrdreg s20  }
0xa: {  	s22 =	simm.s32 $0x5200;
	[dreg:$0xa] =	wrdreg s21  }
0xb: {  	s23 =	simm.s32 $0x5280;
	[dreg:$0xb] =	wrdreg s22  }
0xc: {  	s24 =	simm.s32 $0x5300;
	[dreg:$0xc] =	wrdreg s23  }
0xd: {  	s25 =	simm.s32 $0x5380;
	[dreg:$0xd] =	wrdreg s24  }
0xe: {  	s26 =	simm.s32 $0x5400;
	[dreg:$0xe] =	wrdreg s25  }
0xf: {  	s6 =	simm.s32 $0x5480;
	[dreg:$0xf] =	wrdreg s26  }
0x10: {  	s7 =	simm.s32 $0x5500;
	[dreg:$0x10] =	wrdreg s6  }
0x11: {  	s8 =	simm.s32 $0x5580;
	[dreg:$0x11] =	wrdreg s7  }
0x12: {  	s9 =	simm.s32 $0x5600;
	[dreg:$0x12] =	wrdreg s8  }
0x13: {  	s10 =	simm.s32 $0x5680;
	[dreg:$0x13] =	wrdreg s9  }
0x14: {  	s11 =	simm.s32 $0x5700;
	[dreg:$0x14] =	wrdreg s10  }
0x15: {  	s12 =	simm.s32 $0x5780;
	[dreg:$0x15] =	wrdreg s11  }
0x16: {  	s13 =	simm.s32 $0x5800;
	[dreg:$0x16] =	wrdreg s12  }
0x17: {  	s14 =	simm.s32 $0x5880;
	[dreg:$0x17] =	wrdreg s13  }
0x18: {  	s15 =	simm.s32 $0x5900;
	[dreg:$0x18] =	wrdreg s14  }
0x19: {  	s16 =	simm.s32 $0x5980;
	[dreg:$0x19] =	wrdreg s15  }
0x1a: {  	s17 =	simm.s32 $0x5A00;
	[dreg:$0x1a] =	wrdreg s16  }
0x1b: {  	[dreg:$0x1b] =	wrdreg s17;
	s18 =	simm.s32 $0x5A80  }
0x1c: {  	s19 =	simm.s32 $0x5B00;
	[dreg:$0x1c] =	wrdreg s18  }
0x1d: {  	s20 =	simm.s32 $0x5B80;
	[dreg:$0x1d] =	wrdreg s19  }
0x1e: {  	s21 =	simm.s32 $0x5C00;
	[dreg:$0x1e] =	wrdreg s20  }
0x1f: {  	s22 =	simm.s32 $0x5C80;
	[dreg:$0x1f] =	wrdreg s21  }
0x20: {  	s23 =	simm.s32 $0x5D00;
	[smem:$0x75F] =	sst s22  }
0x21: {  	s24 =	simm.s32 $0x5D80;
	[smem:$0x760] =	sst s23  }
0x22: {  	s25 =	simm.s32 $0x5E00;
	[smem:$0x761] =	sst s24  }
0x23: {  	s26 =	simm.s32 $0x5E80;
	[smem:$0x762] =	sst s25  }
0x24: {  	s6 =	simm.s32 $0x5F00;
	[smem:$0x763] =	sst s26  }
0x25: {  	s7 =	simm.s32 $0x5F80;
	[smem:$0x764] =	sst s6  }
0x26: {  	s8 =	simm.s32 $0x6000;
	[smem:$0x765] =	sst s7  }
0x27: {  	s9 =	simm.s32 $0x6080;
	[smem:$0x766] =	sst s8  }
0x28: {  	s10 =	simm.s32 $0x6100;
	[smem:$0x767] =	sst s9  }
0x29: {  	s11 =	simm.s32 $0x6180;
	[smem:$0x768] =	sst s10  }
0x2a: {  	s12 =	simm.s32 $0x6200;
	[smem:$0x769] =	sst s11  }
0x2b: {  	s13 =	simm.s32 $0x6280;
	[smem:$0x76A] =	sst s12  }
0x2c: {  	s14 =	simm.s32 $0x6300;
	[smem:$0x76B] =	sst s13  }
0x2d: {  	s15 =	simm.s32 $0x6380;
	[smem:$0x76C] =	sst s14  }
0x2e: {  	s16 =	simm.s32 $0x6400;
	[smem:$0x76D] =	sst s15  }
0x2f: {  	s17 =	simm.s32 $0x6480;
	[smem:$0x76E] =	sst s16  }
0x30: {  	[smem:$0x76F] =	sst s17;
	s18 =	simm.s32 $0x6500  }
0x31: {  	s19 =	simm.s32 $0x6580;
	[smem:$0x770] =	sst s18  }
0x32: {  	s20 =	simm.s32 $0x6600;
	[smem:$0x771] =	sst s19  }
0x33: {  	s21 =	simm.s32 $0x6680;
	[smem:$0x772] =	sst s20  }
0x34: {  	s22 =	simm.s32 $0x6700;
	[smem:$0x773] =	sst s21  }
0x35: {  	s23 =	simm.s32 $0x6780;
	[smem:$0x774] =	sst s22  }
0x36: {  	s24 =	simm.s32 $0x6800;
	[smem:$0x775] =	sst s23  }
0x37: {  	s25 =	simm.s32 $0x6880;
	[smem:$0x776] =	sst s24  }
0x38: {  	s26 =	simm.s32 $0x6900;
	[smem:$0x777] =	sst s25  }
0x39: {  	s6 =	simm.s32 $0x6980;
	[smem:$0x778] =	sst s26  }
0x3a: {  	s7 =	simm.s32 $0x6A00;
	[smem:$0x779] =	sst s6  }
0x3b: {  	s8 =	simm.s32 $0x6A80;
	[smem:$0x77A] =	sst s7  }
0x3c: {  	s9 =	simm.s32 $0x6B00;
	[smem:$0x77B] =	sst s8  }
0x3d: {  	s10 =	simm.s32 $0x6B80;
	[smem:$0x77C] =	sst s9  }
0x3e: {  	s11 =	simm.s32 $0x6C00;
	[smem:$0x77D] =	sst s10  }
0x3f: {  	s12 =	simm.s32 $0x6C80;
	[smem:$0x77E] =	sst s11  }
0x40: {  	s13 =	simm.s32 $0x6D00;
	[smem:$0x77F] =	sst s12  }
0x41: {  	s14 =	simm.s32 $0x6D80;
	[smem:$0x780] =	sst s13  }
0x42: {  	s15 =	simm.s32 $0x6E00;
	[smem:$0x781] =	sst s14  }
0x43: {  	s16 =	simm.s32 $0x6E80;
	[smem:$0x782] =	sst s15  }
0x44: {  	s17 =	simm.s32 $0x6F00;
	[smem:$0x783] =	sst s16  }
0x45: {  	[smem:$0x784] =	sst s17;
	s18 =	simm.s32 $0x6F80  }
0x46: {  	s19 =	simm.s32 $0x7000;
	[smem:$0x785] =	sst s18  }
0x47: {  	s20 =	simm.s32 $0x7080;
	[smem:$0x786] =	sst s19  }
0x48: {  	s21 =	simm.s32 $0x7100;
	[smem:$0x787] =	sst s20  }
0x49: {  	s22 =	simm.s32 $0x7180;
	[smem:$0x788] =	sst s21  }
0x4a: {  	s23 =	simm.s32 $0x7200;
	[smem:$0x789] =	sst s22  }
0x4b: {  	s24 =	simm.s32 $0x7280;
	[smem:$0x78A] =	sst s23  }
0x4c: {  	s25 =	simm.s32 $0x7300;
	[smem:$0x78B] =	sst s24  }
0x4d: {  	s26 =	simm.s32 $0x7380;
	[smem:$0x78C] =	sst s25  }
0x4e: {  	s6 =	simm.s32 $0x7400;
	[smem:$0x78D] =	sst s26  }
0x4f: {  	s7 =	simm.s32 $0x7480;
	[smem:$0x78E] =	sst s6  }
0x50: {  	s8 =	simm.s32 $0x7500;
	[smem:$0x78F] =	sst s7  }
0x51: {  	s9 =	simm.s32 $0x7580;
	[smem:$0x790] =	sst s8  }
0x52: {  	s10 =	simm.s32 $0x7600;
	[smem:$0x791] =	sst s9  }
0x53: {  	s11 =	simm.s32 $0x7680;
	[smem:$0x792] =	sst s10  }
0x54: {  	s12 =	simm.s32 $0x7700;
	[smem:$0x793] =	sst s11  }
0x55: {  	s13 =	simm.s32 $0x7780;
	[smem:$0x794] =	sst s12  }
0x56: {  	s14 =	simm.s32 $0x7800;
	[smem:$0x795] =	sst s13  }
0x57: {  	s15 =	simm.s32 $0x7880;
	[smem:$0x796] =	sst s14  }
0x58: {  	s16 =	simm.s32 $0x7900;
	[smem:$0x797] =	sst s15  }
0x59: {  	s17 =	simm.s32 $0x7980;
	[smem:$0x798] =	sst s16  }
0x5a: {  	[smem:$0x799] =	sst s17;
	s18 =	simm.s32 $0x7A00  }
0x5b: {  	s19 =	simm.s32 $0x7A80;
	[smem:$0x79A] =	sst s18  }
0x5c: {  	s20 =	simm.s32 $0x7B00;
	[smem:$0x79B] =	sst s19  }
0x5d: {  	s21 =	simm.s32 $0x7B80;
	[smem:$0x79C] =	sst s20  }
0x5e: {  	s22 =	simm.s32 $0x7C00;
	[smem:$0x79D] =	sst s21  }
0x5f: {  	s23 =	simm.s32 $0x7C80;
	[smem:$0x79E] =	sst s22  }
0x60: {  	s24 =	simm.s32 $0x7D00;
	[smem:$0x79F] =	sst s23  }
0x61: {  	s25 =	simm.s32 $0x7D80;
	[smem:$0x7A0] =	sst s24  }
0x62: {  	s26 =	simm.s32 $0x7E00;
	[smem:$0x7A1] =	sst s25  }
0x63: {  	s6 =	simm.s32 $0x7E80;
	[smem:$0x7A2] =	sst s26  }
0x64: {  	s7 =	simm.s32 $0x7F00;
	[smem:$0x7A3] =	sst s6  }
0x65: {  	s8 =	simm.s32 $0x7F80;
	[smem:$0x7A4] =	sst s7  }
0x66: {  	s9 =	simm.s32 $0x8000;
	[smem:$0x7A5] =	sst s8  }
0x67: {  	s10 =	simm.s32 $0x8080;
	[smem:$0x7A6] =	sst s9  }
0x68: {  	s11 =	simm.s32 $0x8100;
	[smem:$0x7A7] =	sst s10  }
0x69: {  	s12 =	simm.s32 $0x8180;
	[smem:$0x7A8] =	sst s11  }
0x6a: {  	s13 =	simm.s32 $0x8200;
	[smem:$0x7A9] =	sst s12  }
0x6b: {  	s14 =	simm.s32 $0x8280;
	[smem:$0x7AA] =	sst s13  }
0x6c: {  	s15 =	simm.s32 $0x8300;
	[smem:$0x7AB] =	sst s14  }
0x6d: {  	s16 =	simm.s32 $0x8380;
	[smem:$0x7AC] =	sst s15  }
0x6e: {  	s17 =	simm.s32 $0x8400;
	[smem:$0x7AD] =	sst s16  }
0x6f: {  	[smem:$0x7AE] =	sst s17;
	s18 =	simm.s32 $0x8480  }
0x70: {  	s19 =	simm.s32 $0x8500;
	[smem:$0x7AF] =	sst s18  }
0x71: {  	s20 =	simm.s32 $0x8580;
	[smem:$0x7B0] =	sst s19  }
0x72: {  	s21 =	simm.s32 $0x8600;
	[smem:$0x7B1] =	sst s20  }
0x73: {  	s22 =	simm.s32 $0x8680;
	[smem:$0x7B2] =	sst s21  }
0x74: {  	s23 =	simm.s32 $0x8700;
	[smem:$0x7B3] =	sst s22  }
0x75: {  	s24 =	simm.s32 $0x8780;
	[smem:$0x7B4] =	sst s23  }
0x76: {  	s25 =	simm.s32 $0x8800;
	[smem:$0x7B5] =	sst s24  }
0x77: {  	s26 =	simm.s32 $0x8880;
	[smem:$0x7B6] =	sst s25  }
0x78: {  	s6 =	simm.s32 $0x8900;
	[smem:$0x7B7] =	sst s26  }
0x79: {  	s7 =	simm.s32 $0x8980;
	[smem:$0x7B8] =	sst s6  }
0x7a: {  	s8 =	simm.s32 $0x8A00;
	[smem:$0x7B9] =	sst s7  }
0x7b: {  	s9 =	simm.s32 $0x8A80;
	[smem:$0x7BA] =	sst s8  }
0x7c: {  	s10 =	simm.s32 $0x8B00;
	[smem:$0x7BB] =	sst s9  }
0x7d: {  	s11 =	simm.s32 $0x8B80;
	[smem:$0x7BC] =	sst s10  }
0x7e: {  	s12 =	simm.s32 $0x8C00;
	[smem:$0x7BD] =	sst s11  }
0x7f: {  	s13 =	simm.s32 $0x8C80;
	[smem:$0x7BE] =	sst s12  }
0x80: {  	s14 =	simm.s32 $0x8D00;
	[smem:$0x7BF] =	sst s13  }
0x81: {  	s15 =	simm.s32 $0x8D80;
	[smem:$0x7C0] =	sst s14  }
0x82: {  	s16 =	simm.s32 $0x8E00;
	[smem:$0x7C1] =	sst s15  }
0x83: {  	s17 =	simm.s32 $0x8E80;
	[smem:$0x7C2] =	sst s16  }
0x84: {  	[smem:$0x7C3] =	sst s17;
	s18 =	simm.s32 $0x8F00  }
0x85: {  	s19 =	simm.s32 $0x8F80;
	[smem:$0x7C4] =	sst s18  }
0x86: {  	s20 =	simm.s32 $0x9000;
	[smem:$0x7C5] =	sst s19  }
0x87: {  	s21 =	simm.s32 $0x9080;
	[smem:$0x7C6] =	sst s20  }
0x88: {  	s22 =	simm.s32 $0x9100;
	[smem:$0x7C7] =	sst s21  }
0x89: {  	s23 =	simm.s32 $0x9180;
	[smem:$0x7C8] =	sst s22  }
0x8a: {  	s24 =	simm.s32 $0x9200;
	[smem:$0x7C9] =	sst s23  }
0x8b: {  	s25 =	simm.s32 $0x9280;
	[smem:$0x7CA] =	sst s24  }
0x8c: {  	s26 =	simm.s32 $0x9300;
	[smem:$0x7CB] =	sst s25  }
0x8d: {  	s6 =	simm.s32 $0x9380;
	[smem:$0x7CC] =	sst s26  }
0x8e: {  	s7 =	simm.s32 $0x9400;
	[smem:$0x7CD] =	sst s6  }
0x8f: {  	s8 =	simm.s32 $0x9480;
	[smem:$0x7CE] =	sst s7  }
0x90: {  	s9 =	simm.s32 $0x9500;
	[smem:$0x7CF] =	sst s8  }
0x91: {  	s10 =	simm.s32 $0x9580;
	[smem:$0x7D0] =	sst s9  }
0x92: {  	s11 =	simm.s32 $0x9600;
	[smem:$0x7D1] =	sst s10  }
0x93: {  	s12 =	simm.s32 $0x9680;
	[smem:$0x7D2] =	sst s11  }
0x94: {  	s13 =	simm.s32 $0x9700;
	[smem:$0x7D3] =	sst s12  }
0x95: {  	s14 =	simm.s32 $0x9780;
	[smem:$0x7D4] =	sst s13  }
0x96: {  	s15 =	simm.s32 $0x9800;
	[smem:$0x7D5] =	sst s14  }
0x97: {  	s16 =	simm.s32 $0x9880;
	[smem:$0x7D6] =	sst s15  }
0x98: {  	s17 =	simm.s32 $0x9900;
	[smem:$0x7D7] =	sst s16  }
0x99: {  	[smem:$0x7D8] =	sst s17;
	s18 =	simm.s32 $0x9980  }
0x9a: {  	s19 =	simm.s32 $0x9A00;
	[smem:$0x7D9] =	sst s18  }
0x9b: {  	s20 =	simm.s32 $0x9A80;
	[smem:$0x7DA] =	sst s19  }
0x9c: {  	s21 =	simm.s32 $0x9B00;
	[smem:$0x7DB] =	sst s20  }
0x9d: {  	s23 =	simm.s32 $0x9B80;
	[smem:$0x7DC] =	sst s21  }
0x9e: {  	s24 =	simm.s32 $0x9C00;
	[smem:$0x7DD] =	sst s23  }
0x9f: {  	s25 =	simm.s32 $0x9C80;
	[smem:$0x7DE] =	sst s24  }
0xa0: {  	s26 =	simm.s32 $0x9D00;
	[smem:$0x7DF] =	sst s25  }
0xa1: {  	s11 =	simm.s32 $0x9D80;
	[smem:$0x7E0] =	sst s26  }
0xa2: {  	s28 =	simm.s32 $0xAE00;
	s13 =	simm.s32 $0x9E00;
	[smem:$0x7E1] =	sst s11  }
0xa3: {  	s29 =	simm.s32 $0xAE80;
	s14 =	simm.s32 $0x9E80;
	[smem:$0x7E2] =	sst s13  }
0xa4: {  	s30 =	simm.s32 $0xAF00;
	s16 =	simm.s32 $0x9F00;
	[smem:$0x7E3] =	sst s14  }
0xa5: {  	s31 =	simm.s32 $0xAF80;
	[smem:$0x7E4] =	sst s16;
	s18 =	simm.s32 $0x9F80  }
0xa6: {  	s12 =	stileid.u32;
	s19 =	simm.s32 $0xA000;
	[smem:$0x7E5] =	sst s18  }
0xa7: {  	s6 =	sshrl.u32 s12, $0x3;
	s20 =	simm.s32 $0xA080;
	[smem:$0x7E6] =	sst s19  }
0xa8: {  	s7 =	sshll.u32 s12, $0x7;
	s23 =	simm.s32 $0xA180;
	[smem:$0x7E7] =	sst s20  }
0xa9: {  	s8 =	smul.u32 $0x2800, s12;
	s25 =	simm.s32 $0xA200;
	[smem:$0x7E9] =	sst s23  }
0xaa: {  	s11 =	smul.u32 $0x50000, s12;
	s26 =	simm.s32 $0xA280;
	[smem:$0x7EA] =	sst s25  }
0xab: {  	s24 =	sshll.u32 s12, $0x6;
	s12 =	simm.s32 $0xA380;
	[smem:$0x7EC] =	sst s26  }
0xac: {  	s22 =	srdreg.scid;
	s16 =	simm.s32 $0xA480;
	[smem:$0x7EF] =	sst s12  }
0xad: {  	s6 =	smul.u32 $0x13C00, s6;
	[smem:$0x7F2] =	sst s16;
	s18 =	simm.s32 $0xA500  }
0xae: {  	s7 =	sand.u32 $0x380, s7;
	s20 =	simm.s32 $0xA580;
	[smem:$0x7F4] =	sst s18  }
0xaf: {  	s14 =	sor.u32 $0x1C02, s24;
	s23 =	simm.s32 $0xA700;
	[smem:$0x7F5] =	sst s20  }
0xb0: {  	s12 =	simm.s32 $0x2;
	s24 =	simm.s32 $0xA780;
	[smem:$0x7F8] =	sst s23  }
0xb1: {  	s25 =	simm.s32 $0xA800;
	s16 =	simm.s32 $0x4F00;
	[smem:$0x7F9] =	sst s24  }
0xb2: {  	s26 =	simm.s32 $0xA880;
	s21 =	sshrl.u32 s11, $0x2;
	[smem:$0x7FA] =	sst s25  }
0xb3: {  	[smem:$0x7FB] =	sst s26;
	s18 =	simm.s32 $0xA980;
	s20 =	simm.s32 $0xAA80  }
0xb4: {  	s23 =	simm.s32 $0xAC00;
	s24 =	simm.s32 $0xAC80;
	s25 =	simm.s32 $0xAD00  }
0xb5: {  	s26 =	simm.s32 $0xAD80;
	[smem:$0x7FC] =	sst s14;
	s6 =	sor.u32 s7, s6  }
0xb6: {  	s7 =	sand.u32 $0x1, s22;
	s22 =	simm.s32 $0xA100;
	s11 =	sadd.s32 s21, s2  }
0xb7: {  	s21 =	simm.s32 $0xA600;
	s6 =	sshrl.u32 s6, $0x3;
	s9 =	smul.u32 $0x28000, s7  }
0xb8: {  	s15 =	ssub.s32 $0x2, s7;
	[smem:$0x7E8] =	sst s22;
	s13 =	sshll.u32 s7, $0x7  }
0xb9: {  	[smem:$0x7F6] =	sst s21;
	s22 =	simm.s32 $0xA680;
	s21 =	simm.s32 $0xAB00  }
0xba: {  	s7 =	simm.s32 $0xB280;
	s10 =	sadd.s32 s6, s4;
	s17 =	sshrl.u32 s15, $0x1  }
0xbb: {  	s1 =	sadd.s32 s1, s6;
	[smem:$0x7F7] =	sst s22;
	s22 =	simm.s32 $0xAB80  }
0xbc: {  	s6 =	simm.s32 $0xB200;
	s8 =	sadd.s32 s8, s9;
	s9 =	ssub.s32 s15, s17  }
0xbd: {  	[smem:$0x7EB] =	sst s1;
	s10 =	sadd.s32 $0x2C00, s10;
	s15 =	simm.s32 $0xA400  }
0xbe: {  	v0 =	vimm.s32 $0x7;
	s1 =	simm.s32 $0xB100;
	s4 =	sadd.s32 s8, s4;
	[smem:$0x7ED] =	sst s10  }
0xbf: {  	v1 =	vimm.s32 $0x1;
	v2 =	vimm.s32 $0x0;
	v3 =	vlaneseq.u32;
	s8 =	simm.s32 $0xA300;
	[smem:$0x7F0] =	sst s15;
	s19 =	smax.u32 s9, $0x1  }
0xc0: {  	vm0 =	vmmov $0x1;
	v4 =	vimm.s32 $0x2;
	v5 =	vimm.s32 $0x3;
	s10 =	sshrl.u32 s11, $0x3;
	s15 =	simm.s32 $0xB180;
	s9 =	simm.s32 $0xC8  }
0xc1: {  	v6 =	vimm.s32 $0x4;
	v7 =	vimm.s32 $0x5;
	v8 =	vimm.s32 $0x6;
	s11 =	simm.s32 $0x0;
	[smem:$0x7EE] =	sst s8;
	s8 =	sadd.s32 s0, s13  }
0xc2: {  	v9 =	vimm.s32 $0x8;
	v10 =	vimm.s32 $0x9;
	v11 =	vimm.s32 $0xA;
	s17 =	sadd.s32 $0x7C00, s4;
	[smem:$0x7F3] =	sst s19;
	s19 =	simm.s32 $0xAA00  }
0xc3: {  	v12 =	vimm.s32 $0xB;
	v13 =	vimm.s32 $0xC;
	v14 =	vimm.s32 $0xD;
	s0 =	simm.s32 $0xB000;
	s4 =	simm.s32 $0xB080;
	[smem:$0x7FD] =	sst s10  }
0xc4: {  	v15 =	vimm.s32 $0xE;
	v16 =	vimm.s32 $0xF;
	v3 =	vmul.u32 $0x8, v3;
	s13 =	simm.s32 $0x1;
	[smem:$0x7F1] =	sst s17;
	s17 =	simm.s32 $0xA900  }
.LBB2_1:
0xc5: {  	[smem:$0x75E] =	sst s11  }
0xc6: {  	s5 =	rddreg [dreg:$0x3]  }
0xc7: {  	[spmem:s10], [sflag:s14] =	dma.local [hbm:s5], $0x2800  }
0xc8: {  	_ =	swait.ge [sflag:s12], $0x2800  }
0xc9: {  	s14 =	sld [smem:$0x7EB]  }
0xca: {  	[sflag:s12] =	ssyncset.done $0x0  }
0xcb: {  	s11 =	simm.s32 $0x400;
	s10 =	simm.s32 $0x80;
	[sflag:s12] =	ssyncadd.s32 $0xFFFFD800  }
0xcc: {  	[tilespmem:s3], [sflag:$0x2] =	stream.strided.gather [hbm4b:s14+s10], $0x2780, s11, s10, $0x38;
	[tilespmem:$0x1F300] =	vst v63  }
0xcd: {  	_ =	swait.ge [sflag:s12], $0x2780  }
0xce: {  	s5 =	sld [smem:$0x7ED]  }
0xcf: {  	[sflag:s12] =	ssyncset.done $0x0  }
0xd0: {  	s14 =	simm.s32 $0x2780;
	[sflag:s12] =	ssyncadd.s32 $0xFFFFD880  }
0xd1: {  	[tilespmem:s14], [sflag:$0x2] =	stream.strided.gather [hbm4b:s5+s10], $0x2780, s11, s10, $0x38;
	[tilespmem:$0x1F300] =	vst v63  }
0xd2: {  	_ =	swait.ge [sflag:s12], $0x2780  }
0xd3: {  	[sflag:s12] =	ssyncset.done $0x0  }
0xd4: {  	[sflag:s12] =	ssyncadd.s32 $0xFFFFD880  }
0xd5: {  	s10 =	simm.s32 $0x0;
	[bflag:$0x0] =	sbarrier.arrive $0xFFFF  }
.LBB2_2:
0xd6: {  	s5 =	sshra.s32 s10, $0x2  }
0xd7: {  	v17 =	vld [tilespmem:s5+$0x0];
	_ =	sdelay $0x4  }
0xd8: {  	v18 =	vshll.u32 v17, $0x1  }
0xd9: {  	v17 =	vand.u32 $0x7, v17;
	v18 =	vand.u32 $0xFFFFFFF0, v18  }
0xda: {  	v17 =	vor.u32 v17, v18  }
0xdb: {  	v18 =	vperm.xlane v17, v2;
	_ =	sdelay $0x1  }
0xdc: {  	v19 =	vperm.xlane v17, v1;
	v18 =	vadd.s32 v3, v18;
	_ =	sdelay $0x1  }
0xdd: {  	v20 =	vperm.xlane v17, v4;
	v19 =	vadd.s32 v3, v19;
	_ =	sdelay $0x1  }
0xde: {  	v21 =	vperm.xlane v17, v5;
	v20 =	vadd.s32 v3, v20  }
0xdf: {  	[tilespmem:s16], [sflag:$0x1] =	stream.indirect_vreg.gather [hbm4b:s8+s3], $0x80, v18, vm0, $0xb8;
	[tilespmem:$0x1F300] =	vst v63  }
0xe0: {  	s11 =	rddreg [dreg:$0x6];
	v56 =	vperm.xlane v17, v6;
	v18 =	vadd.s32 v3, v21  }
0xe1: {  	[tilespmem:s11], [sflag:$0x1] =	stream.indirect_vreg.gather [hbm4b:s8+s3], $0x80, v19, vm0, $0xb8;
	[tilespmem:$0x1F300] =	vst v63  }
0xe2: {  	s14 =	rddreg [dreg:$0x7];
	v57 =	vperm.xlane v17, v7;
	v19 =	vadd.s32 v3, v56  }
0xe3: {  	[tilespmem:s14], [sflag:$0x1] =	stream.indirect_vreg.gather [hbm4b:s8+s3], $0x80, v20, vm0, $0xb8;
	[tilespmem:$0x1F300] =	vst v63  }
0xe4: {  	v59 =	vperm.xlane v17, v8;
	v58 =	vadd.s32 v3, v57;
	s11 =	rddreg [dreg:$0x8]  }
0xe5: {  	[tilespmem:s11], [sflag:$0x1] =	stream.indirect_vreg.gather [hbm4b:s8+s3], $0x80, v18, vm0, $0xb8;
	[tilespmem:$0x1F300] =	vst v63  }
0xe6: {  	v60 =	vperm.xlane v17, v0;
	s14 =	rddreg [dreg:$0x9];
	v18 =	vadd.s32 v3, v59  }
0xe7: {  	[tilespmem:s14], [sflag:$0x1] =	stream.indirect_vreg.gather [hbm4b:s8+s3], $0x80, v19, vm0, $0xb8;
	[tilespmem:$0x1F300] =	vst v63  }
0xe8: {  	v61 =	vperm.xlane v17, v9;
	s11 =	rddreg [dreg:$0xa];
	v19 =	vadd.s32 v3, v60  }
0xe9: {  	[tilespmem:s11], [sflag:$0x1] =	stream.indirect_vreg.gather [hbm4b:s8+s3], $0x80, v58, vm0, $0xb8;
	[tilespmem:$0x1F300] =	vst v63  }
0xea: {  	v63 =	vperm.xlane v17, v10;
	v62 =	vadd.s32 v3, v61;
	s14 =	rddreg [dreg:$0xb]  }
0xeb: {  	[tilespmem:s14], [sflag:$0x1] =	stream.indirect_vreg.gather [hbm4b:s8+s3], $0x80, v18, vm0, $0xb8;
	[tilespmem:$0x1F300] =	vst v63  }
0xec: {  	v24 =	vperm.xlane v17, v11;
	s11 =	rddreg [dreg:$0xc];
	v18 =	vadd.s32 v3, v63  }
0xed: {  	[tilespmem:s11], [sflag:$0x1] =	stream.indirect_vreg.gather [hbm4b:s8+s3], $0x80, v19, vm0, $0xb8;
	[tilespmem:$0x1F300] =	vst v63  }
0xee: {  	v25 =	vperm.xlane v17, v12;
	s14 =	rddreg [dreg:$0xd];
	v19 =	vadd.s32 v3, v24  }
0xef: {  	[tilespmem:s14], [sflag:$0x1] =	stream.indirect_vreg.gather [hbm4b:s8+s3], $0x80, v62, vm0, $0xb8;
	[tilespmem:$0x1F300] =	vst v63  }
0xf0: {  	v27 =	vperm.xlane v17, v13;
	v26 =	vadd.s32 v3, v25;
	s11 =	rddreg [dreg:$0xe]  }
0xf1: {  	[tilespmem:s11], [sflag:$0x1] =	stream.indirect_vreg.gather [hbm4b:s8+s3], $0x80, v18, vm0, $0xb8;
	[tilespmem:$0x1F300] =	vst v63  }
0xf2: {  	v28 =	vperm.xlane v17, v14;
	s14 =	rddreg [dreg:$0xf];
	v18 =	vadd.s32 v3, v27  }
0xf3: {  	[tilespmem:s14], [sflag:$0x1] =	stream.indirect_vreg.gather [hbm4b:s8+s3], $0x80, v19, vm0, $0xb8;
	[tilespmem:$0x1F300] =	vst v63  }
0xf4: {  	v29 =	vperm.xlane v17, v15;
	s11 =	rddreg [dreg:$0x10];
	v19 =	vadd.s32 v3, v28  }
0xf5: {  	[tilespmem:s11], [sflag:$0x1] =	stream.indirect_vreg.gather [hbm4b:s8+s3], $0x80, v26, vm0, $0xb8;
	[tilespmem:$0x1F300] =	vst v63  }
0xf6: {  	v17 =	vperm.xlane v17, v16;
	v30 =	vadd.s32 v3, v29;
	s14 =	rddreg [dreg:$0x11]  }
0xf7: {  	[tilespmem:s14], [sflag:$0x1] =	stream.indirect_vreg.gather [hbm4b:s8+s3], $0x80, v18, vm0, $0xb8;
	[tilespmem:$0x1F300] =	vst v63  }
0xf8: {  	v17 =	vadd.s32 v3, v17;
	s11 =	rddreg [dreg:$0x12]  }
0xf9: {  	[tilespmem:s11], [sflag:$0x1] =	stream.indirect_vreg.gather [hbm4b:s8+s3], $0x80, v19, vm0, $0xb8;
	[tilespmem:$0x1F300] =	vst v63  }
0xfa: {  	s14 =	rddreg [dreg:$0x13]  }
0xfb: {  	[tilespmem:s14], [sflag:$0x1] =	stream.indirect_vreg.gather [hbm4b:s8+s3], $0x80, v30, vm0, $0xb8;
	[tilespmem:$0x1F300] =	vst v63  }
0xfc: {  	s11 =	rddreg [dreg:$0x14]  }
0xfd: {  	[tilespmem:s11], [sflag:$0x1] =	stream.indirect_vreg.gather [hbm4b:s8+s3], $0x80, v17, vm0, $0xb8;
	[tilespmem:$0x1F300] =	vst v63  }
0xfe: {  	v17 =	vld [tilespmem:s5+$0x10];
	_ =	sdelay $0x4  }
0xff: {  	v18 =	vshll.u32 v17, $0x1  }
0x100: {  	v17 =	vand.u32 $0x7, v17;
	v18 =	vand.u32 $0xFFFFFFF0, v18  }
0x101: {  	v17 =	vor.u32 v17, v18  }
0x102: {  	v18 =	vperm.xlane v17, v2;
	_ =	sdelay $0x1  }
0x103: {  	v19 =	vperm.xlane v17, v1;
	v18 =	vadd.s32 v3, v18;
	_ =	sdelay $0x1  }
0x104: {  	v31 =	vperm.xlane v17, v4;
	v19 =	vadd.s32 v3, v19  }
0x105: {  	s14 =	rddreg [dreg:$0x16]  }
0x106: {  	s11 =	rddreg [dreg:$0x15];
	v32 =	vperm.xlane v17, v5;
	v20 =	vadd.s32 v3, v31  }
0x107: {  	[tilespmem:s11], [sflag:$0x1] =	stream.indirect_vreg.gather [hbm4b:s8+s3], $0x80, v18, vm0, $0xb8;
	[tilespmem:$0x1F300] =	vst v63  }
0x108: {  	v33 =	vperm.xlane v17, v6;
	s11 =	rddreg [dreg:$0x17];
	v18 =	vadd.s32 v3, v32  }
0x109: {  	[tilespmem:s14], [sflag:$0x1] =	stream.indirect_vreg.gather [hbm4b:s8+s3], $0x80, v19, vm0, $0xb8;
	[tilespmem:$0x1F300] =	vst v63  }
0x10a: {  	v34 =	vperm.xlane v17, v7;
	s14 =	rddreg [dreg:$0x18];
	v19 =	vadd.s32 v3, v33  }
0x10b: {  	[tilespmem:s11], [sflag:$0x1] =	stream.indirect_vreg.gather [hbm4b:s8+s3], $0x80, v20, vm0, $0xb8;
	[tilespmem:$0x1F300] =	vst v63  }
0x10c: {  	v36 =	vperm.xlane v17, v8;
	v35 =	vadd.s32 v3, v34;
	s11 =	rddreg [dreg:$0x19]  }
0x10d: {  	[tilespmem:s14], [sflag:$0x1] =	stream.indirect_vreg.gather [hbm4b:s8+s3], $0x80, v18, vm0, $0xb8;
	[tilespmem:$0x1F300] =	vst v63  }
0x10e: {  	v37 =	vperm.xlane v17, v0;
	s14 =	rddreg [dreg:$0x1a];
	v18 =	vadd.s32 v3, v36  }
0x10f: {  	[tilespmem:s11], [sflag:$0x1] =	stream.indirect_vreg.gather [hbm4b:s8+s3], $0x80, v19, vm0, $0xb8;
	[tilespmem:$0x1F300] =	vst v63  }
0x110: {  	v38 =	vperm.xlane v17, v9;
	s11 =	rddreg [dreg:$0x1b];
	v19 =	vadd.s32 v3, v37  }
0x111: {  	[tilespmem:s14], [sflag:$0x1] =	stream.indirect_vreg.gather [hbm4b:s8+s3], $0x80, v35, vm0, $0xb8;
	[tilespmem:$0x1F300] =	vst v63  }
0x112: {  	v40 =	vperm.xlane v17, v10;
	v39 =	vadd.s32 v3, v38;
	s14 =	rddreg [dreg:$0x1c]  }
0x113: {  	[tilespmem:s11], [sflag:$0x1] =	stream.indirect_vreg.gather [hbm4b:s8+s3], $0x80, v18, vm0, $0xb8;
	[tilespmem:$0x1F300] =	vst v63  }
0x114: {  	v41 =	vperm.xlane v17, v11;
	s11 =	rddreg [dreg:$0x1d];
	v18 =	vadd.s32 v3, v40  }
0x115: {  	[tilespmem:s14], [sflag:$0x1] =	stream.indirect_vreg.gather [hbm4b:s8+s3], $0x80, v19, vm0, $0xb8;
	[tilespmem:$0x1F300] =	vst v63  }
0x116: {  	v42 =	vperm.xlane v17, v12;
	s14 =	rddreg [dreg:$0x1e];
	v19 =	vadd.s32 v3, v41  }
0x117: {  	[tilespmem:s11], [sflag:$0x1] =	stream.indirect_vreg.gather [hbm4b:s8+s3], $0x80, v39, vm0, $0xb8;
	[tilespmem:$0x1F300] =	vst v63  }
0x118: {  	v44 =	vperm.xlane v17, v13;
	v43 =	vadd.s32 v3, v42;
	s11 =	rddreg [dreg:$0x1f]  }
0x119: {  	[tilespmem:s14], [sflag:$0x1] =	stream.indirect_vreg.gather [hbm4b:s8+s3], $0x80, v18, vm0, $0xb8;
	[tilespmem:$0x1F300] =	vst v63  }
0x11a: {  	v45 =	vperm.xlane v17, v14;
	s14 =	sld [smem:$0x75F];
	v18 =	vadd.s32 v3, v44  }
0x11b: {  	[tilespmem:s11], [sflag:$0x1] =	stream.indirect_vreg.gather [hbm4b:s8+s3], $0x80, v19, vm0, $0xb8;
	[tilespmem:$0x1F300] =	vst v63  }
0x11c: {  	v46 =	vperm.xlane v17, v15;
	s11 =	sld [smem:$0x760];
	v19 =	vadd.s32 v3, v45  }
0x11d: {  	[tilespmem:s14], [sflag:$0x1] =	stream.indirect_vreg.gather [hbm4b:s8+s3], $0x80, v43, vm0, $0xb8;
	[tilespmem:$0x1F300] =	vst v63  }
0x11e: {  	v17 =	vperm.xlane v17, v16;
	v47 =	vadd.s32 v3, v46;
	s14 =	sld [smem:$0x761]  }
0x11f: {  	[tilespmem:s11], [sflag:$0x1] =	stream.indirect_vreg.gather [hbm4b:s8+s3], $0x80, v18, vm0, $0xb8;
	[tilespmem:$0x1F300] =	vst v63  }
0x120: {  	v17 =	vadd.s32 v3, v17;
	s11 =	sld [smem:$0x762]  }
0x121: {  	[tilespmem:s14], [sflag:$0x1] =	stream.indirect_vreg.gather [hbm4b:s8+s3], $0x80, v19, vm0, $0xb8;
	[tilespmem:$0x1F300] =	vst v63  }
0x122: {  	s14 =	sld [smem:$0x763]  }
0x123: {  	[tilespmem:s11], [sflag:$0x1] =	stream.indirect_vreg.gather [hbm4b:s8+s3], $0x80, v47, vm0, $0xb8;
	[tilespmem:$0x1F300] =	vst v63  }
0x124: {  	_ = 	snop  }
0x125: {  	[tilespmem:s14], [sflag:$0x1] =	stream.indirect_vreg.gather [hbm4b:s8+s3], $0x80, v17, vm0, $0xb8;
	[tilespmem:$0x1F300] =	vst v63  }
0x126: {  	v17 =	vld [tilespmem:s5+$0x20];
	_ =	sdelay $0x4  }
0x127: {  	v18 =	vshll.u32 v17, $0x1  }
0x128: {  	v17 =	vand.u32 $0x7, v17;
	v18 =	vand.u32 $0xFFFFFFF0, v18  }
0x129: {  	v17 =	vor.u32 v17, v18  }
0x12a: {  	v18 =	vperm.xlane v17, v2;
	_ =	sdelay $0x1  }
0x12b: {  	v19 =	vperm.xlane v17, v1;
	v18 =	vadd.s32 v3, v18;
	_ =	sdelay $0x1  }
0x12c: {  	s11 =	sld [smem:$0x764];
	v48 =	vperm.xlane v17, v4;
	v19 =	vadd.s32 v3, v19;
	_ =	sdelay $0x1  }
0x12d: {  	s14 =	sld [smem:$0x765];
	v49 =	vperm.xlane v17, v5;
	v20 =	vadd.s32 v3, v48  }
0x12e: {  	[tilespmem:s11], [sflag:$0x1] =	stream.indirect_vreg.gather [hbm4b:s8+s3], $0x80, v18, vm0, $0xb8;
	[tilespmem:$0x1F300] =	vst v63  }
0x12f: {  	v50 =	vperm.xlane v17, v6;
	s11 =	sld [smem:$0x766];
	v18 =	vadd.s32 v3, v49  }
0x130: {  	[tilespmem:s14], [sflag:$0x1] =	stream.indirect_vreg.gather [hbm4b:s8+s3], $0x80, v19, vm0, $0xb8;
	[tilespmem:$0x1F300] =	vst v63  }
0x131: {  	v51 =	vperm.xlane v17, v7;
	s14 =	sld [smem:$0x767];
	v19 =	vadd.s32 v3, v50  }
0x132: {  	[tilespmem:s11], [sflag:$0x1] =	stream.indirect_vreg.gather [hbm4b:s8+s3], $0x80, v20, vm0, $0xb8;
	[tilespmem:$0x1F300] =	vst v63  }
0x133: {  	v53 =	vperm.xlane v17, v8;
	v52 =	vadd.s32 v3, v51;
	s11 =	sld [smem:$0x768]  }
0x134: {  	[tilespmem:s14], [sflag:$0x1] =	stream.indirect_vreg.gather [hbm4b:s8+s3], $0x80, v18, vm0, $0xb8;
	[tilespmem:$0x1F300] =	vst v63  }
0x135: {  	v54 =	vperm.xlane v17, v0;
	s14 =	sld [smem:$0x769];
	v18 =	vadd.s32 v3, v53  }
0x136: {  	[tilespmem:s11], [sflag:$0x1] =	stream.indirect_vreg.gather [hbm4b:s8+s3], $0x80, v19, vm0, $0xb8;
	[tilespmem:$0x1F300] =	vst v63  }
0x137: {  	v55 =	vperm.xlane v17, v9;
	s11 =	sld [smem:$0x76A];
	v19 =	vadd.s32 v3, v54  }
0x138: {  	[tilespmem:s14], [sflag:$0x1] =	stream.indirect_vreg.gather [hbm4b:s8+s3], $0x80, v52, vm0, $0xb8;
	[tilespmem:$0x1F300] =	vst v63  }
0x139: {  	v57 =	vperm.xlane v17, v10;
	v56 =	vadd.s32 v3, v55;
	s14 =	sld [smem:$0x76B]  }
0x13a: {  	[tilespmem:s11], [sflag:$0x1] =	stream.indirect_vreg.gather [hbm4b:s8+s3], $0x80, v18, vm0, $0xb8;
	[tilespmem:$0x1F300] =	vst v63  }
0x13b: {  	v58 =	vperm.xlane v17, v11;
	s11 =	sld [smem:$0x76C];
	v18 =	vadd.s32 v3, v57  }
0x13c: {  	[tilespmem:s14], [sflag:$0x1] =	stream.indirect_vreg.gather [hbm4b:s8+s3], $0x80, v19, vm0, $0xb8;
	[tilespmem:$0x1F300] =	vst v63  }
0x13d: {  	v59 =	vperm.xlane v17, v12;
	s14 =	sld [smem:$0x76D];
	v19 =	vadd.s32 v3, v58  }
0x13e: {  	[tilespmem:s11], [sflag:$0x1] =	stream.indirect_vreg.gather [hbm4b:s8+s3], $0x80, v56, vm0, $0xb8;
	[tilespmem:$0x1F300] =	vst v63  }
0x13f: {  	v61 =	vperm.xlane v17, v13;
	v60 =	vadd.s32 v3, v59;
	s11 =	sld [smem:$0x76E]  }
0x140: {  	[tilespmem:s14], [sflag:$0x1] =	stream.indirect_vreg.gather [hbm4b:s8+s3], $0x80, v18, vm0, $0xb8;
	[tilespmem:$0x1F300] =	vst v63  }
0x141: {  	v62 =	vperm.xlane v17, v14;
	s14 =	sld [smem:$0x76F];
	v18 =	vadd.s32 v3, v61  }
0x142: {  	[tilespmem:s11], [sflag:$0x1] =	stream.indirect_vreg.gather [hbm4b:s8+s3], $0x80, v19, vm0, $0xb8;
	[tilespmem:$0x1F300] =	vst v63  }
0x143: {  	v63 =	vperm.xlane v17, v15;
	s11 =	sld [smem:$0x770];
	v19 =	vadd.s32 v3, v62  }
0x144: {  	[tilespmem:s14], [sflag:$0x1] =	stream.indirect_vreg.gather [hbm4b:s8+s3], $0x80, v60, vm0, $0xb8;
	[tilespmem:$0x1F300] =	vst v63  }
0x145: {  	v17 =	vperm.xlane v17, v16;
	v24 =	vadd.s32 v3, v63;
	s14 =	sld [smem:$0x771]  }
0x146: {  	[tilespmem:s11], [sflag:$0x1] =	stream.indirect_vreg.gather [hbm4b:s8+s3], $0x80, v18, vm0, $0xb8;
	[tilespmem:$0x1F300] =	vst v63  }
0x147: {  	v17 =	vadd.s32 v3, v17;
	s11 =	sld [smem:$0x772]  }
0x148: {  	[tilespmem:s14], [sflag:$0x1] =	stream.indirect_vreg.gather [hbm4b:s8+s3], $0x80, v19, vm0, $0xb8;
	[tilespmem:$0x1F300] =	vst v63  }
0x149: {  	s14 =	sld [smem:$0x773]  }
0x14a: {  	[tilespmem:s11], [sflag:$0x1] =	stream.indirect_vreg.gather [hbm4b:s8+s3], $0x80, v24, vm0, $0xb8;
	[tilespmem:$0x1F300] =	vst v63  }
0x14b: {  	_ = 	snop  }
0x14c: {  	[tilespmem:s14], [sflag:$0x1] =	stream.indirect_vreg.gather [hbm4b:s8+s3], $0x80, v17, vm0, $0xb8;
	[tilespmem:$0x1F300] =	vst v63  }
0x14d: {  	v17 =	vld [tilespmem:s5+$0x30];
	_ =	sdelay $0x4  }
0x14e: {  	v18 =	vshll.u32 v17, $0x1  }
0x14f: {  	v17 =	vand.u32 $0x7, v17;
	v18 =	vand.u32 $0xFFFFFFF0, v18  }
0x150: {  	v17 =	vor.u32 v17, v18  }
0x151: {  	v18 =	vperm.xlane v17, v2;
	_ =	sdelay $0x1  }
0x152: {  	v19 =	vperm.xlane v17, v1;
	v18 =	vadd.s32 v3, v18;
	_ =	sdelay $0x1  }
0x153: {  	s11 =	sld [smem:$0x774];
	v25 =	vperm.xlane v17, v4;
	v19 =	vadd.s32 v3, v19;
	_ =	sdelay $0x1  }
0x154: {  	s14 =	sld [smem:$0x775];
	v26 =	vperm.xlane v17, v5;
	v20 =	vadd.s32 v3, v25  }
0x155: {  	[tilespmem:s11], [sflag:$0x1] =	stream.indirect_vreg.gather [hbm4b:s8+s3], $0x80, v18, vm0, $0xb8;
	[tilespmem:$0x1F300] =	vst v63  }
0x156: {  	v27 =	vperm.xlane v17, v6;
	s11 =	sld [smem:$0x776];
	v18 =	vadd.s32 v3, v26  }
0x157: {  	[tilespmem:s14], [sflag:$0x1] =	stream.indirect_vreg.gather [hbm4b:s8+s3], $0x80, v19, vm0, $0xb8;
	[tilespmem:$0x1F300] =	vst v63  }
0x158: {  	v28 =	vperm.xlane v17, v7;
	s14 =	sld [smem:$0x777];
	v19 =	vadd.s32 v3, v27  }
0x159: {  	[tilespmem:s11], [sflag:$0x1] =	stream.indirect_vreg.gather [hbm4b:s8+s3], $0x80, v20, vm0, $0xb8;
	[tilespmem:$0x1F300] =	vst v63  }
0x15a: {  	v30 =	vperm.xlane v17, v8;
	v29 =	vadd.s32 v3, v28;
	s11 =	sld [smem:$0x778]  }
0x15b: {  	[tilespmem:s14], [sflag:$0x1] =	stream.indirect_vreg.gather [hbm4b:s8+s3], $0x80, v18, vm0, $0xb8;
	[tilespmem:$0x1F300] =	vst v63  }
0x15c: {  	v31 =	vperm.xlane v17, v0;
	s14 =	sld [smem:$0x779];
	v18 =	vadd.s32 v3, v30  }
0x15d: {  	[tilespmem:s11], [sflag:$0x1] =	stream.indirect_vreg.gather [hbm4b:s8+s3], $0x80, v19, vm0, $0xb8;
	[tilespmem:$0x1F300] =	vst v63  }
0x15e: {  	v32 =	vperm.xlane v17, v9;
	s11 =	sld [smem:$0x77A];
	v19 =	vadd.s32 v3, v31  }
0x15f: {  	[tilespmem:s14], [sflag:$0x1] =	stream.indirect_vreg.gather [hbm4b:s8+s3], $0x80, v29, vm0, $0xb8;
	[tilespmem:$0x1F300] =	vst v63  }
0x160: {  	v34 =	vperm.xlane v17, v10;
	v33 =	vadd.s32 v3, v32;
	s14 =	sld [smem:$0x77B]  }
0x161: {  	[tilespmem:s11], [sflag:$0x1] =	stream.indirect_vreg.gather [hbm4b:s8+s3], $0x80, v18, vm0, $0xb8;
	[tilespmem:$0x1F300] =	vst v63  }
0x162: {  	v35 =	vperm.xlane v17, v11;
	s11 =	sld [smem:$0x77C];
	v18 =	vadd.s32 v3, v34  }
0x163: {  	[tilespmem:s14], [sflag:$0x1] =	stream.indirect_vreg.gather [hbm4b:s8+s3], $0x80, v19, vm0, $0xb8;
	[tilespmem:$0x1F300] =	vst v63  }
0x164: {  	v36 =	vperm.xlane v17, v12;
	s14 =	sld [smem:$0x77D];
	v19 =	vadd.s32 v3, v35  }
0x165: {  	[tilespmem:s11], [sflag:$0x1] =	stream.indirect_vreg.gather [hbm4b:s8+s3], $0x80, v33, vm0, $0xb8;
	[tilespmem:$0x1F300] =	vst v63  }
0x166: {  	v38 =	vperm.xlane v17, v13;
	v37 =	vadd.s32 v3, v36;
	s11 =	sld [smem:$0x77E]  }
0x167: {  	[tilespmem:s14], [sflag:$0x1] =	stream.indirect_vreg.gather [hbm4b:s8+s3], $0x80, v18, vm0, $0xb8;
	[tilespmem:$0x1F300] =	vst v63  }
0x168: {  	v39 =	vperm.xlane v17, v14;
	s14 =	sld [smem:$0x77F];
	v18 =	vadd.s32 v3, v38  }
0x169: {  	[tilespmem:s11], [sflag:$0x1] =	stream.indirect_vreg.gather [hbm4b:s8+s3], $0x80, v19, vm0, $0xb8;
	[tilespmem:$0x1F300] =	vst v63  }
0x16a: {  	v40 =	vperm.xlane v17, v15;
	s11 =	sld [smem:$0x780];
	v19 =	vadd.s32 v3, v39  }
0x16b: {  	[tilespmem:s14], [sflag:$0x1] =	stream.indirect_vreg.gather [hbm4b:s8+s3], $0x80, v37, vm0, $0xb8;
	[tilespmem:$0x1F300] =	vst v63  }
0x16c: {  	v17 =	vperm.xlane v17, v16;
	v41 =	vadd.s32 v3, v40;
	s14 =	sld [smem:$0x781]  }
0x16d: {  	[tilespmem:s11], [sflag:$0x1] =	stream.indirect_vreg.gather [hbm4b:s8+s3], $0x80, v18, vm0, $0xb8;
	[tilespmem:$0x1F300] =	vst v63  }
0x16e: {  	v17 =	vadd.s32 v3, v17;
	s11 =	sld [smem:$0x782]  }
0x16f: {  	[tilespmem:s14], [sflag:$0x1] =	stream.indirect_vreg.gather [hbm4b:s8+s3], $0x80, v19, vm0, $0xb8;
	[tilespmem:$0x1F300] =	vst v63  }
0x170: {  	s14 =	sld [smem:$0x783]  }
0x171: {  	[tilespmem:s11], [sflag:$0x1] =	stream.indirect_vreg.gather [hbm4b:s8+s3], $0x80, v41, vm0, $0xb8;
	[tilespmem:$0x1F300] =	vst v63  }
0x172: {  	_ = 	snop  }
0x173: {  	[tilespmem:s14], [sflag:$0x1] =	stream.indirect_vreg.gather [hbm4b:s8+s3], $0x80, v17, vm0, $0xb8;
	[tilespmem:$0x1F300] =	vst v63  }
0x174: {  	v17 =	vld [tilespmem:s5+$0x40];
	_ =	sdelay $0x4  }
0x175: {  	v18 =	vshll.u32 v17, $0x1  }
0x176: {  	v17 =	vand.u32 $0x7, v17;
	v18 =	vand.u32 $0xFFFFFFF0, v18  }
0x177: {  	v17 =	vor.u32 v17, v18  }
0x178: {  	v18 =	vperm.xlane v17, v2;
	_ =	sdelay $0x1  }
0x179: {  	v19 =	vperm.xlane v17, v1;
	v18 =	vadd.s32 v3, v18;
	_ =	sdelay $0x1  }
0x17a: {  	s11 =	sld [smem:$0x784];
	v42 =	vperm.xlane v17, v4;
	v19 =	vadd.s32 v3, v19;
	_ =	sdelay $0x1  }
0x17b: {  	s14 =	sld [smem:$0x785];
	v43 =	vperm.xlane v17, v5;
	v20 =	vadd.s32 v3, v42  }
0x17c: {  	[tilespmem:s11], [sflag:$0x1] =	stream.indirect_vreg.gather [hbm4b:s8+s3], $0x80, v18, vm0, $0xb8;
	[tilespmem:$0x1F300] =	vst v63  }
0x17d: {  	v44 =	vperm.xlane v17, v6;
	s11 =	sld [smem:$0x786];
	v18 =	vadd.s32 v3, v43  }
0x17e: {  	[tilespmem:s14], [sflag:$0x1] =	stream.indirect_vreg.gather [hbm4b:s8+s3], $0x80, v19, vm0, $0xb8;
	[tilespmem:$0x1F300] =	vst v63  }
0x17f: {  	v45 =	vperm.xlane v17, v7;
	s14 =	sld [smem:$0x787];
	v19 =	vadd.s32 v3, v44  }
0x180: {  	[tilespmem:s11], [sflag:$0x1] =	stream.indirect_vreg.gather [hbm4b:s8+s3], $0x80, v20, vm0, $0xb8;
	[tilespmem:$0x1F300] =	vst v63  }
0x181: {  	v47 =	vperm.xlane v17, v8;
	v46 =	vadd.s32 v3, v45;
	s11 =	sld [smem:$0x788]  }
0x182: {  	[tilespmem:s14], [sflag:$0x1] =	stream.indirect_vreg.gather [hbm4b:s8+s3], $0x80, v18, vm0, $0xb8;
	[tilespmem:$0x1F300] =	vst v63  }
0x183: {  	v48 =	vperm.xlane v17, v0;
	s14 =	sld [smem:$0x789];
	v18 =	vadd.s32 v3, v47  }
0x184: {  	[tilespmem:s11], [sflag:$0x1] =	stream.indirect_vreg.gather [hbm4b:s8+s3], $0x80, v19, vm0, $0xb8;
	[tilespmem:$0x1F300] =	vst v63  }
0x185: {  	v49 =	vperm.xlane v17, v9;
	s11 =	sld [smem:$0x78A];
	v19 =	vadd.s32 v3, v48  }
0x186: {  	[tilespmem:s14], [sflag:$0x1] =	stream.indirect_vreg.gather [hbm4b:s8+s3], $0x80, v46, vm0, $0xb8;
	[tilespmem:$0x1F300] =	vst v63  }
0x187: {  	v51 =	vperm.xlane v17, v10;
	v50 =	vadd.s32 v3, v49;
	s14 =	sld [smem:$0x78B]  }
0x188: {  	[tilespmem:s11], [sflag:$0x1] =	stream.indirect_vreg.gather [hbm4b:s8+s3], $0x80, v18, vm0, $0xb8;
	[tilespmem:$0x1F300] =	vst v63  }
0x189: {  	v52 =	vperm.xlane v17, v11;
	s11 =	sld [smem:$0x78C];
	v18 =	vadd.s32 v3, v51  }
0x18a: {  	[tilespmem:s14], [sflag:$0x1] =	stream.indirect_vreg.gather [hbm4b:s8+s3], $0x80, v19, vm0, $0xb8;
	[tilespmem:$0x1F300] =	vst v63  }
0x18b: {  	v53 =	vperm.xlane v17, v12;
	s14 =	sld [smem:$0x78D];
	v19 =	vadd.s32 v3, v52  }
0x18c: {  	[tilespmem:s11], [sflag:$0x1] =	stream.indirect_vreg.gather [hbm4b:s8+s3], $0x80, v50, vm0, $0xb8;
	[tilespmem:$0x1F300] =	vst v63  }
0x18d: {  	v55 =	vperm.xlane v17, v13;
	v54 =	vadd.s32 v3, v53;
	s11 =	sld [smem:$0x78E]  }
0x18e: {  	[tilespmem:s14], [sflag:$0x1] =	stream.indirect_vreg.gather [hbm4b:s8+s3], $0x80, v18, vm0, $0xb8;
	[tilespmem:$0x1F300] =	vst v63  }
0x18f: {  	v56 =	vperm.xlane v17, v14;
	s14 =	sld [smem:$0x78F];
	v18 =	vadd.s32 v3, v55  }
0x190: {  	[tilespmem:s11], [sflag:$0x1] =	stream.indirect_vreg.gather [hbm4b:s8+s3], $0x80, v19, vm0, $0xb8;
	[tilespmem:$0x1F300] =	vst v63  }
0x191: {  	v57 =	vperm.xlane v17, v15;
	s11 =	sld [smem:$0x790];
	v19 =	vadd.s32 v3, v56  }
0x192: {  	[tilespmem:s14], [sflag:$0x1] =	stream.indirect_vreg.gather [hbm4b:s8+s3], $0x80, v54, vm0, $0xb8;
	[tilespmem:$0x1F300] =	vst v63  }
0x193: {  	v17 =	vperm.xlane v17, v16;
	v58 =	vadd.s32 v3, v57;
	s14 =	sld [smem:$0x791]  }
0x194: {  	[tilespmem:s11], [sflag:$0x1] =	stream.indirect_vreg.gather [hbm4b:s8+s3], $0x80, v18, vm0, $0xb8;
	[tilespmem:$0x1F300] =	vst v63  }
0x195: {  	v17 =	vadd.s32 v3, v17;
	s11 =	sld [smem:$0x792]  }
0x196: {  	[tilespmem:s14], [sflag:$0x1] =	stream.indirect_vreg.gather [hbm4b:s8+s3], $0x80, v19, vm0, $0xb8;
	[tilespmem:$0x1F300] =	vst v63  }
0x197: {  	s14 =	sld [smem:$0x793]  }
0x198: {  	[tilespmem:s11], [sflag:$0x1] =	stream.indirect_vreg.gather [hbm4b:s8+s3], $0x80, v58, vm0, $0xb8;
	[tilespmem:$0x1F300] =	vst v63  }
0x199: {  	_ = 	snop  }
0x19a: {  	[tilespmem:s14], [sflag:$0x1] =	stream.indirect_vreg.gather [hbm4b:s8+s3], $0x80, v17, vm0, $0xb8;
	[tilespmem:$0x1F300] =	vst v63  }
0x19b: {  	v17 =	vld [tilespmem:s5+$0x50];
	_ =	sdelay $0x4  }
0x19c: {  	v18 =	vshll.u32 v17, $0x1  }
0x19d: {  	v17 =	vand.u32 $0x7, v17;
	v18 =	vand.u32 $0xFFFFFFF0, v18  }
0x19e: {  	v17 =	vor.u32 v17, v18  }
0x19f: {  	v18 =	vperm.xlane v17, v2;
	_ =	sdelay $0x1  }
0x1a0: {  	v19 =	vperm.xlane v17, v1;
	v18 =	vadd.s32 v3, v18;
	_ =	sdelay $0x1  }
0x1a1: {  	s11 =	sld [smem:$0x794];
	v59 =	vperm.xlane v17, v4;
	v19 =	vadd.s32 v3, v19;
	_ =	sdelay $0x1  }
0x1a2: {  	s14 =	sld [smem:$0x795];
	v60 =	vperm.xlane v17, v5;
	v20 =	vadd.s32 v3, v59  }
0x1a3: {  	[tilespmem:s11], [sflag:$0x1] =	stream.indirect_vreg.gather [hbm4b:s8+s3], $0x80, v18, vm0, $0xb8;
	[tilespmem:$0x1F300] =	vst v63  }
0x1a4: {  	v61 =	vperm.xlane v17, v6;
	s11 =	sld [smem:$0x796];
	v18 =	vadd.s32 v3, v60  }
0x1a5: {  	[tilespmem:s14], [sflag:$0x1] =	stream.indirect_vreg.gather [hbm4b:s8+s3], $0x80, v19, vm0, $0xb8;
	[tilespmem:$0x1F300] =	vst v63  }
0x1a6: {  	v62 =	vperm.xlane v17, v7;
	s14 =	sld [smem:$0x797];
	v19 =	vadd.s32 v3, v61  }
0x1a7: {  	[tilespmem:s11], [sflag:$0x1] =	stream.indirect_vreg.gather [hbm4b:s8+s3], $0x80, v20, vm0, $0xb8;
	[tilespmem:$0x1F300] =	vst v63  }
0x1a8: {  	v24 =	vperm.xlane v17, v8;
	v63 =	vadd.s32 v3, v62;
	s11 =	sld [smem:$0x798]  }
0x1a9: {  	[tilespmem:s14], [sflag:$0x1] =	stream.indirect_vreg.gather [hbm4b:s8+s3], $0x80, v18, vm0, $0xb8;
	[tilespmem:$0x1F300] =	vst v63  }
0x1aa: {  	v25 =	vperm.xlane v17, v0;
	s14 =	sld [smem:$0x799];
	v18 =	vadd.s32 v3, v24  }
0x1ab: {  	[tilespmem:s11], [sflag:$0x1] =	stream.indirect_vreg.gather [hbm4b:s8+s3], $0x80, v19, vm0, $0xb8;
	[tilespmem:$0x1F300] =	vst v63  }
0x1ac: {  	v26 =	vperm.xlane v17, v9;
	s11 =	sld [smem:$0x79A];
	v19 =	vadd.s32 v3, v25  }
0x1ad: {  	[tilespmem:s14], [sflag:$0x1] =	stream.indirect_vreg.gather [hbm4b:s8+s3], $0x80, v63, vm0, $0xb8;
	[tilespmem:$0x1F300] =	vst v63  }
0x1ae: {  	v28 =	vperm.xlane v17, v10;
	v27 =	vadd.s32 v3, v26;
	s14 =	sld [smem:$0x79B]  }
0x1af: {  	[tilespmem:s11], [sflag:$0x1] =	stream.indirect_vreg.gather [hbm4b:s8+s3], $0x80, v18, vm0, $0xb8;
	[tilespmem:$0x1F300] =	vst v63  }
0x1b0: {  	v29 =	vperm.xlane v17, v11;
	s11 =	sld [smem:$0x79C];
	v18 =	vadd.s32 v3, v28  }
0x1b1: {  	[tilespmem:s14], [sflag:$0x1] =	stream.indirect_vreg.gather [hbm4b:s8+s3], $0x80, v19, vm0, $0xb8;
	[tilespmem:$0x1F300] =	vst v63  }
0x1b2: {  	v30 =	vperm.xlane v17, v12;
	s14 =	sld [smem:$0x79D];
	v19 =	vadd.s32 v3, v29  }
0x1b3: {  	[tilespmem:s11], [sflag:$0x1] =	stream.indirect_vreg.gather [hbm4b:s8+s3], $0x80, v27, vm0, $0xb8;
	[tilespmem:$0x1F300] =	vst v63  }
0x1b4: {  	v32 =	vperm.xlane v17, v13;
	v31 =	vadd.s32 v3, v30;
	s11 =	sld [smem:$0x79E]  }
0x1b5: {  	[tilespmem:s14], [sflag:$0x1] =	stream.indirect_vreg.gather [hbm4b:s8+s3], $0x80, v18, vm0, $0xb8;
	[tilespmem:$0x1F300] =	vst v63  }
0x1b6: {  	v33 =	vperm.xlane v17, v14;
	s14 =	sld [smem:$0x79F];
	v18 =	vadd.s32 v3, v32  }
0x1b7: {  	[tilespmem:s11], [sflag:$0x1] =	stream.indirect_vreg.gather [hbm4b:s8+s3], $0x80, v19, vm0, $0xb8;
	[tilespmem:$0x1F300] =	vst v63  }
0x1b8: {  	v34 =	vperm.xlane v17, v15;
	s11 =	sld [smem:$0x7A0];
	v19 =	vadd.s32 v3, v33  }
0x1b9: {  	[tilespmem:s14], [sflag:$0x1] =	stream.indirect_vreg.gather [hbm4b:s8+s3], $0x80, v31, vm0, $0xb8;
	[tilespmem:$0x1F300] =	vst v63  }
0x1ba: {  	v17 =	vperm.xlane v17, v16;
	v35 =	vadd.s32 v3, v34;
	s14 =	sld [smem:$0x7A1]  }
0x1bb: {  	[tilespmem:s11], [sflag:$0x1] =	stream.indirect_vreg.gather [hbm4b:s8+s3], $0x80, v18, vm0, $0xb8;
	[tilespmem:$0x1F300] =	vst v63  }
0x1bc: {  	v17 =	vadd.s32 v3, v17;
	s11 =	sld [smem:$0x7A2]  }
0x1bd: {  	[tilespmem:s14], [sflag:$0x1] =	stream.indirect_vreg.gather [hbm4b:s8+s3], $0x80, v19, vm0, $0xb8;
	[tilespmem:$0x1F300] =	vst v63  }
0x1be: {  	s14 =	sld [smem:$0x7A3]  }
0x1bf: {  	[tilespmem:s11], [sflag:$0x1] =	stream.indirect_vreg.gather [hbm4b:s8+s3], $0x80, v35, vm0, $0xb8;
	[tilespmem:$0x1F300] =	vst v63  }
0x1c0: {  	_ = 	snop  }
0x1c1: {  	[tilespmem:s14], [sflag:$0x1] =	stream.indirect_vreg.gather [hbm4b:s8+s3], $0x80, v17, vm0, $0xb8;
	[tilespmem:$0x1F300] =	vst v63  }
0x1c2: {  	v17 =	vld [tilespmem:s5+$0x60];
	_ =	sdelay $0x4  }
0x1c3: {  	v18 =	vshll.u32 v17, $0x1  }
0x1c4: {  	v17 =	vand.u32 $0x7, v17;
	v18 =	vand.u32 $0xFFFFFFF0, v18  }
0x1c5: {  	v17 =	vor.u32 v17, v18  }
0x1c6: {  	v18 =	vperm.xlane v17, v2;
	_ =	sdelay $0x1  }
0x1c7: {  	v19 =	vperm.xlane v17, v1;
	v18 =	vadd.s32 v3, v18;
	_ =	sdelay $0x1  }
0x1c8: {  	s11 =	sld [smem:$0x7A4];
	v36 =	vperm.xlane v17, v4;
	v19 =	vadd.s32 v3, v19;
	_ =	sdelay $0x1  }
0x1c9: {  	s14 =	sld [smem:$0x7A5];
	v37 =	vperm.xlane v17, v5;
	v20 =	vadd.s32 v3, v36  }
0x1ca: {  	[tilespmem:s11], [sflag:$0x1] =	stream.indirect_vreg.gather [hbm4b:s8+s3], $0x80, v18, vm0, $0xb8;
	[tilespmem:$0x1F300] =	vst v63  }
0x1cb: {  	v38 =	vperm.xlane v17, v6;
	s11 =	sld [smem:$0x7A6];
	v18 =	vadd.s32 v3, v37  }
0x1cc: {  	[tilespmem:s14], [sflag:$0x1] =	stream.indirect_vreg.gather [hbm4b:s8+s3], $0x80, v19, vm0, $0xb8;
	[tilespmem:$0x1F300] =	vst v63  }
0x1cd: {  	v39 =	vperm.xlane v17, v7;
	s14 =	sld [smem:$0x7A7];
	v19 =	vadd.s32 v3, v38  }
0x1ce: {  	[tilespmem:s11], [sflag:$0x1] =	stream.indirect_vreg.gather [hbm4b:s8+s3], $0x80, v20, vm0, $0xb8;
	[tilespmem:$0x1F300] =	vst v63  }
0x1cf: {  	v41 =	vperm.xlane v17, v8;
	v40 =	vadd.s32 v3, v39;
	s11 =	sld [smem:$0x7A8]  }
0x1d0: {  	[tilespmem:s14], [sflag:$0x1] =	stream.indirect_vreg.gather [hbm4b:s8+s3], $0x80, v18, vm0, $0xb8;
	[tilespmem:$0x1F300] =	vst v63  }
0x1d1: {  	v42 =	vperm.xlane v17, v0;
	s14 =	sld [smem:$0x7A9];
	v18 =	vadd.s32 v3, v41  }
0x1d2: {  	[tilespmem:s11], [sflag:$0x1] =	stream.indirect_vreg.gather [hbm4b:s8+s3], $0x80, v19, vm0, $0xb8;
	[tilespmem:$0x1F300] =	vst v63  }
0x1d3: {  	v43 =	vperm.xlane v17, v9;
	s11 =	sld [smem:$0x7AA];
	v19 =	vadd.s32 v3, v42  }
0x1d4: {  	[tilespmem:s14], [sflag:$0x1] =	stream.indirect_vreg.gather [hbm4b:s8+s3], $0x80, v40, vm0, $0xb8;
	[tilespmem:$0x1F300] =	vst v63  }
0x1d5: {  	v45 =	vperm.xlane v17, v10;
	v44 =	vadd.s32 v3, v43;
	s14 =	sld [smem:$0x7AB]  }
0x1d6: {  	[tilespmem:s11], [sflag:$0x1] =	stream.indirect_vreg.gather [hbm4b:s8+s3], $0x80, v18, vm0, $0xb8;
	[tilespmem:$0x1F300] =	vst v63  }
0x1d7: {  	v46 =	vperm.xlane v17, v11;
	s11 =	sld [smem:$0x7AC];
	v18 =	vadd.s32 v3, v45  }
0x1d8: {  	[tilespmem:s14], [sflag:$0x1] =	stream.indirect_vreg.gather [hbm4b:s8+s3], $0x80, v19, vm0, $0xb8;
	[tilespmem:$0x1F300] =	vst v63  }
0x1d9: {  	v47 =	vperm.xlane v17, v12;
	s14 =	sld [smem:$0x7AD];
	v19 =	vadd.s32 v3, v46  }
0x1da: {  	[tilespmem:s11], [sflag:$0x1] =	stream.indirect_vreg.gather [hbm4b:s8+s3], $0x80, v44, vm0, $0xb8;
	[tilespmem:$0x1F300] =	vst v63  }
0x1db: {  	v49 =	vperm.xlane v17, v13;
	v48 =	vadd.s32 v3, v47;
	s11 =	sld [smem:$0x7AE]  }
0x1dc: {  	[tilespmem:s14], [sflag:$0x1] =	stream.indirect_vreg.gather [hbm4b:s8+s3], $0x80, v18, vm0, $0xb8;
	[tilespmem:$0x1F300] =	vst v63  }
0x1dd: {  	v50 =	vperm.xlane v17, v14;
	s14 =	sld [smem:$0x7AF];
	v18 =	vadd.s32 v3, v49  }
0x1de: {  	[tilespmem:s11], [sflag:$0x1] =	stream.indirect_vreg.gather [hbm4b:s8+s3], $0x80, v19, vm0, $0xb8;
	[tilespmem:$0x1F300] =	vst v63  }
0x1df: {  	v51 =	vperm.xlane v17, v15;
	s11 =	sld [smem:$0x7B0];
	v19 =	vadd.s32 v3, v50  }
0x1e0: {  	[tilespmem:s14], [sflag:$0x1] =	stream.indirect_vreg.gather [hbm4b:s8+s3], $0x80, v48, vm0, $0xb8;
	[tilespmem:$0x1F300] =	vst v63  }
0x1e1: {  	v17 =	vperm.xlane v17, v16;
	v52 =	vadd.s32 v3, v51;
	s14 =	sld [smem:$0x7B1]  }
0x1e2: {  	[tilespmem:s11], [sflag:$0x1] =	stream.indirect_vreg.gather [hbm4b:s8+s3], $0x80, v18, vm0, $0xb8;
	[tilespmem:$0x1F300] =	vst v63  }
0x1e3: {  	v17 =	vadd.s32 v3, v17;
	s11 =	sld [smem:$0x7B2]  }
0x1e4: {  	[tilespmem:s14], [sflag:$0x1] =	stream.indirect_vreg.gather [hbm4b:s8+s3], $0x80, v19, vm0, $0xb8;
	[tilespmem:$0x1F300] =	vst v63  }
0x1e5: {  	s14 =	sld [smem:$0x7B3]  }
0x1e6: {  	[tilespmem:s11], [sflag:$0x1] =	stream.indirect_vreg.gather [hbm4b:s8+s3], $0x80, v52, vm0, $0xb8;
	[tilespmem:$0x1F300] =	vst v63  }
0x1e7: {  	_ = 	snop  }
0x1e8: {  	[tilespmem:s14], [sflag:$0x1] =	stream.indirect_vreg.gather [hbm4b:s8+s3], $0x80, v17, vm0, $0xb8;
	[tilespmem:$0x1F300] =	vst v63  }
0x1e9: {  	v17 =	vld [tilespmem:s5+$0x70];
	_ =	sdelay $0x4  }
0x1ea: {  	v18 =	vshll.u32 v17, $0x1  }
0x1eb: {  	v17 =	vand.u32 $0x7, v17;
	v18 =	vand.u32 $0xFFFFFFF0, v18  }
0x1ec: {  	v17 =	vor.u32 v17, v18  }
0x1ed: {  	v18 =	vperm.xlane v17, v2;
	_ =	sdelay $0x1  }
0x1ee: {  	v19 =	vperm.xlane v17, v1;
	v18 =	vadd.s32 v3, v18;
	_ =	sdelay $0x1  }
0x1ef: {  	s11 =	sld [smem:$0x7B4];
	v53 =	vperm.xlane v17, v4;
	v19 =	vadd.s32 v3, v19;
	_ =	sdelay $0x1  }
0x1f0: {  	s14 =	sld [smem:$0x7B5];
	v54 =	vperm.xlane v17, v5;
	v20 =	vadd.s32 v3, v53  }
0x1f1: {  	[tilespmem:s11], [sflag:$0x1] =	stream.indirect_vreg.gather [hbm4b:s8+s3], $0x80, v18, vm0, $0xb8;
	[tilespmem:$0x1F300] =	vst v63  }
0x1f2: {  	v55 =	vperm.xlane v17, v6;
	s11 =	sld [smem:$0x7B6];
	v18 =	vadd.s32 v3, v54  }
0x1f3: {  	[tilespmem:s14], [sflag:$0x1] =	stream.indirect_vreg.gather [hbm4b:s8+s3], $0x80, v19, vm0, $0xb8;
	[tilespmem:$0x1F300] =	vst v63  }
0x1f4: {  	v56 =	vperm.xlane v17, v7;
	s14 =	sld [smem:$0x7B7];
	v19 =	vadd.s32 v3, v55  }
0x1f5: {  	[tilespmem:s11], [sflag:$0x1] =	stream.indirect_vreg.gather [hbm4b:s8+s3], $0x80, v20, vm0, $0xb8;
	[tilespmem:$0x1F300] =	vst v63  }
0x1f6: {  	v58 =	vperm.xlane v17, v8;
	v57 =	vadd.s32 v3, v56;
	s11 =	sld [smem:$0x7B8]  }
0x1f7: {  	[tilespmem:s14], [sflag:$0x1] =	stream.indirect_vreg.gather [hbm4b:s8+s3], $0x80, v18, vm0, $0xb8;
	[tilespmem:$0x1F300] =	vst v63  }
0x1f8: {  	v59 =	vperm.xlane v17, v0;
	s14 =	sld [smem:$0x7B9];
	v18 =	vadd.s32 v3, v58  }
0x1f9: {  	[tilespmem:s11], [sflag:$0x1] =	stream.indirect_vreg.gather [hbm4b:s8+s3], $0x80, v19, vm0, $0xb8;
	[tilespmem:$0x1F300] =	vst v63  }
0x1fa: {  	v60 =	vperm.xlane v17, v9;
	s11 =	sld [smem:$0x7BA];
	v19 =	vadd.s32 v3, v59  }
0x1fb: {  	[tilespmem:s14], [sflag:$0x1] =	stream.indirect_vreg.gather [hbm4b:s8+s3], $0x80, v57, vm0, $0xb8;
	[tilespmem:$0x1F300] =	vst v63  }
0x1fc: {  	v62 =	vperm.xlane v17, v10;
	v61 =	vadd.s32 v3, v60;
	s14 =	sld [smem:$0x7BB]  }
0x1fd: {  	[tilespmem:s11], [sflag:$0x1] =	stream.indirect_vreg.gather [hbm4b:s8+s3], $0x80, v18, vm0, $0xb8;
	[tilespmem:$0x1F300] =	vst v63  }
0x1fe: {  	v63 =	vperm.xlane v17, v11;
	s11 =	sld [smem:$0x7BC];
	v18 =	vadd.s32 v3, v62  }
0x1ff: {  	[tilespmem:s14], [sflag:$0x1] =	stream.indirect_vreg.gather [hbm4b:s8+s3], $0x80, v19, vm0, $0xb8;
	[tilespmem:$0x1F300] =	vst v63  }
0x200: {  	v24 =	vperm.xlane v17, v12;
	s14 =	sld [smem:$0x7BD];
	v19 =	vadd.s32 v3, v63  }
0x201: {  	[tilespmem:s11], [sflag:$0x1] =	stream.indirect_vreg.gather [hbm4b:s8+s3], $0x80, v61, vm0, $0xb8;
	[tilespmem:$0x1F300] =	vst v63  }
0x202: {  	v26 =	vperm.xlane v17, v13;
	v25 =	vadd.s32 v3, v24;
	s11 =	sld [smem:$0x7BE]  }
0x203: {  	[tilespmem:s14], [sflag:$0x1] =	stream.indirect_vreg.gather [hbm4b:s8+s3], $0x80, v18, vm0, $0xb8;
	[tilespmem:$0x1F300] =	vst v63  }
0x204: {  	v27 =	vperm.xlane v17, v14;
	s14 =	sld [smem:$0x7BF];
	v18 =	vadd.s32 v3, v26  }
0x205: {  	[tilespmem:s11], [sflag:$0x1] =	stream.indirect_vreg.gather [hbm4b:s8+s3], $0x80, v19, vm0, $0xb8;
	[tilespmem:$0x1F300] =	vst v63  }
0x206: {  	v28 =	vperm.xlane v17, v15;
	s11 =	sld [smem:$0x7C0];
	v19 =	vadd.s32 v3, v27  }
0x207: {  	[tilespmem:s14], [sflag:$0x1] =	stream.indirect_vreg.gather [hbm4b:s8+s3], $0x80, v25, vm0, $0xb8;
	[tilespmem:$0x1F300] =	vst v63  }
0x208: {  	v17 =	vperm.xlane v17, v16;
	v29 =	vadd.s32 v3, v28;
	s14 =	sld [smem:$0x7C1]  }
0x209: {  	[tilespmem:s11], [sflag:$0x1] =	stream.indirect_vreg.gather [hbm4b:s8+s3], $0x80, v18, vm0, $0xb8;
	[tilespmem:$0x1F300] =	vst v63  }
0x20a: {  	v17 =	vadd.s32 v3, v17;
	s11 =	sld [smem:$0x7C2]  }
0x20b: {  	[tilespmem:s14], [sflag:$0x1] =	stream.indirect_vreg.gather [hbm4b:s8+s3], $0x80, v19, vm0, $0xb8;
	[tilespmem:$0x1F300] =	vst v63  }
0x20c: {  	s14 =	sld [smem:$0x7C3]  }
0x20d: {  	[tilespmem:s11], [sflag:$0x1] =	stream.indirect_vreg.gather [hbm4b:s8+s3], $0x80, v29, vm0, $0xb8;
	[tilespmem:$0x1F300] =	vst v63  }
0x20e: {  	_ = 	snop  }
0x20f: {  	[tilespmem:s14], [sflag:$0x1] =	stream.indirect_vreg.gather [hbm4b:s8+s3], $0x80, v17, vm0, $0xb8;
	[tilespmem:$0x1F300] =	vst v63  }
0x210: {  	v17 =	vld [tilespmem:s5+$0x80];
	_ =	sdelay $0x4  }
0x211: {  	v18 =	vshll.u32 v17, $0x1  }
0x212: {  	v17 =	vand.u32 $0x7, v17;
	v18 =	vand.u32 $0xFFFFFFF0, v18  }
0x213: {  	v17 =	vor.u32 v17, v18  }
0x214: {  	v18 =	vperm.xlane v17, v2;
	_ =	sdelay $0x1  }
0x215: {  	v19 =	vperm.xlane v17, v1;
	v18 =	vadd.s32 v3, v18;
	_ =	sdelay $0x1  }
0x216: {  	s11 =	sld [smem:$0x7C4];
	v30 =	vperm.xlane v17, v4;
	v19 =	vadd.s32 v3, v19;
	_ =	sdelay $0x1  }
0x217: {  	s14 =	sld [smem:$0x7C5];
	v31 =	vperm.xlane v17, v5;
	v20 =	vadd.s32 v3, v30  }
0x218: {  	[tilespmem:s11], [sflag:$0x1] =	stream.indirect_vreg.gather [hbm4b:s8+s3], $0x80, v18, vm0, $0xb8;
	[tilespmem:$0x1F300] =	vst v63  }
0x219: {  	v32 =	vperm.xlane v17, v6;
	s11 =	sld [smem:$0x7C6];
	v18 =	vadd.s32 v3, v31  }
0x21a: {  	[tilespmem:s14], [sflag:$0x1] =	stream.indirect_vreg.gather [hbm4b:s8+s3], $0x80, v19, vm0, $0xb8;
	[tilespmem:$0x1F300] =	vst v63  }
0x21b: {  	v33 =	vperm.xlane v17, v7;
	s14 =	sld [smem:$0x7C7];
	v19 =	vadd.s32 v3, v32  }
0x21c: {  	[tilespmem:s11], [sflag:$0x1] =	stream.indirect_vreg.gather [hbm4b:s8+s3], $0x80, v20, vm0, $0xb8;
	[tilespmem:$0x1F300] =	vst v63  }
0x21d: {  	v35 =	vperm.xlane v17, v8;
	v34 =	vadd.s32 v3, v33;
	s11 =	sld [smem:$0x7C8]  }
0x21e: {  	[tilespmem:s14], [sflag:$0x1] =	stream.indirect_vreg.gather [hbm4b:s8+s3], $0x80, v18, vm0, $0xb8;
	[tilespmem:$0x1F300] =	vst v63  }
0x21f: {  	v36 =	vperm.xlane v17, v0;
	s14 =	sld [smem:$0x7C9];
	v18 =	vadd.s32 v3, v35  }
0x220: {  	[tilespmem:s11], [sflag:$0x1] =	stream.indirect_vreg.gather [hbm4b:s8+s3], $0x80, v19, vm0, $0xb8;
	[tilespmem:$0x1F300] =	vst v63  }
0x221: {  	v37 =	vperm.xlane v17, v9;
	s11 =	sld [smem:$0x7CA];
	v19 =	vadd.s32 v3, v36  }
0x222: {  	[tilespmem:s14], [sflag:$0x1] =	stream.indirect_vreg.gather [hbm4b:s8+s3], $0x80, v34, vm0, $0xb8;
	[tilespmem:$0x1F300] =	vst v63  }
0x223: {  	v39 =	vperm.xlane v17, v10;
	v38 =	vadd.s32 v3, v37;
	s14 =	sld [smem:$0x7CB]  }
0x224: {  	[tilespmem:s11], [sflag:$0x1] =	stream.indirect_vreg.gather [hbm4b:s8+s3], $0x80, v18, vm0, $0xb8;
	[tilespmem:$0x1F300] =	vst v63  }
0x225: {  	v40 =	vperm.xlane v17, v11;
	s11 =	sld [smem:$0x7CC];
	v18 =	vadd.s32 v3, v39  }
0x226: {  	[tilespmem:s14], [sflag:$0x1] =	stream.indirect_vreg.gather [hbm4b:s8+s3], $0x80, v19, vm0, $0xb8;
	[tilespmem:$0x1F300] =	vst v63  }
0x227: {  	v41 =	vperm.xlane v17, v12;
	s14 =	sld [smem:$0x7CD];
	v19 =	vadd.s32 v3, v40  }
0x228: {  	[tilespmem:s11], [sflag:$0x1] =	stream.indirect_vreg.gather [hbm4b:s8+s3], $0x80, v38, vm0, $0xb8;
	[tilespmem:$0x1F300] =	vst v63  }
0x229: {  	v43 =	vperm.xlane v17, v13;
	v42 =	vadd.s32 v3, v41;
	s11 =	sld [smem:$0x7CE]  }
0x22a: {  	[tilespmem:s14], [sflag:$0x1] =	stream.indirect_vreg.gather [hbm4b:s8+s3], $0x80, v18, vm0, $0xb8;
	[tilespmem:$0x1F300] =	vst v63  }
0x22b: {  	v44 =	vperm.xlane v17, v14;
	s14 =	sld [smem:$0x7CF];
	v18 =	vadd.s32 v3, v43  }
0x22c: {  	[tilespmem:s11], [sflag:$0x1] =	stream.indirect_vreg.gather [hbm4b:s8+s3], $0x80, v19, vm0, $0xb8;
	[tilespmem:$0x1F300] =	vst v63  }
0x22d: {  	v45 =	vperm.xlane v17, v15;
	s11 =	sld [smem:$0x7D0];
	v19 =	vadd.s32 v3, v44  }
0x22e: {  	[tilespmem:s14], [sflag:$0x1] =	stream.indirect_vreg.gather [hbm4b:s8+s3], $0x80, v42, vm0, $0xb8;
	[tilespmem:$0x1F300] =	vst v63  }
0x22f: {  	v17 =	vperm.xlane v17, v16;
	v46 =	vadd.s32 v3, v45;
	s14 =	sld [smem:$0x7D1]  }
0x230: {  	[tilespmem:s11], [sflag:$0x1] =	stream.indirect_vreg.gather [hbm4b:s8+s3], $0x80, v18, vm0, $0xb8;
	[tilespmem:$0x1F300] =	vst v63  }
0x231: {  	v17 =	vadd.s32 v3, v17;
	s11 =	sld [smem:$0x7D2]  }
0x232: {  	[tilespmem:s14], [sflag:$0x1] =	stream.indirect_vreg.gather [hbm4b:s8+s3], $0x80, v19, vm0, $0xb8;
	[tilespmem:$0x1F300] =	vst v63  }
0x233: {  	s14 =	sld [smem:$0x7D3]  }
0x234: {  	[tilespmem:s11], [sflag:$0x1] =	stream.indirect_vreg.gather [hbm4b:s8+s3], $0x80, v46, vm0, $0xb8;
	[tilespmem:$0x1F300] =	vst v63  }
0x235: {  	_ = 	snop  }
0x236: {  	[tilespmem:s14], [sflag:$0x1] =	stream.indirect_vreg.gather [hbm4b:s8+s3], $0x80, v17, vm0, $0xb8;
	[tilespmem:$0x1F300] =	vst v63  }
0x237: {  	v17 =	vld [tilespmem:s5+$0x90];
	_ =	sdelay $0x4  }
0x238: {  	v18 =	vshll.u32 v17, $0x1  }
0x239: {  	v17 =	vand.u32 $0x7, v17;
	v18 =	vand.u32 $0xFFFFFFF0, v18  }
0x23a: {  	v17 =	vor.u32 v17, v18  }
0x23b: {  	v18 =	vperm.xlane v17, v2;
	_ =	sdelay $0x1  }
0x23c: {  	v19 =	vperm.xlane v17, v1;
	v18 =	vadd.s32 v3, v18;
	_ =	sdelay $0x1  }
0x23d: {  	s11 =	sld [smem:$0x7D4];
	v47 =	vperm.xlane v17, v4;
	v19 =	vadd.s32 v3, v19;
	_ =	sdelay $0x1  }
0x23e: {  	s14 =	sld [smem:$0x7D5];
	v48 =	vperm.xlane v17, v5;
	v20 =	vadd.s32 v3, v47  }
0x23f: {  	[tilespmem:s11], [sflag:$0x1] =	stream.indirect_vreg.gather [hbm4b:s8+s3], $0x80, v18, vm0, $0xb8;
	[tilespmem:$0x1F300] =	vst v63  }
0x240: {  	v49 =	vperm.xlane v17, v6;
	s11 =	sld [smem:$0x7D6];
	v18 =	vadd.s32 v3, v48  }
0x241: {  	[tilespmem:s14], [sflag:$0x1] =	stream.indirect_vreg.gather [hbm4b:s8+s3], $0x80, v19, vm0, $0xb8;
	[tilespmem:$0x1F300] =	vst v63  }
0x242: {  	v50 =	vperm.xlane v17, v7;
	s14 =	sld [smem:$0x7D7];
	v19 =	vadd.s32 v3, v49  }
0x243: {  	[tilespmem:s11], [sflag:$0x1] =	stream.indirect_vreg.gather [hbm4b:s8+s3], $0x80, v20, vm0, $0xb8;
	[tilespmem:$0x1F300] =	vst v63  }
0x244: {  	v52 =	vperm.xlane v17, v8;
	v51 =	vadd.s32 v3, v50;
	s11 =	sld [smem:$0x7D8]  }
0x245: {  	[tilespmem:s14], [sflag:$0x1] =	stream.indirect_vreg.gather [hbm4b:s8+s3], $0x80, v18, vm0, $0xb8;
	[tilespmem:$0x1F300] =	vst v63  }
0x246: {  	v53 =	vperm.xlane v17, v0;
	s14 =	sld [smem:$0x7D9];
	v18 =	vadd.s32 v3, v52  }
0x247: {  	[tilespmem:s11], [sflag:$0x1] =	stream.indirect_vreg.gather [hbm4b:s8+s3], $0x80, v19, vm0, $0xb8;
	[tilespmem:$0x1F300] =	vst v63  }
0x248: {  	v54 =	vperm.xlane v17, v9;
	s11 =	sld [smem:$0x7DA];
	v19 =	vadd.s32 v3, v53  }
0x249: {  	[tilespmem:s14], [sflag:$0x1] =	stream.indirect_vreg.gather [hbm4b:s8+s3], $0x80, v51, vm0, $0xb8;
	[tilespmem:$0x1F300] =	vst v63  }
0x24a: {  	v56 =	vperm.xlane v17, v10;
	v55 =	vadd.s32 v3, v54;
	s14 =	sld [smem:$0x7DB]  }
0x24b: {  	[tilespmem:s11], [sflag:$0x1] =	stream.indirect_vreg.gather [hbm4b:s8+s3], $0x80, v18, vm0, $0xb8;
	[tilespmem:$0x1F300] =	vst v63  }
0x24c: {  	v57 =	vperm.xlane v17, v11;
	s11 =	sld [smem:$0x7DC];
	v18 =	vadd.s32 v3, v56  }
0x24d: {  	[tilespmem:s14], [sflag:$0x1] =	stream.indirect_vreg.gather [hbm4b:s8+s3], $0x80, v19, vm0, $0xb8;
	[tilespmem:$0x1F300] =	vst v63  }
0x24e: {  	v58 =	vperm.xlane v17, v12;
	s14 =	sld [smem:$0x7DD];
	v19 =	vadd.s32 v3, v57  }
0x24f: {  	[tilespmem:s11], [sflag:$0x1] =	stream.indirect_vreg.gather [hbm4b:s8+s3], $0x80, v55, vm0, $0xb8;
	[tilespmem:$0x1F300] =	vst v63  }
0x250: {  	v60 =	vperm.xlane v17, v13;
	v59 =	vadd.s32 v3, v58;
	s11 =	sld [smem:$0x7DE]  }
0x251: {  	[tilespmem:s14], [sflag:$0x1] =	stream.indirect_vreg.gather [hbm4b:s8+s3], $0x80, v18, vm0, $0xb8;
	[tilespmem:$0x1F300] =	vst v63  }
0x252: {  	v61 =	vperm.xlane v17, v14;
	s14 =	sld [smem:$0x7DF];
	v18 =	vadd.s32 v3, v60  }
0x253: {  	[tilespmem:s11], [sflag:$0x1] =	stream.indirect_vreg.gather [hbm4b:s8+s3], $0x80, v19, vm0, $0xb8;
	[tilespmem:$0x1F300] =	vst v63  }
0x254: {  	v62 =	vperm.xlane v17, v15;
	s11 =	sld [smem:$0x7E0];
	v19 =	vadd.s32 v3, v61  }
0x255: {  	[tilespmem:s14], [sflag:$0x1] =	stream.indirect_vreg.gather [hbm4b:s8+s3], $0x80, v59, vm0, $0xb8;
	[tilespmem:$0x1F300] =	vst v63  }
0x256: {  	v17 =	vperm.xlane v17, v16;
	v63 =	vadd.s32 v3, v62;
	s14 =	sld [smem:$0x7E1]  }
0x257: {  	[tilespmem:s11], [sflag:$0x1] =	stream.indirect_vreg.gather [hbm4b:s8+s3], $0x80, v18, vm0, $0xb8;
	[tilespmem:$0x1F300] =	vst v63  }
0x258: {  	v17 =	vadd.s32 v3, v17;
	s11 =	sld [smem:$0x7E2]  }
0x259: {  	[tilespmem:s14], [sflag:$0x1] =	stream.indirect_vreg.gather [hbm4b:s8+s3], $0x80, v19, vm0, $0xb8;
	[tilespmem:$0x1F300] =	vst v63  }
0x25a: {  	s14 =	sld [smem:$0x7E3]  }
0x25b: {  	[tilespmem:s11], [sflag:$0x1] =	stream.indirect_vreg.gather [hbm4b:s8+s3], $0x80, v63, vm0, $0xb8;
	[tilespmem:$0x1F300] =	vst v63  }
0x25c: {  	_ = 	snop  }
0x25d: {  	[tilespmem:s14], [sflag:$0x1] =	stream.indirect_vreg.gather [hbm4b:s8+s3], $0x80, v17, vm0, $0xb8;
	[tilespmem:$0x1F300] =	vst v63  }
0x25e: {  	v17 =	vld [tilespmem:s5+$0xA0];
	_ =	sdelay $0x4  }
0x25f: {  	v18 =	vshll.u32 v17, $0x1  }
0x260: {  	v17 =	vand.u32 $0x7, v17;
	v18 =	vand.u32 $0xFFFFFFF0, v18  }
0x261: {  	v17 =	vor.u32 v17, v18  }
0x262: {  	v18 =	vperm.xlane v17, v2;
	_ =	sdelay $0x1  }
0x263: {  	v19 =	vperm.xlane v17, v1;
	v18 =	vadd.s32 v3, v18;
	_ =	sdelay $0x1  }
0x264: {  	s11 =	sld [smem:$0x7E4];
	v24 =	vperm.xlane v17, v4;
	v19 =	vadd.s32 v3, v19;
	_ =	sdelay $0x1  }
0x265: {  	s14 =	sld [smem:$0x7E5];
	v25 =	vperm.xlane v17, v5;
	v20 =	vadd.s32 v3, v24  }
0x266: {  	[tilespmem:s11], [sflag:$0x1] =	stream.indirect_vreg.gather [hbm4b:s8+s3], $0x80, v18, vm0, $0xb8;
	[tilespmem:$0x1F300] =	vst v63  }
0x267: {  	v26 =	vperm.xlane v17, v6;
	s11 =	sld [smem:$0x7E6];
	v18 =	vadd.s32 v3, v25  }
0x268: {  	[tilespmem:s14], [sflag:$0x1] =	stream.indirect_vreg.gather [hbm4b:s8+s3], $0x80, v19, vm0, $0xb8;
	[tilespmem:$0x1F300] =	vst v63  }
0x269: {  	v27 =	vperm.xlane v17, v7;
	s14 =	sld [smem:$0x7E7];
	v19 =	vadd.s32 v3, v26  }
0x26a: {  	[tilespmem:s11], [sflag:$0x1] =	stream.indirect_vreg.gather [hbm4b:s8+s3], $0x80, v20, vm0, $0xb8;
	[tilespmem:$0x1F300] =	vst v63  }
0x26b: {  	v29 =	vperm.xlane v17, v8;
	v28 =	vadd.s32 v3, v27;
	s11 =	sld [smem:$0x7E8]  }
0x26c: {  	[tilespmem:s14], [sflag:$0x1] =	stream.indirect_vreg.gather [hbm4b:s8+s3], $0x80, v18, vm0, $0xb8;
	[tilespmem:$0x1F300] =	vst v63  }
0x26d: {  	v30 =	vperm.xlane v17, v0;
	s14 =	sld [smem:$0x7E9];
	v18 =	vadd.s32 v3, v29  }
0x26e: {  	[tilespmem:s11], [sflag:$0x1] =	stream.indirect_vreg.gather [hbm4b:s8+s3], $0x80, v19, vm0, $0xb8;
	[tilespmem:$0x1F300] =	vst v63  }
0x26f: {  	v31 =	vperm.xlane v17, v9;
	s11 =	sld [smem:$0x7EA];
	v19 =	vadd.s32 v3, v30  }
0x270: {  	[tilespmem:s14], [sflag:$0x1] =	stream.indirect_vreg.gather [hbm4b:s8+s3], $0x80, v28, vm0, $0xb8;
	[tilespmem:$0x1F300] =	vst v63  }
0x271: {  	v33 =	vperm.xlane v17, v10;
	v32 =	vadd.s32 v3, v31;
	s14 =	sld [smem:$0x7EC]  }
0x272: {  	[tilespmem:s11], [sflag:$0x1] =	stream.indirect_vreg.gather [hbm4b:s8+s3], $0x80, v18, vm0, $0xb8;
	[tilespmem:$0x1F300] =	vst v63  }
0x273: {  	v34 =	vperm.xlane v17, v11;
	s11 =	sld [smem:$0x7EE];
	v18 =	vadd.s32 v3, v33  }
0x274: {  	[tilespmem:s14], [sflag:$0x1] =	stream.indirect_vreg.gather [hbm4b:s8+s3], $0x80, v19, vm0, $0xb8;
	[tilespmem:$0x1F300] =	vst v63  }
0x275: {  	v35 =	vperm.xlane v17, v12;
	s14 =	sld [smem:$0x7EF];
	v19 =	vadd.s32 v3, v34  }
0x276: {  	[tilespmem:s11], [sflag:$0x1] =	stream.indirect_vreg.gather [hbm4b:s8+s3], $0x80, v32, vm0, $0xb8;
	[tilespmem:$0x1F300] =	vst v63  }
0x277: {  	v37 =	vperm.xlane v17, v13;
	v36 =	vadd.s32 v3, v35;
	s11 =	sld [smem:$0x7F0]  }
0x278: {  	[tilespmem:s14], [sflag:$0x1] =	stream.indirect_vreg.gather [hbm4b:s8+s3], $0x80, v18, vm0, $0xb8;
	[tilespmem:$0x1F300] =	vst v63  }
0x279: {  	v38 =	vperm.xlane v17, v14;
	s14 =	sld [smem:$0x7F2];
	v18 =	vadd.s32 v3, v37  }
0x27a: {  	[tilespmem:s11], [sflag:$0x1] =	stream.indirect_vreg.gather [hbm4b:s8+s3], $0x80, v19, vm0, $0xb8;
	[tilespmem:$0x1F300] =	vst v63  }
0x27b: {  	v39 =	vperm.xlane v17, v15;
	s11 =	sld [smem:$0x7F4];
	v19 =	vadd.s32 v3, v38  }
0x27c: {  	[tilespmem:s14], [sflag:$0x1] =	stream.indirect_vreg.gather [hbm4b:s8+s3], $0x80, v36, vm0, $0xb8;
	[tilespmem:$0x1F300] =	vst v63  }
0x27d: {  	v17 =	vperm.xlane v17, v16;
	v40 =	vadd.s32 v3, v39;
	s14 =	sld [smem:$0x7F5]  }
0x27e: {  	[tilespmem:s11], [sflag:$0x1] =	stream.indirect_vreg.gather [hbm4b:s8+s3], $0x80, v18, vm0, $0xb8;
	[tilespmem:$0x1F300] =	vst v63  }
0x27f: {  	v17 =	vadd.s32 v3, v17;
	s11 =	sld [smem:$0x7F6]  }
0x280: {  	[tilespmem:s14], [sflag:$0x1] =	stream.indirect_vreg.gather [hbm4b:s8+s3], $0x80, v19, vm0, $0xb8;
	[tilespmem:$0x1F300] =	vst v63  }
0x281: {  	s14 =	sld [smem:$0x7F7]  }
0x282: {  	[tilespmem:s11], [sflag:$0x1] =	stream.indirect_vreg.gather [hbm4b:s8+s3], $0x80, v40, vm0, $0xb8;
	[tilespmem:$0x1F300] =	vst v63  }
0x283: {  	_ = 	snop  }
0x284: {  	[tilespmem:s14], [sflag:$0x1] =	stream.indirect_vreg.gather [hbm4b:s8+s3], $0x80, v17, vm0, $0xb8;
	[tilespmem:$0x1F300] =	vst v63  }
0x285: {  	v17 =	vld [tilespmem:s5+$0xB0];
	_ =	sdelay $0x4  }
0x286: {  	v18 =	vshll.u32 v17, $0x1  }
0x287: {  	v17 =	vand.u32 $0x7, v17;
	v18 =	vand.u32 $0xFFFFFFF0, v18  }
0x288: {  	v17 =	vor.u32 v17, v18  }
0x289: {  	v18 =	vperm.xlane v17, v2;
	_ =	sdelay $0x1  }
0x28a: {  	v19 =	vperm.xlane v17, v1;
	v18 =	vadd.s32 v3, v18;
	_ =	sdelay $0x1  }
0x28b: {  	s11 =	sld [smem:$0x7F8];
	v41 =	vperm.xlane v17, v4;
	v19 =	vadd.s32 v3, v19;
	_ =	sdelay $0x1  }
0x28c: {  	s14 =	sld [smem:$0x7F9];
	v42 =	vperm.xlane v17, v5;
	v20 =	vadd.s32 v3, v41  }
0x28d: {  	[tilespmem:s11], [sflag:$0x1] =	stream.indirect_vreg.gather [hbm4b:s8+s3], $0x80, v18, vm0, $0xb8;
	[tilespmem:$0x1F300] =	vst v63  }
0x28e: {  	v43 =	vperm.xlane v17, v6;
	s11 =	sld [smem:$0x7FA];
	v18 =	vadd.s32 v3, v42  }
0x28f: {  	[tilespmem:s14], [sflag:$0x1] =	stream.indirect_vreg.gather [hbm4b:s8+s3], $0x80, v19, vm0, $0xb8;
	[tilespmem:$0x1F300] =	vst v63  }
0x290: {  	v44 =	vperm.xlane v17, v7;
	s14 =	sld [smem:$0x7FB];
	v19 =	vadd.s32 v3, v43  }
0x291: {  	[tilespmem:s11], [sflag:$0x1] =	stream.indirect_vreg.gather [hbm4b:s8+s3], $0x80, v20, vm0, $0xb8;
	[tilespmem:$0x1F300] =	vst v63  }
0x292: {  	v46 =	vperm.xlane v17, v8;
	v45 =	vadd.s32 v3, v44  }
0x293: {  	[tilespmem:s14], [sflag:$0x1] =	stream.indirect_vreg.gather [hbm4b:s8+s3], $0x80, v18, vm0, $0xb8;
	[tilespmem:$0x1F300] =	vst v63  }
0x294: {  	v47 =	vperm.xlane v17, v0;
	v18 =	vadd.s32 v3, v46  }
0x295: {  	[tilespmem:s17], [sflag:$0x1] =	stream.indirect_vreg.gather [hbm4b:s8+s3], $0x80, v19, vm0, $0xb8;
	[tilespmem:$0x1F300] =	vst v63  }
0x296: {  	v48 =	vperm.xlane v17, v9;
	v19 =	vadd.s32 v3, v47  }
0x297: {  	[tilespmem:s18], [sflag:$0x1] =	stream.indirect_vreg.gather [hbm4b:s8+s3], $0x80, v45, vm0, $0xb8;
	[tilespmem:$0x1F300] =	vst v63  }
0x298: {  	v50 =	vperm.xlane v17, v10;
	v49 =	vadd.s32 v3, v48  }
0x299: {  	[tilespmem:s19], [sflag:$0x1] =	stream.indirect_vreg.gather [hbm4b:s8+s3], $0x80, v18, vm0, $0xb8;
	[tilespmem:$0x1F300] =	vst v63  }
0x29a: {  	v51 =	vperm.xlane v17, v11;
	v18 =	vadd.s32 v3, v50  }
0x29b: {  	[tilespmem:s20], [sflag:$0x1] =	stream.indirect_vreg.gather [hbm4b:s8+s3], $0x80, v19, vm0, $0xb8;
	[tilespmem:$0x1F300] =	vst v63  }
0x29c: {  	v52 =	vperm.xlane v17, v12;
	v19 =	vadd.s32 v3, v51  }
0x29d: {  	[tilespmem:s21], [sflag:$0x1] =	stream.indirect_vreg.gather [hbm4b:s8+s3], $0x80, v49, vm0, $0xb8;
	[tilespmem:$0x1F300] =	vst v63  }
0x29e: {  	v54 =	vperm.xlane v17, v13;
	v53 =	vadd.s32 v3, v52  }
0x29f: {  	[tilespmem:s22], [sflag:$0x1] =	stream.indirect_vreg.gather [hbm4b:s8+s3], $0x80, v18, vm0, $0xb8;
	[tilespmem:$0x1F300] =	vst v63  }
0x2a0: {  	v55 =	vperm.xlane v17, v14;
	v18 =	vadd.s32 v3, v54  }
0x2a1: {  	[tilespmem:s23], [sflag:$0x1] =	stream.indirect_vreg.gather [hbm4b:s8+s3], $0x80, v19, vm0, $0xb8;
	[tilespmem:$0x1F300] =	vst v63  }
0x2a2: {  	v56 =	vperm.xlane v17, v15;
	v19 =	vadd.s32 v3, v55  }
0x2a3: {  	[tilespmem:s24], [sflag:$0x1] =	stream.indirect_vreg.gather [hbm4b:s8+s3], $0x80, v53, vm0, $0xb8;
	[tilespmem:$0x1F300] =	vst v63  }
0x2a4: {  	v17 =	vperm.xlane v17, v16;
	v57 =	vadd.s32 v3, v56  }
0x2a5: {  	[tilespmem:s25], [sflag:$0x1] =	stream.indirect_vreg.gather [hbm4b:s8+s3], $0x80, v18, vm0, $0xb8;
	[tilespmem:$0x1F300] =	vst v63  }
0x2a6: {  	v17 =	vadd.s32 v3, v17  }
0x2a7: {  	[tilespmem:s26], [sflag:$0x1] =	stream.indirect_vreg.gather [hbm4b:s8+s3], $0x80, v19, vm0, $0xb8;
	[tilespmem:$0x1F300] =	vst v63  }
0x2a8: {  	_ = 	snop  }
0x2a9: {  	[tilespmem:s28], [sflag:$0x1] =	stream.indirect_vreg.gather [hbm4b:s8+s3], $0x80, v57, vm0, $0xb8;
	[tilespmem:$0x1F300] =	vst v63  }
0x2aa: {  	_ = 	snop  }
0x2ab: {  	[tilespmem:s29], [sflag:$0x1] =	stream.indirect_vreg.gather [hbm4b:s8+s3], $0x80, v17, vm0, $0xb8;
	[tilespmem:$0x1F300] =	vst v63  }
0x2ac: {  	v17 =	vld.msk [tilespmem:s5+$0xC0], $0xff;
	_ =	sdelay $0x4  }
0x2ad: {  	v18 =	vshll.u32 v17, $0x1  }
0x2ae: {  	v17 =	vand.u32 $0x7, v17;
	v18 =	vand.u32 $0xFFFFFFF0, v18  }
0x2af: {  	v17 =	vor.u32 v17, v18  }
0x2b0: {  	v18 =	vperm.xlane v17, v2;
	_ =	sdelay $0x1  }
0x2b1: {  	v19 =	vperm.xlane v17, v1;
	v18 =	vadd.s32 v3, v18;
	_ =	sdelay $0x1  }
0x2b2: {  	v58 =	vperm.xlane v17, v4;
	v19 =	vadd.s32 v3, v19;
	_ =	sdelay $0x1  }
0x2b3: {  	v59 =	vperm.xlane v17, v5;
	v20 =	vadd.s32 v3, v58  }
0x2b4: {  	[tilespmem:s30], [sflag:$0x1] =	stream.indirect_vreg.gather [hbm4b:s8+s3], $0x80, v18, vm0, $0xb8;
	[tilespmem:$0x1F300] =	vst v63  }
0x2b5: {  	v60 =	vperm.xlane v17, v6;
	v18 =	vadd.s32 v3, v59  }
0x2b6: {  	[tilespmem:s31], [sflag:$0x1] =	stream.indirect_vreg.gather [hbm4b:s8+s3], $0x80, v19, vm0, $0xb8;
	[tilespmem:$0x1F300] =	vst v63  }
0x2b7: {  	v61 =	vperm.xlane v17, v7;
	v19 =	vadd.s32 v3, v60  }
0x2b8: {  	[tilespmem:s0], [sflag:$0x1] =	stream.indirect_vreg.gather [hbm4b:s8+s3], $0x80, v20, vm0, $0xb8;
	[tilespmem:$0x1F300] =	vst v63  }
0x2b9: {  	v63 =	vperm.xlane v17, v8;
	v62 =	vadd.s32 v3, v61  }
0x2ba: {  	[tilespmem:s4], [sflag:$0x1] =	stream.indirect_vreg.gather [hbm4b:s8+s3], $0x80, v18, vm0, $0xb8;
	[tilespmem:$0x1F300] =	vst v63  }
0x2bb: {  	v17 =	vperm.xlane v17, v0;
	v18 =	vadd.s32 v3, v63  }
0x2bc: {  	[tilespmem:s1], [sflag:$0x1] =	stream.indirect_vreg.gather [hbm4b:s8+s3], $0x80, v19, vm0, $0xb8;
	[tilespmem:$0x1F300] =	vst v63  }
0x2bd: {  	v17 =	vadd.s32 v3, v17  }
0x2be: {  	[tilespmem:s15], [sflag:$0x1] =	stream.indirect_vreg.gather [hbm4b:s8+s3], $0x80, v62, vm0, $0xb8;
	[tilespmem:$0x1F300] =	vst v63  }
0x2bf: {  	_ = 	snop  }
0x2c0: {  	[tilespmem:s6], [sflag:$0x1] =	stream.indirect_vreg.gather [hbm4b:s8+s3], $0x80, v18, vm0, $0xb8;
	[tilespmem:$0x1F300] =	vst v63  }
0x2c1: {  	_ = 	snop  }
0x2c2: {  	[tilespmem:s7], [sflag:$0x1] =	stream.indirect_vreg.gather [hbm4b:s8+s3], $0x80, v17, vm0, $0xb8;
	[tilespmem:$0x1F300] =	vst v63  }
0x2c3: {  	_ =	swait.ge [sflag:s13], $0x6400  }
0x2c4: {  	p0 =	sne.s32 s10, $0x9920;
	[sflag:s13] =	ssyncset.done $0x0  }
.Ltmp0:
0x2c5: {  	s5 =	sadd.s32 $0x2780, s5;
	[sflag:s13] =	ssyncadd.s32 $0xFFFF9C00;
	(pc) =	sbr.rel @p0 .LBB2_2-.Ltmp0, $4  }
0x2c6: {  	[spmem:s2] =	stream.indirect.scatter.add.f32 [tilespmem:s16], [sflag:$0x2], $0x80, s5, s9, $0xb8;
	[tilespmem:$0x1F300] =	vst v63  }
0x2c7: {  	_ =	swait.ge [sflag:s12], $0x6400  }
0x2c8: {  	[sflag:s12] =	ssyncset.done $0x0  }
0x2c9: {  	s10 =	sadd.s32 $0x320, s10;
	[sflag:s12] =	ssyncadd.s32 $0xFFFF9C00  }
0x2ca: {  	[bflag:$0x0] =	sbarrier.arrive $0xFFFF  }
0x2cb: {  	s14 =	sld [smem:$0x7FC]  }
0x2cc: {  	s5 =	sld [smem:$0x7F1]  }
0x2cd: {  	s10 =	sld [smem:$0x7FD];
	_ =	sdelay $0x2  }
0x2ce: {  	[hbm:s5], [sflag:s14] =	dma.local [spmem:s10], $0x2800  }
0x2cf: {  	_ =	swait.ge [sflag:s12], $0x2800  }
0x2d0: {  	s11 =	sld [smem:$0x75E]  }
0x2d1: {  	s5 =	sld [smem:$0x7F3];
	_ =	sdelay $0x1  }
0x2d2: {  	s11 =	sadd.s32 $0x1, s11  }
0x2d3: {  	p0 =	sne.s32 s11, s5  }
.Ltmp1:
0x2d4: {  	_ = 	snop;
	(pc) =	sbr.rel @p0 .LBB2_1-.Ltmp1, $3  }
0x2d5: {  	_ =	sdelay $0x1  }
0x2d6: {  	[sflag:s12] =	ssyncset.done $0x0  }
0x2d7: {  	[sflag:s12] =	ssyncadd.s32 $0xFFFFD800  }
0x2d8: {  	_ =	sfence.sel $0x180000  }
0x2d9: {  	[bflag:$0x0] =	sbarrier.arrive $0xFFFF  }
0x2da: {  	_ =	strace $0x9000004A  }
0x2db: {  	s0 =	stileid.u32;
	[bflag:$0x2] =	sbarrier.arrive $0xFFFF  }
0x2dc: {  	p0 =	sne.s32 s0, $0x0;
	s0 =	rddreg [dreg:$0x5]  }
0x2dd: {  	s0 =	sadd.s32 @!p0 $0x100000, s0  }
0x2de: {  	[sflag:s0] =	ssyncadd.tile.s32 @!p0 $0x1;
	_ =	shalt  }
.Lfunc_end2:
_tile_overlayer_lowered:
.L_overlay_start_2:
0x2df: {  	(tag) =	ssettag $0x2  }
0x2e0: {  	s0 =	rddreg [dreg:$0x0];
	s2 =	stileid.u32  }
0x2e1: {  	s1 =	rddreg [dreg:$0x1];
	p0 =	sne.s32 s2, $0x0  }
0x2e2: {  	s3 =	rddreg [dreg:$0x2];
	[bflag:$0x3] =	sbarrier.arrive $0xFFFF;
	s2 =	simm.s32 @!p0 $0x1C02  }
0x2e3: {  	[timem:s3], [sflag:s2] =	dma.local @!p0 [hbm:s0], s1  }
0x2e4: {  	s0 =	simm.s32 @!p0 $0x2  }
0x2e5: {  	_ =	swait.ge @!p0 [sflag:s0], s1  }
0x2e6: {  	s1 =	ssub.s32 @!p0 $0x0, s1;
	[sflag:s0] =	ssyncset.done @!p0 $0x0  }
0x2e7: {  	[sflag:s0] =	ssyncadd.s32 @!p0 s1  }
0x2e8: {  	[bflag:$0x3] =	sbarrier.arrive $0xFFFF  }
0x2e9: {  	_ =	shalt  }

// kernel: kernel.14.cloned.1.call-start
scs
__scs_entry_jumppad:
0x0: {  	(pc) =	sbr.rel $0x88, $3  }
0x1: {  	(tag) =	ssettag $0x0;
	lr =	simm.s32 $0x1  }
0x2: {  	[smem:$0x3F91] =	sst lr;
	_ =	strace $0xD0000000  }
0x3: {  	_ = 	snop  }
0x4: {  	_ = 	snop  }
0x5: {  	_ = 	snop  }
0x6: {  	_ = 	snop  }
0x7: {  	_ = 	snop  }
__scs_overlays_trampoline_lowered:
0x8: {  	[smem:$0x3FA0] =	sst s0  }
0x9: {  	[smem:$0x3FA1] =	sst s1  }
0xa: {  	[smem:$0x3FA2] =	sst s2  }
0xb: {  	[smem:$0x3FA3] =	sst s3  }
0xc: {  	[smem:$0x3FA4] =	sst s4  }
0xd: {  	[smem:$0x3FA5] =	sst s5  }
0xe: {  	[smem:$0x3FA6] =	sst s6  }
0xf: {  	[smem:$0x3FA7] =	sst s7  }
0x10: {  	[smem:$0x3FA8] =	sst s8  }
0x11: {  	[smem:$0x3FA9] =	sst s9;
	s0 =	simm.s32 @!p0 $0x0  }
0x12: {  	s1 =	sld [smem:$0x3F8F];
	s0 =	simm.s32 @p0 $0x1  }
0x13: {  	[smem:$0x3FAA] =	sst s0;
	s0 =	simm.s32 @!p1 $0x0  }
0x14: {  	s2 =	sld [smem:$0x3F8E];
	s0 =	simm.s32 @p1 $0x1  }
0x15: {  	[smem:$0x3FAB] =	sst s0;
	s0 =	simm.s32 @!p2 $0x0  }
0x16: {  	s3 =	sld [smem:$0x3FDB];
	s0 =	simm.s32 @p2 $0x1  }
0x17: {  	s4 =	simm.s32 $0x1BF5;
	[smem:$0x3FAD] =	sst s0  }
0x18: {  	s0 =	sld [smem:$0x3F90];
	_ =	swait.ge [sflag:s4], $0x0  }
0x19: {  	s7 =	sld [smem:$0x3F91]  }
0x1a: {  	s8 =	sadd.s32 $0xFFFFE003, lr  }
0x1b: {  	s9 =	sadd.s32 $0xFFFFFEF7, lr;
	s5 =	simm.s32 $0xFFFFFFFF;
	p2 =	slt.u32 s8, $0xFFFFF086  }
0x1c: {  	p1 =	slt.u32 s9, $0xF7A;
	s5 =	simm.s32 @!p2 $0x0  }
0x1d: {  	s5 =	simm.s32 @p1 $0x1;
	p0 =	seq.s32 s7, s2  }
0x1e: {  	s7 =	smul.u32 @!p0 $0xF7A, s2;
	p2 =	seq.s32 @!p0 s5, $0x0  }
0x1f: {  	s9 =	smul.u32 $0xF7A, s1;
	s8 =	simm.s32 @!p0 $0x1BF5;
	p2 =	por !p2, p0  }
0x20: {  	[sflag:s8] =	ssyncset.s32 @!p0 $0xFFFFF086;
	s6 =	sadd.s32 @!p0 s3, s7;
	s7 =	simm.s32 @!p0 $0x108  }
0x21: {  	s3 =	sadd.s32 s3, s9;
	s6 =	sadd.s32 @!p0 $0x88, s6;
	s7 =	simm.s32 @p2 $0x1082  }
0x22: {  	[simem:s7], [sflag:s8] =	dma.local @!p0 [hbm:s6], $0xF7A  }
0x23: {  	s9 =	sor.u32 $0xD0000000, s2;
	s6 =	simm.s32 $0x108;
	_ =	swait.ge @!p0 [sflag:s8], $0x0  }
0x24: {  	s3 =	sadd.s32 $0x88, s3;
	s6 =	simm.s32 @!p1 $0x1082;
	[sflag:s4] =	ssyncset.s32 $0xFFFFF086  }
0x25: {  	[simem:s6], [sflag:s4] =	dma.local [hbm:s3], $0xF7A  }
0x26: {  	[smem:$0x3F91] =	sst s1;
	(tag) =	ssettag s2;
	_ =	strace s9  }
0x27: {  	s1 =	sld [smem:$0x3FA1]  }
0x28: {  	s2 =	sld [smem:$0x3FA2]  }
0x29: {  	s4 =	sld [smem:$0x3FA4]  }
0x2a: {  	p0 =	seq.s32 s5, $0x0;
	s5 =	sld [smem:$0x3FA5]  }
0x2b: {  	s6 =	sld [smem:$0x3FA6]  }
0x2c: {  	s7 =	sld [smem:$0x3FA7]  }
0x2d: {  	s3 =	simm.s32 $0x108;
	s8 =	sld [smem:$0x3FA8]  }
0x2e: {  	s3 =	simm.s32 @!p0 $0x1082;
	s9 =	sld [smem:$0x3FA9]  }
0x2f: {  	lr =	sadd.s32 s0, s3;
	s0 =	sld [smem:$0x3FA0]  }
0x30: {  	s3 =	sld [smem:$0x3FA3]  }
0x31: {  	[smem:$0x3FAC] =	sst s10  }
0x32: {  	s10 =	sld [smem:$0x3FAA];
	_ =	sdelay $0x3  }
0x33: {  	p0 =	seq.s32 s10, $0x1;
	s10 =	sld [smem:$0x3FAC];
	_ =	sdelay $0x3  }
0x34: {  	[smem:$0x3FAC] =	sst s10  }
0x35: {  	s10 =	sld [smem:$0x3FAB];
	_ =	sdelay $0x3  }
0x36: {  	p1 =	seq.s32 s10, $0x1;
	s10 =	sld [smem:$0x3FAC];
	_ =	sdelay $0x3  }
0x37: {  	[smem:$0x3FAC] =	sst s10  }
0x38: {  	s10 =	sld [smem:$0x3FAD]  }
0x39: {  	_ = 	snop;
	(pc) =	sbr.ind lr, $3  }
0x3a: {  	_ = 	snop  }
0x3b: {  	_ = 	snop  }
0x3c: {  	p2 =	seq.s32 s10, $0x1;
	s10 =	sld [smem:$0x3FAC]  }
0x3d: {  	_ =	shalt  }
0x3e: {  	_ =	shalt  }
0x3f: {  	_ =	shalt  }
0x40: {  	_ =	shalt  }
0x41: {  	_ =	shalt  }
0x42: {  	_ =	shalt  }
0x43: {  	_ =	shalt  }
0x44: {  	_ =	shalt  }
0x45: {  	_ =	shalt  }
0x46: {  	_ =	shalt  }
0x47: {  	_ =	shalt  }
0x48: {  	_ =	shalt  }
0x49: {  	_ =	shalt  }
0x4a: {  	_ =	shalt  }
0x4b: {  	_ =	shalt  }
0x4c: {  	_ =	shalt  }
0x4d: {  	_ =	shalt  }
0x4e: {  	_ =	shalt  }
0x4f: {  	_ =	shalt  }
0x50: {  	_ =	shalt  }
0x51: {  	_ =	shalt  }
0x52: {  	_ =	shalt  }
0x53: {  	_ =	shalt  }
0x54: {  	_ =	shalt  }
0x55: {  	_ =	shalt  }
0x56: {  	_ =	shalt  }
0x57: {  	_ =	shalt  }
0x58: {  	_ =	shalt  }
0x59: {  	_ =	shalt  }
0x5a: {  	_ =	shalt  }
0x5b: {  	_ =	shalt  }
0x5c: {  	_ =	shalt  }
0x5d: {  	_ =	shalt  }
0x5e: {  	_ =	shalt  }
0x5f: {  	_ =	shalt  }
0x60: {  	_ =	shalt  }
0x61: {  	_ =	shalt  }
0x62: {  	_ =	shalt  }
0x63: {  	_ =	shalt  }
0x64: {  	_ =	shalt  }
0x65: {  	_ =	shalt  }
0x66: {  	_ =	shalt  }
0x67: {  	_ =	shalt  }
0x68: {  	_ =	shalt  }
0x69: {  	_ =	shalt  }
0x6a: {  	_ =	shalt  }
0x6b: {  	_ =	shalt  }
0x6c: {  	_ =	shalt  }
0x6d: {  	_ =	shalt  }
0x6e: {  	_ =	shalt  }
0x6f: {  	_ =	shalt  }
0x70: {  	_ =	shalt  }
0x71: {  	_ =	shalt  }
0x72: {  	_ =	shalt  }
0x73: {  	_ =	shalt  }
0x74: {  	_ =	shalt  }
0x75: {  	_ =	shalt  }
0x76: {  	_ =	shalt  }
0x77: {  	_ =	shalt  }
0x78: {  	_ =	shalt  }
0x79: {  	_ =	shalt  }
0x7a: {  	_ =	shalt  }
0x7b: {  	_ =	shalt  }
0x7c: {  	_ =	shalt  }
0x7d: {  	_ =	shalt  }
0x7e: {  	_ =	shalt  }
0x7f: {  	_ =	shalt  }
0x80: {  	_ =	shalt  }
0x81: {  	_ =	shalt  }
0x82: {  	_ =	shalt  }
0x83: {  	_ =	shalt  }
0x84: {  	_ =	shalt  }
0x85: {  	_ =	shalt  }
0x86: {  	_ =	shalt  }
0x87: {  	_ =	shalt  }
.Lfunc_end0:
.L_simem_size_0:
called_computation.2_lowered:
.L_overlay_start_0:
0x88: {  	s2 =	sld [smem:$0x3FD9]  }
0x89: {  	s3 =	sld [smem:$0x3FFE];
	_ =	sdelay $0x1  }
0x8a: {  	s1 =	srdreg.scid  }
0x8b: {  	s0 =	sand.u32 $0x1, s1  }
0x8c: {  	s16 =	sshll.u32 s0, $0xA;
	s2 =	sadd.s32 s3, s2  }
0x8d: {  	s2 =	sadd.s32 s2, s16  }
0x8e: {  	[smem:$0x3FB8] =	sst s2  }
0x8f: {  	_ = 	snop  }
0x90: {  	(tm) =	ssettm $0x1  }
0x91: {  	s17 =	sld [smem:$0x3FFB];
	_ =	sdelay $0x3  }
0x92: {  	_ =	strace s17  }
0x93: {  	s2 =	sld [smem:$0x3FFC];
	_ =	sdelay $0x3  }
0x94: {  	_ =	strace s2  }
0x95: {  	s2 =	sld [smem:$0x3FFD];
	_ =	sdelay $0x3  }
0x96: {  	_ =	strace s2  }
0x97: {  	_ =	strace $0x8FFFFFFF  }
0x98: {  	s18 =	sld [smem:$0x3FDB];
	_ =	sdelay $0x1  }
0x99: {  	s19 =	simm.s32 $_scs_section_size  }
0x9a: {  	s4 =	simm.s32 $_size__tile_overlayer_lowered;
	s5 =	simm.s32 $_tile_overlayer_lowered  }
0x9b: {  	s22 =	simm.s32 $0x1BFF;
	s21 =	sshll.u32 s5, $0x1;
	s2 =	sadd.s32 s19, s18  }
0x9c: {  	s6 =	simm.s32 $0x0;
	s20 =	sshll.u32 s4, $0x1;
	s4 =	sadd.s32 s21, s2  }
0x9d: {  	[timem:s6], [sflag:s22] =	dma.local [hbm:s4], s20  }
0x9e: {  	_ =	swait.ge [sflag:s22], s20  }
0x9f: {  	s3 =	ssub.s32 $0x0, s20;
	[sflag:s22] =	ssyncset.done $0x0  }
0xa0: {  	[sflag:s22] =	ssyncadd.s32 s3;
	_ =	sdelay $0x1  }
0xa1: {  	s23 =	simm.s32 $0x1B8B  }
0xa2: {  	_ =	swait.ge [sflag:s23], $0x1  }
0xa3: {  	[sflag:s23] =	ssyncset.done $0x0  }
0xa4: {  	s25 =	simm.s32 $0x1B8E;
	s24 =	sld [smem:$0x3FFE];
	[sflag:s23] =	ssyncadd.s32 $0xFFFFFFFF  }
0xa5: {  	s26 =	simm.s32 $execute0_lowered;
	[smem:$0x3FD2] =	sst s25  }
0xa6: {  	s4 =	sshll.u32 s26, $0x1;
	_ =	strace $0x8000004C;
	[dreg:$0x1] =	wrdreg $0xFFFFFFFF  }
0xa7: {  	s28 =	simm.s32 $_size_execute0_lowered;
	s2 =	sadd.s32 s2, s4;
	[dreg:$0x0] =	wrdreg $0x0  }
0xa8: {  	s4 =	sshll.u32 s28, $0x1;
	[dreg:$0x2] =	wrdreg s2  }
0xa9: {  	[dreg:$0x3] =	wrdreg s4  }
0xaa: {  	[dreg:$0x4] =	wrdreg $0xC0  }
0xab: {  	_ =	task [dreg:s6], $0x5FFFF  }
0xac: {  	[dreg:$0x1] =	wrdreg $0xFFFFFFFF  }
0xad: {  	[dreg:$0x0] =	wrdreg $0x60  }
0xae: {  	[dreg:$0x2] =	wrdreg s24  }
0xaf: {  	[dreg:$0x3] =	wrdreg $0x9  }
0xb0: {  	_ =	task.clear_ibuf [dreg:s6], $0x4FFFF;
	_ =	strace $0x9000004C  }
0xb1: {  	s29 =	simm.s32 $0x9;
	_ =	strace $0x8000004E  }
0xb2: {  	_ =	swait.ge [sflag:s29], $0x1  }
0xb3: {  	[sflag:s29] =	ssyncadd.s32 $0xFFFFFFFF  }
0xb4: {  	_ =	strace $0x9000004E  }
0xb5: {  	_ =	sfence  }
0xb6: {  	s30 =	sld [smem:$0x0];
	_ =	sdelay $0x2  }
0xb7: {  	s31 =	sshll.u32 s1, $0xD;
	s1 =	sshrl.u32 s1, $0x2  }
0xb8: {  	s3 =	sand.u32 $0x4000, s31;
	s1 =	sadd.s32 s1, s30  }
0xb9: {  	s0 =	sor.u32 s3, s0;
	s1 =	sshll.u32 s1, $0x11  }
0xba: {  	s0 =	sor.u32 s1, s0  }
0xbb: {  	s0 =	sadd.s32 $0x8F2B, s0  }
0xbc: {  	[sflag:s0] =	ssyncadd.remote.s32 $0x1  }
0xbd: {  	_ =	sfence.sel $0xFFFF  }
0xbe: {  	[dreg:$0x0] =	wrdreg $0xFFFFFFFF;
	(pc) =	sbr.abs _section_cstart, $3  }
0xbf: {  	[dreg:$0x1] =	wrdreg $0xFFFFFFFF  }
0xc0: {  	_ =	task.clear_ibuf [dreg:s6], $0x2FFFF;
	_ =	strace $0x9FFFFFFF  }
0xc1: {  	(tm) =	ssettm $0x7FFFFFFF  }
tec
execute0_lowered:
.L_overlay_start_1:
0x0: {  	(tag) =	ssettag $0x1  }
0x1: {  	s4 =	rddreg [dreg:$0x0];
	s2 =	simm.s32 $0x0  }
0x2: {  	s18 =	simm.s32 $0x2F80;
	[smem:$0x7FF] =	sst s2  }
0x3: {  	s19 =	simm.s32 $0x3780;
	_ =	strace $0x8000004D;
	[dreg:$0x3] =	wrdreg s18  }
0x4: {  	s20 =	simm.s32 $0x3F80;
	[dreg:$0x4] =	wrdreg s19  }
0x5: {  	s21 =	simm.s32 $0x4780;
	[dreg:$0x5] =	wrdreg s20  }
0x6: {  	s22 =	simm.s32 $0x4F80;
	[dreg:$0x6] =	wrdreg s21  }
0x7: {  	s23 =	simm.s32 $0x5780;
	[dreg:$0x7] =	wrdreg s22  }
0x8: {  	s24 =	simm.s32 $0x5F80;
	[dreg:$0x8] =	wrdreg s23  }
0x9: {  	s25 =	simm.s32 $0x6780;
	[dreg:$0x9] =	wrdreg s24  }
0xa: {  	s26 =	simm.s32 $0x6F80;
	[dreg:$0xa] =	wrdreg s25  }
0xb: {  	s5 =	simm.s32 $0x7F80;
	[dreg:$0xb] =	wrdreg s26  }
0xc: {  	s0 =	srdreg.scid;
	s7 =	simm.s32 $0x8780;
	[dreg:$0xd] =	wrdreg s5  }
0xd: {  	s6 =	stileid.u32;
	s8 =	simm.s32 $0x8F80;
	[dreg:$0xe] =	wrdreg s7  }
0xe: {  	s9 =	simm.s32 $0x9780;
	s10 =	simm.s32 $0x9F80;
	[dreg:$0xf] =	wrdreg s8  }
0xf: {  	s11 =	simm.s32 $0xA780;
	s12 =	simm.s32 $0xAF80;
	[dreg:$0x10] =	wrdreg s9  }
0x10: {  	s13 =	simm.s32 $0xB780;
	s14 =	simm.s32 $0xBF80;
	[dreg:$0x11] =	wrdreg s10  }
0x11: {  	s15 =	simm.s32 $0xC780;
	s16 =	simm.s32 $0xCF80;
	[dreg:$0x12] =	wrdreg s11  }
0x12: {  	s17 =	simm.s32 $0xD780;
	s28 =	simm.s32 $0x1A780;
	[dreg:$0x13] =	wrdreg s12  }
0x13: {  	s29 =	simm.s32 $0x1AF80;
	s30 =	simm.s32 $0x1;
	[dreg:$0x14] =	wrdreg s13  }
0x14: {  	s0 =	sand.u32 $0x1, s0;
	s3 =	smul.u32 $0x4E200, s6;
	[dreg:$0x15] =	wrdreg s14  }
0x15: {  	s31 =	simm.s32 $0x2;
	s1 =	smul.u32 $0x4E2000, s0;
	[dreg:$0x16] =	wrdreg s15  }
0x16: {  	s5 =	sshll.u32 s0, $0x4;
	[dreg:$0x17] =	wrdreg s16;
	s0 =	ssub.s32 $0x2, s0  }
0x17: {  	[dreg:$0x18] =	wrdreg s17;
	s18 =	simm.s32 $0xDF80;
	s20 =	simm.s32 $0xE780  }
0x18: {  	s21 =	simm.s32 $0xF780;
	s22 =	simm.s32 $0xFF80;
	s23 =	simm.s32 $0x10780  }
0x19: {  	s24 =	simm.s32 $0x10F80;
	s25 =	simm.s32 $0x11780;
	[dreg:$0x19] =	wrdreg s18  }
0x1a: {  	s8 =	simm.s32 $0x3;
	s26 =	simm.s32 $0x11F80;
	[dreg:$0x1a] =	wrdreg s20  }
0x1b: {  	s9 =	simm.s32 $0x2780;
	s10 =	simm.s32 $0xEF80;
	[dreg:$0x1b] =	wrdreg s21  }
0x1c: {  	s11 =	simm.s32 $0x12780;
	s12 =	simm.s32 $0x12F80;
	[dreg:$0x1c] =	wrdreg s22  }
0x1d: {  	s13 =	simm.s32 $0x13780;
	s14 =	simm.s32 $0x13F80;
	[dreg:$0x1d] =	wrdreg s23  }
0x1e: {  	s15 =	simm.s32 $0x14780;
	s16 =	simm.s32 $0x14F80;
	[dreg:$0x1e] =	wrdreg s24  }
0x1f: {  	s17 =	simm.s32 $0x15780;
	s5 =	sor.u32 s6, s5;
	[dreg:$0x1f] =	wrdreg s25  }
0x20: {  	s6 =	sshll.u32 s6, $0x7;
	s19 =	sshrl.u32 s0, $0x1;
	[smem:$0x7FD] =	sst s26  }
0x21: {  	s18 =	simm.s32 $0x15F80;
	s20 =	simm.s32 $0x16F80;
	s21 =	simm.s32 $0x17780  }
0x22: {  	s22 =	simm.s32 $0x17F80;
	s23 =	simm.s32 $0x18780;
	s5 =	sshrl.u32 s5, $0x3  }
0x23: {  	s24 =	simm.s32 $0x18F80;
	s25 =	simm.s32 $0x19780;
	s5 =	smul.u32 $0x13C00, s5  }
0x24: {  	s26 =	simm.s32 $0x19F80;
	s1 =	sadd.s32 s1, s4;
	s6 =	sand.u32 $0x380, s6  }
0x25: {  	s0 =	ssub.s32 s0, s19;
	s1 =	sadd.s32 s3, s1;
	s5 =	sor.u32 s6, s5  }
0x26: {  	s3 =	simm.s32 $0x7780;
	s1 =	sadd.s32 $0x101A00, s1;
	s5 =	sshrl.u32 s5, $0x3  }
0x27: {  	v2 =	vlaneseq.u32;
	[dreg:$0xc] =	wrdreg s3;
	s3 =	sadd.s32 $0x61A00, s4;
	s4 =	sadd.s32 s5, s4  }
0x28: {  	vm0 =	vmmov $0xffff;
	v1 =	vshrl.u32 v2, $0x3;
	s19 =	simm.s32 $0x16780;
	[dreg:$0x2] =	wrdreg s1;
	s4 =	sadd.s32 $0x57C00, s4  }
0x29: {  	v0 =	vand.u32 $0x7, v2;
	v2 =	vor.u32 $0x8, v2;
	v1 =	vmul.u32 $0x8, v1;
	s1 =	simm.s32 $0x0;
	s5 =	smax.u32 s0, $0x1;
	[smem:$0x7FC] =	sst s4  }
.LBB2_1:
0x2a: {  	s0 =	sld [smem:$0x7FC];
	_ =	sdelay $0x1  }
0x2b: {  	s4 =	simm.s32 $0x80;
	s6 =	simm.s32 $0x400  }
0x2c: {  	[tilespmem:s2], [sflag:$0x3] =	stream.strided.gather [hbm4b:s0+s4], $0x2780, s6, s4, $0x38;
	[tilespmem:$0x1B780] =	vst v63  }
0x2d: {  	_ =	swait.ge [sflag:s8], $0x2780  }
0x2e: {  	[sflag:s8] =	ssyncset.done $0x0  }
0x2f: {  	s0 =	simm.s32 $0xC8;
	s6 =	simm.s32 $0x0;
	[sflag:s8] =	ssyncadd.s32 $0xFFFFD880  }
.LBB2_2:
0x30: {  	v3 =	vld [tilespmem:s0+$0xFFFFFF38];
	_ =	sdelay $0x4  }
0x31: {  	v4 =	vshll.u32 v3, $0x1  }
0x32: {  	v3 =	vand.u32 $0x7, v3;
	v4 =	vand.u32 $0xFFFFFFF0, v4  }
0x33: {  	v3 =	vor.u32 v3, v4  }
0x34: {  	v4 =	vperm.xlane v3, v0;
	_ =	sdelay $0x1  }
0x35: {  	v3 =	vperm.xlane v3, v2;
	v4 =	vadd.s32 v1, v4;
	_ =	sdelay $0x1  }
0x36: {  	v3 =	vadd.s32 v1, v3;
	_ =	sdelay $0x2  }
0x37: {  	[tilespmem:s9], [sflag:$0x1] =	stream.indirect_vreg.gather [hbm4b:s3+s2], $0x80, v4, vm0, $0xb8;
	[tilespmem:$0x1B780] =	vst v63  }
0x38: {  	s7 =	rddreg [dreg:$0x3]  }
0x39: {  	[tilespmem:s7], [sflag:$0x1] =	stream.indirect_vreg.gather [hbm4b:s3+s2], $0x80, v3, vm0, $0xb8;
	[tilespmem:$0x1B780] =	vst v63  }
0x3a: {  	v3 =	vld [tilespmem:s0+$0xFFFFFF48];
	_ =	sdelay $0x4  }
0x3b: {  	v39 =	vshll.u32 v3, $0x1  }
0x3c: {  	v3 =	vand.u32 $0x7, v3;
	v4 =	vand.u32 $0xFFFFFFF0, v39  }
0x3d: {  	v3 =	vor.u32 v3, v4  }
0x3e: {  	v4 =	vperm.xlane v3, v0;
	_ =	sdelay $0x1  }
0x3f: {  	v3 =	vperm.xlane v3, v2;
	v4 =	vadd.s32 v1, v4;
	_ =	sdelay $0x1  }
0x40: {  	v3 =	vadd.s32 v1, v3;
	_ =	sdelay $0x1  }
0x41: {  	s7 =	rddreg [dreg:$0x4]  }
0x42: {  	[tilespmem:s7], [sflag:$0x1] =	stream.indirect_vreg.gather [hbm4b:s3+s2], $0x80, v4, vm0, $0xb8;
	[tilespmem:$0x1B780] =	vst v63  }
0x43: {  	s4 =	rddreg [dreg:$0x5]  }
0x44: {  	[tilespmem:s4], [sflag:$0x1] =	stream.indirect_vreg.gather [hbm4b:s3+s2], $0x80, v3, vm0, $0xb8;
	[tilespmem:$0x1B780] =	vst v63  }
0x45: {  	v3 =	vld [tilespmem:s0+$0xFFFFFF58];
	_ =	sdelay $0x4  }
0x46: {  	v40 =	vshll.u32 v3, $0x1  }
0x47: {  	v3 =	vand.u32 $0x7, v3;
	v4 =	vand.u32 $0xFFFFFFF0, v40  }
0x48: {  	v3 =	vor.u32 v3, v4  }
0x49: {  	v4 =	vperm.xlane v3, v0;
	_ =	sdelay $0x1  }
0x4a: {  	v3 =	vperm.xlane v3, v2;
	v4 =	vadd.s32 v1, v4;
	_ =	sdelay $0x1  }
0x4b: {  	v3 =	vadd.s32 v1, v3;
	_ =	sdelay $0x1  }
0x4c: {  	s4 =	rddreg [dreg:$0x6]  }
0x4d: {  	[tilespmem:s4], [sflag:$0x1] =	stream.indirect_vreg.gather [hbm4b:s3+s2], $0x80, v4, vm0, $0xb8;
	[tilespmem:$0x1B780] =	vst v63  }
0x4e: {  	s7 =	rddreg [dreg:$0x7]  }
0x4f: {  	[tilespmem:s7], [sflag:$0x1] =	stream.indirect_vreg.gather [hbm4b:s3+s2], $0x80, v3, vm0, $0xb8;
	[tilespmem:$0x1B780] =	vst v63  }
0x50: {  	v3 =	vld [tilespmem:s0+$0xFFFFFF68];
	_ =	sdelay $0x4  }
0x51: {  	v41 =	vshll.u32 v3, $0x1  }
0x52: {  	v3 =	vand.u32 $0x7, v3;
	v4 =	vand.u32 $0xFFFFFFF0, v41  }
0x53: {  	v3 =	vor.u32 v3, v4  }
0x54: {  	v4 =	vperm.xlane v3, v0;
	_ =	sdelay $0x1  }
0x55: {  	v3 =	vperm.xlane v3, v2;
	v4 =	vadd.s32 v1, v4;
	_ =	sdelay $0x1  }
0x56: {  	v3 =	vadd.s32 v1, v3;
	_ =	sdelay $0x1  }
0x57: {  	s4 =	rddreg [dreg:$0x8]  }
0x58: {  	[tilespmem:s4], [sflag:$0x1] =	stream.indirect_vreg.gather [hbm4b:s3+s2], $0x80, v4, vm0, $0xb8;
	[tilespmem:$0x1B780] =	vst v63  }
0x59: {  	s7 =	rddreg [dreg:$0x9]  }
0x5a: {  	[tilespmem:s7], [sflag:$0x1] =	stream.indirect_vreg.gather [hbm4b:s3+s2], $0x80, v3, vm0, $0xb8;
	[tilespmem:$0x1B780] =	vst v63  }
0x5b: {  	v3 =	vld [tilespmem:s0+$0xFFFFFF78];
	_ =	sdelay $0x4  }
0x5c: {  	v42 =	vshll.u32 v3, $0x1  }
0x5d: {  	v3 =	vand.u32 $0x7, v3;
	v4 =	vand.u32 $0xFFFFFFF0, v42  }
0x5e: {  	v3 =	vor.u32 v3, v4  }
0x5f: {  	v4 =	vperm.xlane v3, v0;
	_ =	sdelay $0x1  }
0x60: {  	v3 =	vperm.xlane v3, v2;
	v4 =	vadd.s32 v1, v4;
	_ =	sdelay $0x1  }
0x61: {  	v3 =	vadd.s32 v1, v3;
	_ =	sdelay $0x1  }
0x62: {  	s4 =	rddreg [dreg:$0xa]  }
0x63: {  	[tilespmem:s4], [sflag:$0x1] =	stream.indirect_vreg.gather [hbm4b:s3+s2], $0x80, v4, vm0, $0xb8;
	[tilespmem:$0x1B780] =	vst v63  }
0x64: {  	s7 =	rddreg [dreg:$0xb]  }
0x65: {  	[tilespmem:s7], [sflag:$0x1] =	stream.indirect_vreg.gather [hbm4b:s3+s2], $0x80, v3, vm0, $0xb8;
	[tilespmem:$0x1B780] =	vst v63  }
0x66: {  	v3 =	vld [tilespmem:s0+$0xFFFFFF88];
	_ =	sdelay $0x4  }
0x67: {  	v43 =	vshll.u32 v3, $0x1  }
0x68: {  	v3 =	vand.u32 $0x7, v3;
	v4 =	vand.u32 $0xFFFFFFF0, v43  }
0x69: {  	v3 =	vor.u32 v3, v4  }
0x6a: {  	v4 =	vperm.xlane v3, v0;
	_ =	sdelay $0x1  }
0x6b: {  	v3 =	vperm.xlane v3, v2;
	v4 =	vadd.s32 v1, v4;
	_ =	sdelay $0x1  }
0x6c: {  	v3 =	vadd.s32 v1, v3;
	_ =	sdelay $0x1  }
0x6d: {  	s4 =	rddreg [dreg:$0xc]  }
0x6e: {  	[tilespmem:s4], [sflag:$0x1] =	stream.indirect_vreg.gather [hbm4b:s3+s2], $0x80, v4, vm0, $0xb8;
	[tilespmem:$0x1B780] =	vst v63  }
0x6f: {  	s7 =	rddreg [dreg:$0xd]  }
0x70: {  	[tilespmem:s7], [sflag:$0x1] =	stream.indirect_vreg.gather [hbm4b:s3+s2], $0x80, v3, vm0, $0xb8;
	[tilespmem:$0x1B780] =	vst v63  }
0x71: {  	v3 =	vld [tilespmem:s0+$0xFFFFFF98];
	_ =	sdelay $0x4  }
0x72: {  	v44 =	vshll.u32 v3, $0x1  }
0x73: {  	v3 =	vand.u32 $0x7, v3;
	v4 =	vand.u32 $0xFFFFFFF0, v44  }
0x74: {  	v3 =	vor.u32 v3, v4  }
0x75: {  	v4 =	vperm.xlane v3, v0;
	_ =	sdelay $0x1  }
0x76: {  	v3 =	vperm.xlane v3, v2;
	v4 =	vadd.s32 v1, v4;
	_ =	sdelay $0x1  }
0x77: {  	v3 =	vadd.s32 v1, v3;
	_ =	sdelay $0x1  }
0x78: {  	s4 =	rddreg [dreg:$0xe]  }
0x79: {  	[tilespmem:s4], [sflag:$0x1] =	stream.indirect_vreg.gather [hbm4b:s3+s2], $0x80, v4, vm0, $0xb8;
	[tilespmem:$0x1B780] =	vst v63  }
0x7a: {  	s7 =	rddreg [dreg:$0xf]  }
0x7b: {  	[tilespmem:s7], [sflag:$0x1] =	stream.indirect_vreg.gather [hbm4b:s3+s2], $0x80, v3, vm0, $0xb8;
	[tilespmem:$0x1B780] =	vst v63  }
0x7c: {  	v3 =	vld [tilespmem:s0+$0xFFFFFFA8];
	_ =	sdelay $0x4  }
0x7d: {  	v45 =	vshll.u32 v3, $0x1  }
0x7e: {  	v3 =	vand.u32 $0x7, v3;
	v4 =	vand.u32 $0xFFFFFFF0, v45  }
0x7f: {  	v3 =	vor.u32 v3, v4  }
0x80: {  	v4 =	vperm.xlane v3, v0;
	_ =	sdelay $0x1  }
0x81: {  	v3 =	vperm.xlane v3, v2;
	v4 =	vadd.s32 v1, v4;
	_ =	sdelay $0x1  }
0x82: {  	v3 =	vadd.s32 v1, v3;
	_ =	sdelay $0x1  }
0x83: {  	s4 =	rddreg [dreg:$0x10]  }
0x84: {  	[tilespmem:s4], [sflag:$0x1] =	stream.indirect_vreg.gather [hbm4b:s3+s2], $0x80, v4, vm0, $0xb8;
	[tilespmem:$0x1B780] =	vst v63  }
0x85: {  	s7 =	rddreg [dreg:$0x11]  }
0x86: {  	[tilespmem:s7], [sflag:$0x1] =	stream.indirect_vreg.gather [hbm4b:s3+s2], $0x80, v3, vm0, $0xb8;
	[tilespmem:$0x1B780] =	vst v63  }
0x87: {  	v3 =	vld [tilespmem:s0+$0xFFFFFFB8];
	_ =	sdelay $0x4  }
0x88: {  	v46 =	vshll.u32 v3, $0x1  }
0x89: {  	v3 =	vand.u32 $0x7, v3;
	v4 =	vand.u32 $0xFFFFFFF0, v46  }
0x8a: {  	v3 =	vor.u32 v3, v4  }
0x8b: {  	v4 =	vperm.xlane v3, v0;
	_ =	sdelay $0x1  }
0x8c: {  	v3 =	vperm.xlane v3, v2;
	v4 =	vadd.s32 v1, v4;
	_ =	sdelay $0x1  }
0x8d: {  	v3 =	vadd.s32 v1, v3;
	_ =	sdelay $0x1  }
0x8e: {  	s4 =	rddreg [dreg:$0x12]  }
0x8f: {  	[tilespmem:s4], [sflag:$0x1] =	stream.indirect_vreg.gather [hbm4b:s3+s2], $0x80, v4, vm0, $0xb8;
	[tilespmem:$0x1B780] =	vst v63  }
0x90: {  	s7 =	rddreg [dreg:$0x13]  }
0x91: {  	[tilespmem:s7], [sflag:$0x1] =	stream.indirect_vreg.gather [hbm4b:s3+s2], $0x80, v3, vm0, $0xb8;
	[tilespmem:$0x1B780] =	vst v63  }
0x92: {  	v3 =	vld [tilespmem:s0+$0xFFFFFFC8];
	_ =	sdelay $0x4  }
0x93: {  	v47 =	vshll.u32 v3, $0x1  }
0x94: {  	v3 =	vand.u32 $0x7, v3;
	v4 =	vand.u32 $0xFFFFFFF0, v47  }
0x95: {  	v3 =	vor.u32 v3, v4  }
0x96: {  	v4 =	vperm.xlane v3, v0;
	_ =	sdelay $0x1  }
0x97: {  	v3 =	vperm.xlane v3, v2;
	v4 =	vadd.s32 v1, v4;
	_ =	sdelay $0x1  }
0x98: {  	v3 =	vadd.s32 v1, v3;
	_ =	sdelay $0x1  }
0x99: {  	s4 =	rddreg [dreg:$0x14]  }
0x9a: {  	[tilespmem:s4], [sflag:$0x1] =	stream.indirect_vreg.gather [hbm4b:s3+s2], $0x80, v4, vm0, $0xb8;
	[tilespmem:$0x1B780] =	vst v63  }
0x9b: {  	s7 =	rddreg [dreg:$0x15]  }
0x9c: {  	[tilespmem:s7], [sflag:$0x1] =	stream.indirect_vreg.gather [hbm4b:s3+s2], $0x80, v3, vm0, $0xb8;
	[tilespmem:$0x1B780] =	vst v63  }
0x9d: {  	v3 =	vld [tilespmem:s0+$0xFFFFFFD8];
	_ =	sdelay $0x4  }
0x9e: {  	v48 =	vshll.u32 v3, $0x1  }
0x9f: {  	v3 =	vand.u32 $0x7, v3;
	v4 =	vand.u32 $0xFFFFFFF0, v48  }
0xa0: {  	v3 =	vor.u32 v3, v4  }
0xa1: {  	v4 =	vperm.xlane v3, v0;
	_ =	sdelay $0x1  }
0xa2: {  	v3 =	vperm.xlane v3, v2;
	v4 =	vadd.s32 v1, v4;
	_ =	sdelay $0x1  }
0xa3: {  	v3 =	vadd.s32 v1, v3;
	_ =	sdelay $0x1  }
0xa4: {  	s4 =	rddreg [dreg:$0x16]  }
0xa5: {  	[tilespmem:s4], [sflag:$0x1] =	stream.indirect_vreg.gather [hbm4b:s3+s2], $0x80, v4, vm0, $0xb8;
	[tilespmem:$0x1B780] =	vst v63  }
0xa6: {  	s7 =	rddreg [dreg:$0x17]  }
0xa7: {  	[tilespmem:s7], [sflag:$0x1] =	stream.indirect_vreg.gather [hbm4b:s3+s2], $0x80, v3, vm0, $0xb8;
	[tilespmem:$0x1B780] =	vst v63  }
0xa8: {  	v3 =	vld [tilespmem:s0+$0xFFFFFFE8];
	_ =	sdelay $0x4  }
0xa9: {  	v49 =	vshll.u32 v3, $0x1  }
0xaa: {  	v3 =	vand.u32 $0x7, v3;
	v4 =	vand.u32 $0xFFFFFFF0, v49  }
0xab: {  	v3 =	vor.u32 v3, v4  }
0xac: {  	v4 =	vperm.xlane v3, v0;
	_ =	sdelay $0x1  }
0xad: {  	v3 =	vperm.xlane v3, v2;
	v4 =	vadd.s32 v1, v4;
	_ =	sdelay $0x1  }
0xae: {  	v3 =	vadd.s32 v1, v3;
	_ =	sdelay $0x1  }
0xaf: {  	s4 =	rddreg [dreg:$0x18]  }
0xb0: {  	[tilespmem:s4], [sflag:$0x1] =	stream.indirect_vreg.gather [hbm4b:s3+s2], $0x80, v4, vm0, $0xb8;
	[tilespmem:$0x1B780] =	vst v63  }
0xb1: {  	s7 =	rddreg [dreg:$0x19]  }
0xb2: {  	[tilespmem:s7], [sflag:$0x1] =	stream.indirect_vreg.gather [hbm4b:s3+s2], $0x80, v3, vm0, $0xb8;
	[tilespmem:$0x1B780] =	vst v63  }
0xb3: {  	v3 =	vld.msk [tilespmem:s0+$0xFFFFFFF8], $0xff;
	_ =	sdelay $0x4  }
0xb4: {  	v50 =	vshll.u32 v3, $0x1  }
0xb5: {  	v3 =	vand.u32 $0x7, v3;
	v4 =	vand.u32 $0xFFFFFFF0, v50  }
0xb6: {  	v3 =	vor.u32 v3, v4  }
0xb7: {  	v3 =	vperm.xlane v3, v0;
	_ =	sdelay $0x1  }
0xb8: {  	v3 =	vadd.s32 v1, v3;
	_ =	sdelay $0x3  }
0xb9: {  	s7 =	rddreg [dreg:$0x1a]  }
0xba: {  	[tilespmem:s7], [sflag:$0x1] =	stream.indirect_vreg.gather [hbm4b:s3+s2], $0x80, v3, vm0, $0xb8;
	[tilespmem:$0x1B780] =	vst v63  }
0xbb: {  	v3 =	vld [tilespmem:s0+$0x0];
	_ =	sdelay $0x4  }
0xbc: {  	v51 =	vshll.u32 v3, $0x1  }
0xbd: {  	v3 =	vand.u32 $0x7, v3;
	v4 =	vand.u32 $0xFFFFFFF0, v51  }
0xbe: {  	v3 =	vor.u32 v3, v4  }
0xbf: {  	v4 =	vperm.xlane v3, v0;
	_ =	sdelay $0x1  }
0xc0: {  	v3 =	vperm.xlane v3, v2;
	v4 =	vadd.s32 v1, v4;
	_ =	sdelay $0x1  }
0xc1: {  	v3 =	vadd.s32 v1, v3;
	_ =	sdelay $0x2  }
0xc2: {  	[tilespmem:s10], [sflag:$0x2] =	stream.indirect_vreg.gather [hbm4b:s3+s2], $0x80, v4, vm0, $0xb8;
	[tilespmem:$0x1B780] =	vst v63  }
0xc3: {  	s7 =	rddreg [dreg:$0x1b]  }
0xc4: {  	[tilespmem:s7], [sflag:$0x2] =	stream.indirect_vreg.gather [hbm4b:s3+s2], $0x80, v3, vm0, $0xb8;
	[tilespmem:$0x1B780] =	vst v63  }
0xc5: {  	v3 =	vld [tilespmem:s0+$0x10];
	_ =	sdelay $0x4  }
0xc6: {  	v52 =	vshll.u32 v3, $0x1  }
0xc7: {  	v3 =	vand.u32 $0x7, v3;
	v4 =	vand.u32 $0xFFFFFFF0, v52  }
0xc8: {  	v3 =	vor.u32 v3, v4  }
0xc9: {  	v4 =	vperm.xlane v3, v0;
	_ =	sdelay $0x1  }
0xca: {  	v3 =	vperm.xlane v3, v2;
	v4 =	vadd.s32 v1, v4;
	_ =	sdelay $0x1  }
0xcb: {  	v3 =	vadd.s32 v1, v3;
	_ =	sdelay $0x1  }
0xcc: {  	s4 =	rddreg [dreg:$0x1c]  }
0xcd: {  	[tilespmem:s4], [sflag:$0x2] =	stream.indirect_vreg.gather [hbm4b:s3+s2], $0x80, v4, vm0, $0xb8;
	[tilespmem:$0x1B780] =	vst v63  }
0xce: {  	s7 =	rddreg [dreg:$0x1d]  }
0xcf: {  	[tilespmem:s7], [sflag:$0x2] =	stream.indirect_vreg.gather [hbm4b:s3+s2], $0x80, v3, vm0, $0xb8;
	[tilespmem:$0x1B780] =	vst v63  }
0xd0: {  	v3 =	vld [tilespmem:s0+$0x20];
	_ =	sdelay $0x4  }
0xd1: {  	v53 =	vshll.u32 v3, $0x1  }
0xd2: {  	v3 =	vand.u32 $0x7, v3;
	v4 =	vand.u32 $0xFFFFFFF0, v53  }
0xd3: {  	v3 =	vor.u32 v3, v4  }
0xd4: {  	v4 =	vperm.xlane v3, v0;
	_ =	sdelay $0x1  }
0xd5: {  	v3 =	vperm.xlane v3, v2;
	v4 =	vadd.s32 v1, v4;
	_ =	sdelay $0x1  }
0xd6: {  	v3 =	vadd.s32 v1, v3;
	_ =	sdelay $0x1  }
0xd7: {  	s4 =	rddreg [dreg:$0x1e]  }
0xd8: {  	[tilespmem:s4], [sflag:$0x2] =	stream.indirect_vreg.gather [hbm4b:s3+s2], $0x80, v4, vm0, $0xb8;
	[tilespmem:$0x1B780] =	vst v63  }
0xd9: {  	s7 =	rddreg [dreg:$0x1f]  }
0xda: {  	[tilespmem:s7], [sflag:$0x2] =	stream.indirect_vreg.gather [hbm4b:s3+s2], $0x80, v3, vm0, $0xb8;
	[tilespmem:$0x1B780] =	vst v63  }
0xdb: {  	v3 =	vld [tilespmem:s0+$0x30];
	_ =	sdelay $0x4  }
0xdc: {  	v54 =	vshll.u32 v3, $0x1  }
0xdd: {  	v3 =	vand.u32 $0x7, v3;
	v4 =	vand.u32 $0xFFFFFFF0, v54  }
0xde: {  	v3 =	vor.u32 v3, v4  }
0xdf: {  	v4 =	vperm.xlane v3, v0;
	_ =	sdelay $0x1  }
0xe0: {  	v3 =	vperm.xlane v3, v2;
	v4 =	vadd.s32 v1, v4;
	_ =	sdelay $0x1  }
0xe1: {  	s7 =	sld [smem:$0x7FD];
	v3 =	vadd.s32 v1, v3;
	_ =	sdelay $0x2  }
0xe2: {  	[tilespmem:s7], [sflag:$0x2] =	stream.indirect_vreg.gather [hbm4b:s3+s2], $0x80, v4, vm0, $0xb8;
	[tilespmem:$0x1B780] =	vst v63  }
0xe3: {  	_ = 	snop  }
0xe4: {  	[tilespmem:s11], [sflag:$0x2] =	stream.indirect_vreg.gather [hbm4b:s3+s2], $0x80, v3, vm0, $0xb8;
	[tilespmem:$0x1B780] =	vst v63  }
0xe5: {  	v3 =	vld [tilespmem:s0+$0x40];
	_ =	sdelay $0x4  }
0xe6: {  	v55 =	vshll.u32 v3, $0x1  }
0xe7: {  	v3 =	vand.u32 $0x7, v3;
	v4 =	vand.u32 $0xFFFFFFF0, v55  }
0xe8: {  	v3 =	vor.u32 v3, v4  }
0xe9: {  	v4 =	vperm.xlane v3, v0;
	_ =	sdelay $0x1  }
0xea: {  	v3 =	vperm.xlane v3, v2;
	v4 =	vadd.s32 v1, v4;
	_ =	sdelay $0x1  }
0xeb: {  	v3 =	vadd.s32 v1, v3;
	_ =	sdelay $0x2  }
0xec: {  	[tilespmem:s12], [sflag:$0x2] =	stream.indirect_vreg.gather [hbm4b:s3+s2], $0x80, v4, vm0, $0xb8;
	[tilespmem:$0x1B780] =	vst v63  }
0xed: {  	_ = 	snop  }
0xee: {  	[tilespmem:s13], [sflag:$0x2] =	stream.indirect_vreg.gather [hbm4b:s3+s2], $0x80, v3, vm0, $0xb8;
	[tilespmem:$0x1B780] =	vst v63  }
0xef: {  	v3 =	vld [tilespmem:s0+$0x50];
	_ =	sdelay $0x4  }
0xf0: {  	v56 =	vshll.u32 v3, $0x1  }
0xf1: {  	v3 =	vand.u32 $0x7, v3;
	v4 =	vand.u32 $0xFFFFFFF0, v56  }
0xf2: {  	v3 =	vor.u32 v3, v4  }
0xf3: {  	v4 =	vperm.xlane v3, v0;
	_ =	sdelay $0x1  }
0xf4: {  	v3 =	vperm.xlane v3, v2;
	v4 =	vadd.s32 v1, v4;
	_ =	sdelay $0x1  }
0xf5: {  	v3 =	vadd.s32 v1, v3;
	_ =	sdelay $0x2  }
0xf6: {  	[tilespmem:s14], [sflag:$0x2] =	stream.indirect_vreg.gather [hbm4b:s3+s2], $0x80, v4, vm0, $0xb8;
	[tilespmem:$0x1B780] =	vst v63  }
0xf7: {  	_ = 	snop  }
0xf8: {  	[tilespmem:s15], [sflag:$0x2] =	stream.indirect_vreg.gather [hbm4b:s3+s2], $0x80, v3, vm0, $0xb8;
	[tilespmem:$0x1B780] =	vst v63  }
0xf9: {  	v3 =	vld [tilespmem:s0+$0x60];
	_ =	sdelay $0x4  }
0xfa: {  	v57 =	vshll.u32 v3, $0x1  }
0xfb: {  	v3 =	vand.u32 $0x7, v3;
	v4 =	vand.u32 $0xFFFFFFF0, v57  }
0xfc: {  	v3 =	vor.u32 v3, v4  }
0xfd: {  	v4 =	vperm.xlane v3, v0;
	_ =	sdelay $0x1  }
0xfe: {  	v3 =	vperm.xlane v3, v2;
	v4 =	vadd.s32 v1, v4;
	_ =	sdelay $0x1  }
0xff: {  	v3 =	vadd.s32 v1, v3;
	_ =	sdelay $0x2  }
0x100: {  	[tilespmem:s16], [sflag:$0x2] =	stream.indirect_vreg.gather [hbm4b:s3+s2], $0x80, v4, vm0, $0xb8;
	[tilespmem:$0x1B780] =	vst v63  }
0x101: {  	_ = 	snop  }
0x102: {  	[tilespmem:s17], [sflag:$0x2] =	stream.indirect_vreg.gather [hbm4b:s3+s2], $0x80, v3, vm0, $0xb8;
	[tilespmem:$0x1B780] =	vst v63  }
0x103: {  	v3 =	vld [tilespmem:s0+$0x70];
	_ =	sdelay $0x4  }
0x104: {  	v58 =	vshll.u32 v3, $0x1  }
0x105: {  	v3 =	vand.u32 $0x7, v3;
	v4 =	vand.u32 $0xFFFFFFF0, v58  }
0x106: {  	v3 =	vor.u32 v3, v4  }
0x107: {  	v4 =	vperm.xlane v3, v0;
	_ =	sdelay $0x1  }
0x108: {  	v3 =	vperm.xlane v3, v2;
	v4 =	vadd.s32 v1, v4;
	_ =	sdelay $0x1  }
0x109: {  	v3 =	vadd.s32 v1, v3;
	_ =	sdelay $0x2  }
0x10a: {  	[tilespmem:s18], [sflag:$0x2] =	stream.indirect_vreg.gather [hbm4b:s3+s2], $0x80, v4, vm0, $0xb8;
	[tilespmem:$0x1B780] =	vst v63  }
0x10b: {  	_ = 	snop  }
0x10c: {  	[tilespmem:s19], [sflag:$0x2] =	stream.indirect_vreg.gather [hbm4b:s3+s2], $0x80, v3, vm0, $0xb8;
	[tilespmem:$0x1B780] =	vst v63  }
0x10d: {  	v3 =	vld [tilespmem:s0+$0x80];
	_ =	sdelay $0x4  }
0x10e: {  	v59 =	vshll.u32 v3, $0x1  }
0x10f: {  	v3 =	vand.u32 $0x7, v3;
	v4 =	vand.u32 $0xFFFFFFF0, v59  }
0x110: {  	v3 =	vor.u32 v3, v4  }
0x111: {  	v4 =	vperm.xlane v3, v0;
	_ =	sdelay $0x1  }
0x112: {  	v3 =	vperm.xlane v3, v2;
	v4 =	vadd.s32 v1, v4;
	_ =	sdelay $0x1  }
0x113: {  	v3 =	vadd.s32 v1, v3;
	_ =	sdelay $0x2  }
0x114: {  	[tilespmem:s20], [sflag:$0x2] =	stream.indirect_vreg.gather [hbm4b:s3+s2], $0x80, v4, vm0, $0xb8;
	[tilespmem:$0x1B780] =	vst v63  }
0x115: {  	_ = 	snop  }
0x116: {  	[tilespmem:s21], [sflag:$0x2] =	stream.indirect_vreg.gather [hbm4b:s3+s2], $0x80, v3, vm0, $0xb8;
	[tilespmem:$0x1B780] =	vst v63  }
0x117: {  	v3 =	vld [tilespmem:s0+$0x90];
	_ =	sdelay $0x4  }
0x118: {  	v60 =	vshll.u32 v3, $0x1  }
0x119: {  	v3 =	vand.u32 $0x7, v3;
	v4 =	vand.u32 $0xFFFFFFF0, v60  }
0x11a: {  	v3 =	vor.u32 v3, v4  }
0x11b: {  	v4 =	vperm.xlane v3, v0;
	_ =	sdelay $0x1  }
0x11c: {  	v3 =	vperm.xlane v3, v2;
	v4 =	vadd.s32 v1, v4;
	_ =	sdelay $0x1  }
0x11d: {  	v3 =	vadd.s32 v1, v3;
	_ =	sdelay $0x2  }
0x11e: {  	[tilespmem:s22], [sflag:$0x2] =	stream.indirect_vreg.gather [hbm4b:s3+s2], $0x80, v4, vm0, $0xb8;
	[tilespmem:$0x1B780] =	vst v63  }
0x11f: {  	_ = 	snop  }
0x120: {  	[tilespmem:s23], [sflag:$0x2] =	stream.indirect_vreg.gather [hbm4b:s3+s2], $0x80, v3, vm0, $0xb8;
	[tilespmem:$0x1B780] =	vst v63  }
0x121: {  	v3 =	vld [tilespmem:s0+$0xA0];
	_ =	sdelay $0x4  }
0x122: {  	v61 =	vshll.u32 v3, $0x1  }
0x123: {  	v3 =	vand.u32 $0x7, v3;
	v4 =	vand.u32 $0xFFFFFFF0, v61  }
0x124: {  	v3 =	vor.u32 v3, v4  }
0x125: {  	v4 =	vperm.xlane v3, v0;
	_ =	sdelay $0x1  }
0x126: {  	v3 =	vperm.xlane v3, v2;
	v4 =	vadd.s32 v1, v4;
	_ =	sdelay $0x1  }
0x127: {  	v3 =	vadd.s32 v1, v3;
	_ =	sdelay $0x2  }
0x128: {  	[tilespmem:s24], [sflag:$0x2] =	stream.indirect_vreg.gather [hbm4b:s3+s2], $0x80, v4, vm0, $0xb8;
	[tilespmem:$0x1B780] =	vst v63  }
0x129: {  	_ = 	snop  }
0x12a: {  	[tilespmem:s25], [sflag:$0x2] =	stream.indirect_vreg.gather [hbm4b:s3+s2], $0x80, v3, vm0, $0xb8;
	[tilespmem:$0x1B780] =	vst v63  }
0x12b: {  	v3 =	vld [tilespmem:s0+$0xB0];
	_ =	sdelay $0x4  }
0x12c: {  	v62 =	vshll.u32 v3, $0x1  }
0x12d: {  	v3 =	vand.u32 $0x7, v3;
	v4 =	vand.u32 $0xFFFFFFF0, v62  }
0x12e: {  	v3 =	vor.u32 v3, v4  }
0x12f: {  	v4 =	vperm.xlane v3, v0;
	_ =	sdelay $0x1  }
0x130: {  	v3 =	vperm.xlane v3, v2;
	v4 =	vadd.s32 v1, v4;
	_ =	sdelay $0x1  }
0x131: {  	v3 =	vadd.s32 v1, v3;
	_ =	sdelay $0x2  }
0x132: {  	[tilespmem:s26], [sflag:$0x2] =	stream.indirect_vreg.gather [hbm4b:s3+s2], $0x80, v4, vm0, $0xb8;
	[tilespmem:$0x1B780] =	vst v63  }
0x133: {  	_ = 	snop  }
0x134: {  	[tilespmem:s28], [sflag:$0x2] =	stream.indirect_vreg.gather [hbm4b:s3+s2], $0x80, v3, vm0, $0xb8;
	[tilespmem:$0x1B780] =	vst v63  }
0x135: {  	v3 =	vld.msk [tilespmem:s0+$0xC0], $0xff;
	_ =	sdelay $0x4  }
0x136: {  	v63 =	vshll.u32 v3, $0x1  }
0x137: {  	v3 =	vand.u32 $0x7, v3;
	v4 =	vand.u32 $0xFFFFFFF0, v63  }
0x138: {  	v3 =	vor.u32 v3, v4  }
0x139: {  	v3 =	vperm.xlane v3, v0;
	_ =	sdelay $0x1  }
0x13a: {  	v3 =	vadd.s32 v1, v3;
	_ =	sdelay $0x4  }
0x13b: {  	[tilespmem:s29], [sflag:$0x2] =	stream.indirect_vreg.gather [hbm4b:s3+s2], $0x80, v3, vm0, $0xb8;
	[tilespmem:$0x1B780] =	vst v63  }
0x13c: {  	_ =	swait.ge [sflag:s30], $0xC800  }
0x13d: {  	s7 =	rddreg [dreg:$0x2];
	[sflag:s30] =	ssyncset.done $0x0  }
0x13e: {  	[sflag:s30] =	ssyncadd.s32 $0xFFFF3800;
	s4 =	sadd.s32 s6, s7  }
0x13f: {  	[hbm4b:s4+s2] =	stream.linear.scatter [tilespmem:s9], [sflag:$0x3], $0xC800, $0x38;
	[tilespmem:$0x1B780] =	vst v63  }
0x140: {  	_ =	swait.ge [sflag:s8], $0xC800  }
0x141: {  	[sflag:s8] =	ssyncset.done $0x0  }
0x142: {  	[sflag:s8] =	ssyncadd.s32 $0xFFFF3800  }
0x143: {  	_ =	swait.ge [sflag:s31], $0xC800  }
0x144: {  	p0 =	sne.s32 s6, $0x4B000;
	[sflag:s31] =	ssyncset.done $0x0  }
.Ltmp0:
0x145: {  	s4 =	sadd.s32 $0x1900, s4;
	[sflag:s31] =	ssyncadd.s32 $0xFFFF3800;
	(pc) =	sbr.rel @p0 .LBB2_2-.Ltmp0, $4  }
0x146: {  	[hbm4b:s4+s2] =	stream.linear.scatter [tilespmem:s10], [sflag:$0x3], $0xC800, $0x38;
	[tilespmem:$0x1B780] =	vst v63  }
0x147: {  	_ =	swait.ge [sflag:s8], $0xC800  }
0x148: {  	[sflag:s8] =	ssyncset.done $0x0  }
0x149: {  	s0 =	sadd.s32 $0x190, s0;
	s6 =	sadd.s32 $0x3200, s6;
	[sflag:s8] =	ssyncadd.s32 $0xFFFF3800  }
0x14a: {  	s1 =	sadd.s32 $0x1, s1  }
0x14b: {  	p0 =	sne.s32 s1, s5  }
.Ltmp1:
0x14c: {  	_ = 	snop;
	(pc) =	sbr.rel @p0 .LBB2_1-.Ltmp1, $1  }
0x14d: {  	_ =	sdelay $0x3  }
0x14e: {  	_ =	sfence.sel $0x180000  }
0x14f: {  	[bflag:$0x0] =	sbarrier.arrive $0xFFFF  }
0x150: {  	_ =	strace $0x9000004D  }
0x151: {  	s0 =	stileid.u32;
	[bflag:$0x2] =	sbarrier.arrive $0xFFFF  }
0x152: {  	p0 =	sne.s32 s0, $0x0;
	s0 =	rddreg [dreg:$0x1]  }
0x153: {  	s0 =	sadd.s32 @!p0 $0x100000, s0  }
0x154: {  	[sflag:s0] =	ssyncadd.tile.s32 @!p0 $0x1;
	_ =	shalt  }
.Lfunc_end2:
_tile_overlayer_lowered:
.L_overlay_start_2:
0x155: {  	(tag) =	ssettag $0x2  }
0x156: {  	s0 =	rddreg [dreg:$0x0];
	s2 =	stileid.u32  }
0x157: {  	s1 =	rddreg [dreg:$0x1];
	p0 =	sne.s32 s2, $0x0  }
0x158: {  	s3 =	rddreg [dreg:$0x2];
	[bflag:$0x3] =	sbarrier.arrive $0xFFFF;
	s2 =	simm.s32 @!p0 $0x1C03  }
0x159: {  	[timem:s3], [sflag:s2] =	dma.local @!p0 [hbm:s0], s1  }
0x15a: {  	s0 =	simm.s32 @!p0 $0x3  }
0x15b: {  	_ =	swait.ge @!p0 [sflag:s0], s1  }
0x15c: {  	s1 =	ssub.s32 @!p0 $0x0, s1;
	[sflag:s0] =	ssyncset.done @!p0 $0x0  }
0x15d: {  	[sflag:s0] =	ssyncadd.s32 @!p0 s1  }
0x15e: {  	[bflag:$0x3] =	sbarrier.arrive $0xFFFF  }
0x15f: {  	_ =	shalt  }

// kernel: kernel.8.cloned.1.call-start
scs
__scs_entry_jumppad:
0x0: {  	(pc) =	sbr.rel $0x88, $3  }
0x1: {  	(tag) =	ssettag $0x0;
	lr =	simm.s32 $0x1  }
0x2: {  	[smem:$0x3F91] =	sst lr;
	_ =	strace $0xD0000000  }
0x3: {  	_ = 	snop  }
0x4: {  	_ = 	snop  }
0x5: {  	_ = 	snop  }
0x6: {  	_ = 	snop  }
0x7: {  	_ = 	snop  }
__scs_overlays_trampoline_lowered:
0x8: {  	[smem:$0x3FA0] =	sst s0  }
0x9: {  	[smem:$0x3FA1] =	sst s1  }
0xa: {  	[smem:$0x3FA2] =	sst s2  }
0xb: {  	[smem:$0x3FA3] =	sst s3  }
0xc: {  	[smem:$0x3FA4] =	sst s4  }
0xd: {  	[smem:$0x3FA5] =	sst s5  }
0xe: {  	[smem:$0x3FA6] =	sst s6  }
0xf: {  	[smem:$0x3FA7] =	sst s7  }
0x10: {  	[smem:$0x3FA8] =	sst s8  }
0x11: {  	[smem:$0x3FA9] =	sst s9;
	s0 =	simm.s32 @!p0 $0x0  }
0x12: {  	s1 =	sld [smem:$0x3F8F];
	s0 =	simm.s32 @p0 $0x1  }
0x13: {  	[smem:$0x3FAA] =	sst s0;
	s0 =	simm.s32 @!p1 $0x0  }
0x14: {  	s2 =	sld [smem:$0x3F8E];
	s0 =	simm.s32 @p1 $0x1  }
0x15: {  	[smem:$0x3FAB] =	sst s0;
	s0 =	simm.s32 @!p2 $0x0  }
0x16: {  	s3 =	sld [smem:$0x3FDB];
	s0 =	simm.s32 @p2 $0x1  }
0x17: {  	s4 =	simm.s32 $0x1BF5;
	[smem:$0x3FAD] =	sst s0  }
0x18: {  	s0 =	sld [smem:$0x3F90];
	_ =	swait.ge [sflag:s4], $0x0  }
0x19: {  	s7 =	sld [smem:$0x3F91]  }
0x1a: {  	s8 =	sadd.s32 $0xFFFFE003, lr  }
0x1b: {  	s9 =	sadd.s32 $0xFFFFFEF7, lr;
	s5 =	simm.s32 $0xFFFFFFFF;
	p2 =	slt.u32 s8, $0xFFFFF086  }
0x1c: {  	p1 =	slt.u32 s9, $0xF7A;
	s5 =	simm.s32 @!p2 $0x0  }
0x1d: {  	s5 =	simm.s32 @p1 $0x1;
	p0 =	seq.s32 s7, s2  }
0x1e: {  	s7 =	smul.u32 @!p0 $0xF7A, s2;
	p2 =	seq.s32 @!p0 s5, $0x0  }
0x1f: {  	s9 =	smul.u32 $0xF7A, s1;
	s8 =	simm.s32 @!p0 $0x1BF5;
	p2 =	por !p2, p0  }
0x20: {  	[sflag:s8] =	ssyncset.s32 @!p0 $0xFFFFF086;
	s6 =	sadd.s32 @!p0 s3, s7;
	s7 =	simm.s32 @!p0 $0x108  }
0x21: {  	s3 =	sadd.s32 s3, s9;
	s6 =	sadd.s32 @!p0 $0x88, s6;
	s7 =	simm.s32 @p2 $0x1082  }
0x22: {  	[simem:s7], [sflag:s8] =	dma.local @!p0 [hbm:s6], $0xF7A  }
0x23: {  	s9 =	sor.u32 $0xD0000000, s2;
	s6 =	simm.s32 $0x108;
	_ =	swait.ge @!p0 [sflag:s8], $0x0  }
0x24: {  	s3 =	sadd.s32 $0x88, s3;
	s6 =	simm.s32 @!p1 $0x1082;
	[sflag:s4] =	ssyncset.s32 $0xFFFFF086  }
0x25: {  	[simem:s6], [sflag:s4] =	dma.local [hbm:s3], $0xF7A  }
0x26: {  	[smem:$0x3F91] =	sst s1;
	(tag) =	ssettag s2;
	_ =	strace s9  }
0x27: {  	s1 =	sld [smem:$0x3FA1]  }
0x28: {  	s2 =	sld [smem:$0x3FA2]  }
0x29: {  	s4 =	sld [smem:$0x3FA4]  }
0x2a: {  	p0 =	seq.s32 s5, $0x0;
	s5 =	sld [smem:$0x3FA5]  }
0x2b: {  	s6 =	sld [smem:$0x3FA6]  }
0x2c: {  	s7 =	sld [smem:$0x3FA7]  }
0x2d: {  	s3 =	simm.s32 $0x108;
	s8 =	sld [smem:$0x3FA8]  }
0x2e: {  	s3 =	simm.s32 @!p0 $0x1082;
	s9 =	sld [smem:$0x3FA9]  }
0x2f: {  	lr =	sadd.s32 s0, s3;
	s0 =	sld [smem:$0x3FA0]  }
0x30: {  	s3 =	sld [smem:$0x3FA3]  }
0x31: {  	[smem:$0x3FAC] =	sst s10  }
0x32: {  	s10 =	sld [smem:$0x3FAA];
	_ =	sdelay $0x3  }
0x33: {  	p0 =	seq.s32 s10, $0x1;
	s10 =	sld [smem:$0x3FAC];
	_ =	sdelay $0x3  }
0x34: {  	[smem:$0x3FAC] =	sst s10  }
0x35: {  	s10 =	sld [smem:$0x3FAB];
	_ =	sdelay $0x3  }
0x36: {  	p1 =	seq.s32 s10, $0x1;
	s10 =	sld [smem:$0x3FAC];
	_ =	sdelay $0x3  }
0x37: {  	[smem:$0x3FAC] =	sst s10  }
0x38: {  	s10 =	sld [smem:$0x3FAD]  }
0x39: {  	_ = 	snop;
	(pc) =	sbr.ind lr, $3  }
0x3a: {  	_ = 	snop  }
0x3b: {  	_ = 	snop  }
0x3c: {  	p2 =	seq.s32 s10, $0x1;
	s10 =	sld [smem:$0x3FAC]  }
0x3d: {  	_ =	shalt  }
0x3e: {  	_ =	shalt  }
0x3f: {  	_ =	shalt  }
0x40: {  	_ =	shalt  }
0x41: {  	_ =	shalt  }
0x42: {  	_ =	shalt  }
0x43: {  	_ =	shalt  }
0x44: {  	_ =	shalt  }
0x45: {  	_ =	shalt  }
0x46: {  	_ =	shalt  }
0x47: {  	_ =	shalt  }
0x48: {  	_ =	shalt  }
0x49: {  	_ =	shalt  }
0x4a: {  	_ =	shalt  }
0x4b: {  	_ =	shalt  }
0x4c: {  	_ =	shalt  }
0x4d: {  	_ =	shalt  }
0x4e: {  	_ =	shalt  }
0x4f: {  	_ =	shalt  }
0x50: {  	_ =	shalt  }
0x51: {  	_ =	shalt  }
0x52: {  	_ =	shalt  }
0x53: {  	_ =	shalt  }
0x54: {  	_ =	shalt  }
0x55: {  	_ =	shalt  }
0x56: {  	_ =	shalt  }
0x57: {  	_ =	shalt  }
0x58: {  	_ =	shalt  }
0x59: {  	_ =	shalt  }
0x5a: {  	_ =	shalt  }
0x5b: {  	_ =	shalt  }
0x5c: {  	_ =	shalt  }
0x5d: {  	_ =	shalt  }
0x5e: {  	_ =	shalt  }
0x5f: {  	_ =	shalt  }
0x60: {  	_ =	shalt  }
0x61: {  	_ =	shalt  }
0x62: {  	_ =	shalt  }
0x63: {  	_ =	shalt  }
0x64: {  	_ =	shalt  }
0x65: {  	_ =	shalt  }
0x66: {  	_ =	shalt  }
0x67: {  	_ =	shalt  }
0x68: {  	_ =	shalt  }
0x69: {  	_ =	shalt  }
0x6a: {  	_ =	shalt  }
0x6b: {  	_ =	shalt  }
0x6c: {  	_ =	shalt  }
0x6d: {  	_ =	shalt  }
0x6e: {  	_ =	shalt  }
0x6f: {  	_ =	shalt  }
0x70: {  	_ =	shalt  }
0x71: {  	_ =	shalt  }
0x72: {  	_ =	shalt  }
0x73: {  	_ =	shalt  }
0x74: {  	_ =	shalt  }
0x75: {  	_ =	shalt  }
0x76: {  	_ =	shalt  }
0x77: {  	_ =	shalt  }
0x78: {  	_ =	shalt  }
0x79: {  	_ =	shalt  }
0x7a: {  	_ =	shalt  }
0x7b: {  	_ =	shalt  }
0x7c: {  	_ =	shalt  }
0x7d: {  	_ =	shalt  }
0x7e: {  	_ =	shalt  }
0x7f: {  	_ =	shalt  }
0x80: {  	_ =	shalt  }
0x81: {  	_ =	shalt  }
0x82: {  	_ =	shalt  }
0x83: {  	_ =	shalt  }
0x84: {  	_ =	shalt  }
0x85: {  	_ =	shalt  }
0x86: {  	_ =	shalt  }
0x87: {  	_ =	shalt  }
.Lfunc_end0:
.L_simem_size_0:
called_computation_lowered:
.L_overlay_start_0:
0x88: {  	s2 =	sld [smem:$0x3FD9]  }
0x89: {  	s3 =	sld [smem:$0x3FFE];
	_ =	sdelay $0x1  }
0x8a: {  	s1 =	srdreg.scid  }
0x8b: {  	s0 =	sand.u32 $0x1, s1  }
0x8c: {  	s14 =	sshll.u32 s0, $0xA;
	s2 =	sadd.s32 s3, s2  }
0x8d: {  	s2 =	sadd.s32 s2, s14  }
0x8e: {  	[smem:$0x3FB8] =	sst s2  }
0x8f: {  	_ = 	snop  }
0x90: {  	s2 =	sld [smem:$0x3FD0];
	_ =	sdelay $0x2  }
0x91: {  	s4 =	simm.s32 $0xA;
	s5 =	simm.s32 $0x10;
	s15 =	sld [smem:$0x3FC9]  }
0x92: {  	[smem:s5], [sflag:s4] =	dma.local [hbm:s2], $0x1  }
0x93: {  	_ =	swait.eq [sflag:s4], $0x1  }
0x94: {  	[sflag:s4] =	ssyncset.done $0x0  }
0x95: {  	s16 =	sld [smem:$0x14];
	[sflag:s4] =	ssyncadd.s32 $0xFFFFFFFF  }
0x96: {  	s17 =	sld [smem:$0x15];
	(tm) =	ssettm $0x1  }
0x97: {  	s18 =	sld [smem:$0x3FFB];
	_ =	sdelay $0x3  }
0x98: {  	_ =	strace s18  }
0x99: {  	s5 =	sld [smem:$0x3FFC];
	_ =	sdelay $0x3  }
0x9a: {  	_ =	strace s5  }
0x9b: {  	s5 =	sld [smem:$0x3FFD];
	_ =	sdelay $0x3  }
0x9c: {  	_ =	strace s5  }
0x9d: {  	_ =	strace $0x8FFFFFFF  }
0x9e: {  	s19 =	sld [smem:$0x3FDB];
	_ =	sdelay $0x1  }
0x9f: {  	s6 =	simm.s32 $_scs_section_size  }
0xa0: {  	s7 =	simm.s32 $_size__tile_overlayer_lowered;
	s8 =	simm.s32 $_tile_overlayer_lowered  }
0xa1: {  	s22 =	simm.s32 $0x1BFF;
	s21 =	sshll.u32 s8, $0x1;
	s5 =	sadd.s32 s6, s19  }
0xa2: {  	s9 =	simm.s32 $0x0;
	s20 =	sshll.u32 s7, $0x1;
	s7 =	sadd.s32 s21, s5  }
0xa3: {  	[timem:s9], [sflag:s22] =	dma.local [hbm:s7], s20  }
0xa4: {  	_ =	swait.ge [sflag:s22], s20  }
0xa5: {  	s6 =	ssub.s32 $0x0, s20;
	[sflag:s22] =	ssyncset.done $0x0  }
0xa6: {  	[sflag:s22] =	ssyncadd.s32 s6;
	_ =	sdelay $0x1  }
0xa7: {  	s23 =	simm.s32 $0x1B8B  }
0xa8: {  	_ =	swait.ge [sflag:s23], $0x1  }
0xa9: {  	[sflag:s23] =	ssyncset.done $0x0  }
0xaa: {  	s25 =	simm.s32 $0x1B8E;
	s24 =	sld [smem:$0x3FFE];
	[sflag:s23] =	ssyncadd.s32 $0xFFFFFFFF  }
0xab: {  	s26 =	simm.s32 $execute0_lowered;
	[smem:$0x3FD2] =	sst s25  }
0xac: {  	s7 =	sshll.u32 s26, $0x1;
	_ =	strace $0x80000046;
	[dreg:$0x1] =	wrdreg $0xFFFFFFFF  }
0xad: {  	s28 =	simm.s32 $_size_execute0_lowered;
	s5 =	sadd.s32 s5, s7;
	[dreg:$0x0] =	wrdreg $0x0  }
0xae: {  	s7 =	sshll.u32 s28, $0x1;
	[dreg:$0x2] =	wrdreg s5  }
0xaf: {  	[dreg:$0x3] =	wrdreg s7  }
0xb0: {  	[dreg:$0x4] =	wrdreg $0xC0  }
0xb1: {  	_ =	task [dreg:s9], $0x5FFFF  }
0xb2: {  	[dreg:$0x1] =	wrdreg $0xFFFFFFFF  }
0xb3: {  	[dreg:$0x0] =	wrdreg $0x60  }
0xb4: {  	[dreg:$0x2] =	wrdreg s15  }
0xb5: {  	[dreg:$0x3] =	wrdreg s17  }
0xb6: {  	[dreg:$0x4] =	wrdreg s24  }
0xb7: {  	[dreg:$0x5] =	wrdreg s16  }
0xb8: {  	[dreg:$0x6] =	wrdreg $0xB3000  }
0xb9: {  	[dreg:$0x7] =	wrdreg $0x9  }
0xba: {  	_ =	task.clear_ibuf [dreg:s9], $0x8FFFF;
	_ =	strace $0x90000046  }
0xbb: {  	s29 =	simm.s32 $0x9;
	_ =	strace $0x80000048  }
0xbc: {  	_ =	swait.ge [sflag:s29], $0x1  }
0xbd: {  	[sflag:s29] =	ssyncadd.s32 $0xFFFFFFFF  }
0xbe: {  	_ =	strace $0x90000048  }
0xbf: {  	_ =	sfence  }
0xc0: {  	s30 =	sld [smem:$0x0];
	_ =	sdelay $0x2  }
0xc1: {  	s31 =	sshll.u32 s1, $0xD;
	s1 =	sshrl.u32 s1, $0x2  }
0xc2: {  	s3 =	sand.u32 $0x4000, s31;
	s1 =	sadd.s32 s1, s30  }
0xc3: {  	s0 =	sor.u32 s3, s0;
	s1 =	sshll.u32 s1, $0x11  }
0xc4: {  	s0 =	sor.u32 s1, s0  }
0xc5: {  	s0 =	sadd.s32 $0x8F2B, s0  }
0xc6: {  	[sflag:s0] =	ssyncadd.remote.s32 $0x1  }
0xc7: {  	_ =	sfence.sel $0xFFFF  }
0xc8: {  	[dreg:$0x0] =	wrdreg $0xFFFFFFFF;
	(pc) =	sbr.abs _section_cstart, $3  }
0xc9: {  	[dreg:$0x1] =	wrdreg $0xFFFFFFFF  }
0xca: {  	_ =	task.clear_ibuf [dreg:s9], $0x2FFFF;
	_ =	strace $0x9FFFFFFF  }
0xcb: {  	(tm) =	ssettm $0x7FFFFFFF  }
tec
execute0_lowered:
.L_overlay_start_1:
0x0: {  	(tag) =	ssettag $0x1  }
0x1: {  	s0 =	rddreg [dreg:$0x0]  }
0x2: {  	s1 =	rddreg [dreg:$0x1]  }
0x3: {  	s4 =	rddreg [dreg:$0x2]  }
0x4: {  	s2 =	rddreg [dreg:$0x4];
	s3 =	simm.s32 $0x0  }
0x5: {  	s5 =	simm.s32 $0x4F80;
	[smem:$0x7FF] =	sst s3  }
0x6: {  	s18 =	simm.s32 $0x5000;
	_ =	strace $0x80000047;
	[dreg:$0x6] =	wrdreg s5  }
0x7: {  	s19 =	simm.s32 $0x5080;
	[dreg:$0x7] =	wrdreg s18  }
0x8: {  	s20 =	simm.s32 $0x5100;
	[dreg:$0x8] =	wrdreg s19  }
0x9: {  	s21 =	simm.s32 $0x5180;
	[dreg:$0x9] =	wrdreg s20  }
0xa: {  	s22 =	simm.s32 $0x5200;
	[dreg:$0xa] =	wrdreg s21  }
0xb: {  	s23 =	simm.s32 $0x5280;
	[dreg:$0xb] =	wrdreg s22  }
0xc: {  	s24 =	simm.s32 $0x5300;
	[dreg:$0xc] =	wrdreg s23  }
0xd: {  	s25 =	simm.s32 $0x5380;
	[dreg:$0xd] =	wrdreg s24  }
0xe: {  	s26 =	simm.s32 $0x5400;
	[dreg:$0xe] =	wrdreg s25  }
0xf: {  	s6 =	simm.s32 $0x5480;
	[dreg:$0xf] =	wrdreg s26  }
0x10: {  	s7 =	simm.s32 $0x5500;
	[dreg:$0x10] =	wrdreg s6  }
0x11: {  	s8 =	simm.s32 $0x5580;
	[dreg:$0x11] =	wrdreg s7  }
0x12: {  	s9 =	simm.s32 $0x5600;
	[dreg:$0x12] =	wrdreg s8  }
0x13: {  	s10 =	simm.s32 $0x5680;
	[dreg:$0x13] =	wrdreg s9  }
0x14: {  	s11 =	simm.s32 $0x5700;
	[dreg:$0x14] =	wrdreg s10  }
0x15: {  	s12 =	simm.s32 $0x5780;
	[dreg:$0x15] =	wrdreg s11  }
0x16: {  	s13 =	simm.s32 $0x5800;
	[dreg:$0x16] =	wrdreg s12  }
0x17: {  	s14 =	simm.s32 $0x5880;
	[dreg:$0x17] =	wrdreg s13  }
0x18: {  	s15 =	simm.s32 $0x5900;
	[dreg:$0x18] =	wrdreg s14  }
0x19: {  	s16 =	simm.s32 $0x5980;
	[dreg:$0x19] =	wrdreg s15  }
0x1a: {  	s17 =	simm.s32 $0x5A00;
	[dreg:$0x1a] =	wrdreg s16  }
0x1b: {  	[dreg:$0x1b] =	wrdreg s17;
	s18 =	simm.s32 $0x5A80  }
0x1c: {  	s19 =	simm.s32 $0x5B00;
	[dreg:$0x1c] =	wrdreg s18  }
0x1d: {  	s20 =	simm.s32 $0x5B80;
	[dreg:$0x1d] =	wrdreg s19  }
0x1e: {  	s21 =	simm.s32 $0x5C00;
	[dreg:$0x1e] =	wrdreg s20  }
0x1f: {  	s22 =	simm.s32 $0x5C80;
	[dreg:$0x1f] =	wrdreg s21  }
0x20: {  	s23 =	simm.s32 $0x5D00;
	[smem:$0x75F] =	sst s22  }
0x21: {  	s24 =	simm.s32 $0x5D80;
	[smem:$0x760] =	sst s23  }
0x22: {  	s25 =	simm.s32 $0x5E00;
	[smem:$0x761] =	sst s24  }
0x23: {  	s26 =	simm.s32 $0x5E80;
	[smem:$0x762] =	sst s25  }
0x24: {  	s6 =	simm.s32 $0x5F00;
	[smem:$0x763] =	sst s26  }
0x25: {  	s7 =	simm.s32 $0x5F80;
	[smem:$0x764] =	sst s6  }
0x26: {  	s8 =	simm.s32 $0x6000;
	[smem:$0x765] =	sst s7  }
0x27: {  	s9 =	simm.s32 $0x6080;
	[smem:$0x766] =	sst s8  }
0x28: {  	s10 =	simm.s32 $0x6100;
	[smem:$0x767] =	sst s9  }
0x29: {  	s11 =	simm.s32 $0x6180;
	[smem:$0x768] =	sst s10  }
0x2a: {  	s12 =	simm.s32 $0x6200;
	[smem:$0x769] =	sst s11  }
0x2b: {  	s13 =	simm.s32 $0x6280;
	[smem:$0x76A] =	sst s12  }
0x2c: {  	s14 =	simm.s32 $0x6300;
	[smem:$0x76B] =	sst s13  }
0x2d: {  	s15 =	simm.s32 $0x6380;
	[smem:$0x76C] =	sst s14  }
0x2e: {  	s16 =	simm.s32 $0x6400;
	[smem:$0x76D] =	sst s15  }
0x2f: {  	s17 =	simm.s32 $0x6480;
	[smem:$0x76E] =	sst s16  }
0x30: {  	[smem:$0x76F] =	sst s17;
	s18 =	simm.s32 $0x6500  }
0x31: {  	s19 =	simm.s32 $0x6580;
	[smem:$0x770] =	sst s18  }
0x32: {  	s20 =	simm.s32 $0x6600;
	[smem:$0x771] =	sst s19  }
0x33: {  	s21 =	simm.s32 $0x6680;
	[smem:$0x772] =	sst s20  }
0x34: {  	s22 =	simm.s32 $0x6700;
	[smem:$0x773] =	sst s21  }
0x35: {  	s23 =	simm.s32 $0x6780;
	[smem:$0x774] =	sst s22  }
0x36: {  	s24 =	simm.s32 $0x6800;
	[smem:$0x775] =	sst s23  }
0x37: {  	s25 =	simm.s32 $0x6880;
	[smem:$0x776] =	sst s24  }
0x38: {  	s26 =	simm.s32 $0x6900;
	[smem:$0x777] =	sst s25  }
0x39: {  	s6 =	simm.s32 $0x6980;
	[smem:$0x778] =	sst s26  }
0x3a: {  	s7 =	simm.s32 $0x6A00;
	[smem:$0x779] =	sst s6  }
0x3b: {  	s8 =	simm.s32 $0x6A80;
	[smem:$0x77A] =	sst s7  }
0x3c: {  	s9 =	simm.s32 $0x6B00;
	[smem:$0x77B] =	sst s8  }
0x3d: {  	s10 =	simm.s32 $0x6B80;
	[smem:$0x77C] =	sst s9  }
0x3e: {  	s11 =	simm.s32 $0x6C00;
	[smem:$0x77D] =	sst s10  }
0x3f: {  	s12 =	simm.s32 $0x6C80;
	[smem:$0x77E] =	sst s11  }
0x40: {  	s13 =	simm.s32 $0x6D00;
	[smem:$0x77F] =	sst s12  }
0x41: {  	s14 =	simm.s32 $0x6D80;
	[smem:$0x780] =	sst s13  }
0x42: {  	s15 =	simm.s32 $0x6E00;
	[smem:$0x781] =	sst s14  }
0x43: {  	s16 =	simm.s32 $0x6E80;
	[smem:$0x782] =	sst s15  }
0x44: {  	s17 =	simm.s32 $0x6F00;
	[smem:$0x783] =	sst s16  }
0x45: {  	[smem:$0x784] =	sst s17;
	s18 =	simm.s32 $0x6F80  }
0x46: {  	s19 =	simm.s32 $0x7000;
	[smem:$0x785] =	sst s18  }
0x47: {  	s20 =	simm.s32 $0x7080;
	[smem:$0x786] =	sst s19  }
0x48: {  	s21 =	simm.s32 $0x7100;
	[smem:$0x787] =	sst s20  }
0x49: {  	s22 =	simm.s32 $0x7180;
	[smem:$0x788] =	sst s21  }
0x4a: {  	s23 =	simm.s32 $0x7200;
	[smem:$0x789] =	sst s22  }
0x4b: {  	s24 =	simm.s32 $0x7280;
	[smem:$0x78A] =	sst s23  }
0x4c: {  	s25 =	simm.s32 $0x7300;
	[smem:$0x78B] =	sst s24  }
0x4d: {  	s26 =	simm.s32 $0x7380;
	[smem:$0x78C] =	sst s25  }
0x4e: {  	s6 =	simm.s32 $0x7400;
	[smem:$0x78D] =	sst s26  }
0x4f: {  	s7 =	simm.s32 $0x7480;
	[smem:$0x78E] =	sst s6  }
0x50: {  	s8 =	simm.s32 $0x7500;
	[smem:$0x78F] =	sst s7  }
0x51: {  	s9 =	simm.s32 $0x7580;
	[smem:$0x790] =	sst s8  }
0x52: {  	s10 =	simm.s32 $0x7600;
	[smem:$0x791] =	sst s9  }
0x53: {  	s11 =	simm.s32 $0x7680;
	[smem:$0x792] =	sst s10  }
0x54: {  	s12 =	simm.s32 $0x7700;
	[smem:$0x793] =	sst s11  }
0x55: {  	s13 =	simm.s32 $0x7780;
	[smem:$0x794] =	sst s12  }
0x56: {  	s14 =	simm.s32 $0x7800;
	[smem:$0x795] =	sst s13  }
0x57: {  	s15 =	simm.s32 $0x7880;
	[smem:$0x796] =	sst s14  }
0x58: {  	s16 =	simm.s32 $0x7900;
	[smem:$0x797] =	sst s15  }
0x59: {  	s17 =	simm.s32 $0x7980;
	[smem:$0x798] =	sst s16  }
0x5a: {  	[smem:$0x799] =	sst s17;
	s18 =	simm.s32 $0x7A00  }
0x5b: {  	s19 =	simm.s32 $0x7A80;
	[smem:$0x79A] =	sst s18  }
0x5c: {  	s20 =	simm.s32 $0x7B00;
	[smem:$0x79B] =	sst s19  }
0x5d: {  	s21 =	simm.s32 $0x7B80;
	[smem:$0x79C] =	sst s20  }
0x5e: {  	s22 =	simm.s32 $0x7C00;
	[smem:$0x79D] =	sst s21  }
0x5f: {  	s23 =	simm.s32 $0x7C80;
	[smem:$0x79E] =	sst s22  }
0x60: {  	s24 =	simm.s32 $0x7D00;
	[smem:$0x79F] =	sst s23  }
0x61: {  	s25 =	simm.s32 $0x7D80;
	[smem:$0x7A0] =	sst s24  }
0x62: {  	s26 =	simm.s32 $0x7E00;
	[smem:$0x7A1] =	sst s25  }
0x63: {  	s6 =	simm.s32 $0x7E80;
	[smem:$0x7A2] =	sst s26  }
0x64: {  	s7 =	simm.s32 $0x7F00;
	[smem:$0x7A3] =	sst s6  }
0x65: {  	s8 =	simm.s32 $0x7F80;
	[smem:$0x7A4] =	sst s7  }
0x66: {  	s9 =	simm.s32 $0x8000;
	[smem:$0x7A5] =	sst s8  }
0x67: {  	s10 =	simm.s32 $0x8080;
	[smem:$0x7A6] =	sst s9  }
0x68: {  	s11 =	simm.s32 $0x8100;
	[smem:$0x7A7] =	sst s10  }
0x69: {  	s12 =	simm.s32 $0x8180;
	[smem:$0x7A8] =	sst s11  }
0x6a: {  	s13 =	simm.s32 $0x8200;
	[smem:$0x7A9] =	sst s12  }
0x6b: {  	s14 =	simm.s32 $0x8280;
	[smem:$0x7AA] =	sst s13  }
0x6c: {  	s15 =	simm.s32 $0x8300;
	[smem:$0x7AB] =	sst s14  }
0x6d: {  	s16 =	simm.s32 $0x8380;
	[smem:$0x7AC] =	sst s15  }
0x6e: {  	s17 =	simm.s32 $0x8400;
	[smem:$0x7AD] =	sst s16  }
0x6f: {  	[smem:$0x7AE] =	sst s17;
	s18 =	simm.s32 $0x8480  }
0x70: {  	s19 =	simm.s32 $0x8500;
	[smem:$0x7AF] =	sst s18  }
0x71: {  	s20 =	simm.s32 $0x8580;
	[smem:$0x7B0] =	sst s19  }
0x72: {  	s21 =	simm.s32 $0x8600;
	[smem:$0x7B1] =	sst s20  }
0x73: {  	s22 =	simm.s32 $0x8680;
	[smem:$0x7B2] =	sst s21  }
0x74: {  	s23 =	simm.s32 $0x8700;
	[smem:$0x7B3] =	sst s22  }
0x75: {  	s24 =	simm.s32 $0x8780;
	[smem:$0x7B4] =	sst s23  }
0x76: {  	s25 =	simm.s32 $0x8800;
	[smem:$0x7B5] =	sst s24  }
0x77: {  	s26 =	simm.s32 $0x8880;
	[smem:$0x7B6] =	sst s25  }
0x78: {  	s6 =	simm.s32 $0x8900;
	[smem:$0x7B7] =	sst s26  }
0x79: {  	s7 =	simm.s32 $0x8980;
	[smem:$0x7B8] =	sst s6  }
0x7a: {  	s8 =	simm.s32 $0x8A00;
	[smem:$0x7B9] =	sst s7  }
0x7b: {  	s9 =	simm.s32 $0x8A80;
	[smem:$0x7BA] =	sst s8  }
0x7c: {  	s10 =	simm.s32 $0x8B00;
	[smem:$0x7BB] =	sst s9  }
0x7d: {  	s11 =	simm.s32 $0x8B80;
	[smem:$0x7BC] =	sst s10  }
0x7e: {  	s12 =	simm.s32 $0x8C00;
	[smem:$0x7BD] =	sst s11  }
0x7f: {  	s13 =	simm.s32 $0x8C80;
	[smem:$0x7BE] =	sst s12  }
0x80: {  	s14 =	simm.s32 $0x8D00;
	[smem:$0x7BF] =	sst s13  }
0x81: {  	s15 =	simm.s32 $0x8D80;
	[smem:$0x7C0] =	sst s14  }
0x82: {  	s16 =	simm.s32 $0x8E00;
	[smem:$0x7C1] =	sst s15  }
0x83: {  	s17 =	simm.s32 $0x8E80;
	[smem:$0x7C2] =	sst s16  }
0x84: {  	[smem:$0x7C3] =	sst s17;
	s18 =	simm.s32 $0x8F00  }
0x85: {  	s19 =	simm.s32 $0x8F80;
	[smem:$0x7C4] =	sst s18  }
0x86: {  	s20 =	simm.s32 $0x9000;
	[smem:$0x7C5] =	sst s19  }
0x87: {  	s21 =	simm.s32 $0x9080;
	[smem:$0x7C6] =	sst s20  }
0x88: {  	s22 =	simm.s32 $0x9100;
	[smem:$0x7C7] =	sst s21  }
0x89: {  	s23 =	simm.s32 $0x9180;
	[smem:$0x7C8] =	sst s22  }
0x8a: {  	s24 =	simm.s32 $0x9200;
	[smem:$0x7C9] =	sst s23  }
0x8b: {  	s25 =	simm.s32 $0x9280;
	[smem:$0x7CA] =	sst s24  }
0x8c: {  	s26 =	simm.s32 $0x9300;
	[smem:$0x7CB] =	sst s25  }
0x8d: {  	s6 =	simm.s32 $0x9380;
	[smem:$0x7CC] =	sst s26  }
0x8e: {  	s7 =	simm.s32 $0x9400;
	[smem:$0x7CD] =	sst s6  }
0x8f: {  	s8 =	simm.s32 $0x9480;
	[smem:$0x7CE] =	sst s7  }
0x90: {  	s9 =	simm.s32 $0x9500;
	[smem:$0x7CF] =	sst s8  }
0x91: {  	s10 =	simm.s32 $0x9580;
	[smem:$0x7D0] =	sst s9  }
0x92: {  	s11 =	simm.s32 $0x9600;
	[smem:$0x7D1] =	sst s10  }
0x93: {  	s12 =	simm.s32 $0x9680;
	[smem:$0x7D2] =	sst s11  }
0x94: {  	s13 =	simm.s32 $0x9700;
	[smem:$0x7D3] =	sst s12  }
0x95: {  	s14 =	simm.s32 $0x9780;
	[smem:$0x7D4] =	sst s13  }
0x96: {  	s15 =	simm.s32 $0x9800;
	[smem:$0x7D5] =	sst s14  }
0x97: {  	s16 =	simm.s32 $0x9880;
	[smem:$0x7D6] =	sst s15  }
0x98: {  	s17 =	simm.s32 $0x9900;
	[smem:$0x7D7] =	sst s16  }
0x99: {  	[smem:$0x7D8] =	sst s17;
	s18 =	simm.s32 $0x9980  }
0x9a: {  	s19 =	simm.s32 $0x9A00;
	[smem:$0x7D9] =	sst s18  }
0x9b: {  	s20 =	simm.s32 $0x9A80;
	[smem:$0x7DA] =	sst s19  }
0x9c: {  	s21 =	simm.s32 $0x9B00;
	[smem:$0x7DB] =	sst s20  }
0x9d: {  	s23 =	simm.s32 $0x9B80;
	[smem:$0x7DC] =	sst s21  }
0x9e: {  	s24 =	simm.s32 $0x9C00;
	[smem:$0x7DD] =	sst s23  }
0x9f: {  	s25 =	simm.s32 $0x9C80;
	[smem:$0x7DE] =	sst s24  }
0xa0: {  	s26 =	simm.s32 $0x9D00;
	[smem:$0x7DF] =	sst s25  }
0xa1: {  	s11 =	simm.s32 $0x9D80;
	[smem:$0x7E0] =	sst s26  }
0xa2: {  	s28 =	simm.s32 $0xAE00;
	s13 =	simm.s32 $0x9E00;
	[smem:$0x7E1] =	sst s11  }
0xa3: {  	s29 =	simm.s32 $0xAE80;
	s14 =	simm.s32 $0x9E80;
	[smem:$0x7E2] =	sst s13  }
0xa4: {  	s30 =	simm.s32 $0xAF00;
	s16 =	simm.s32 $0x9F00;
	[smem:$0x7E3] =	sst s14  }
0xa5: {  	s31 =	simm.s32 $0xAF80;
	[smem:$0x7E4] =	sst s16;
	s18 =	simm.s32 $0x9F80  }
0xa6: {  	s12 =	stileid.u32;
	s19 =	simm.s32 $0xA000;
	[smem:$0x7E5] =	sst s18  }
0xa7: {  	s6 =	sshrl.u32 s12, $0x3;
	s20 =	simm.s32 $0xA080;
	[smem:$0x7E6] =	sst s19  }
0xa8: {  	s7 =	sshll.u32 s12, $0x7;
	s23 =	simm.s32 $0xA180;
	[smem:$0x7E7] =	sst s20  }
0xa9: {  	s8 =	smul.u32 $0x2800, s12;
	s25 =	simm.s32 $0xA200;
	[smem:$0x7E9] =	sst s23  }
0xaa: {  	s11 =	smul.u32 $0x50000, s12;
	s26 =	simm.s32 $0xA280;
	[smem:$0x7EA] =	sst s25  }
0xab: {  	s24 =	sshll.u32 s12, $0x6;
	s12 =	simm.s32 $0xA380;
	[smem:$0x7EC] =	sst s26  }
0xac: {  	s22 =	srdreg.scid;
	s16 =	simm.s32 $0xA480;
	[smem:$0x7EF] =	sst s12  }
0xad: {  	s6 =	smul.u32 $0x13C00, s6;
	[smem:$0x7F2] =	sst s16;
	s18 =	simm.s32 $0xA500  }
0xae: {  	s7 =	sand.u32 $0x380, s7;
	s20 =	simm.s32 $0xA580;
	[smem:$0x7F4] =	sst s18  }
0xaf: {  	s14 =	sor.u32 $0x1C02, s24;
	s23 =	simm.s32 $0xA700;
	[smem:$0x7F5] =	sst s20  }
0xb0: {  	s12 =	simm.s32 $0x2;
	s24 =	simm.s32 $0xA780;
	[smem:$0x7F8] =	sst s23  }
0xb1: {  	s25 =	simm.s32 $0xA800;
	s16 =	simm.s32 $0x4F00;
	[smem:$0x7F9] =	sst s24  }
0xb2: {  	s26 =	simm.s32 $0xA880;
	s21 =	sshrl.u32 s11, $0x2;
	[smem:$0x7FA] =	sst s25  }
0xb3: {  	[smem:$0x7FB] =	sst s26;
	s18 =	simm.s32 $0xA980;
	s20 =	simm.s32 $0xAA80  }
0xb4: {  	s23 =	simm.s32 $0xAC00;
	s24 =	simm.s32 $0xAC80;
	s25 =	simm.s32 $0xAD00  }
0xb5: {  	s26 =	simm.s32 $0xAD80;
	[smem:$0x7FC] =	sst s14;
	s6 =	sor.u32 s7, s6  }
0xb6: {  	s7 =	sand.u32 $0x1, s22;
	s22 =	simm.s32 $0xA100;
	s11 =	sadd.s32 s21, s2  }
0xb7: {  	s21 =	simm.s32 $0xA600;
	s6 =	sshrl.u32 s6, $0x3;
	s9 =	smul.u32 $0x28000, s7  }
0xb8: {  	s15 =	ssub.s32 $0x2, s7;
	[smem:$0x7E8] =	sst s22;
	s13 =	sshll.u32 s7, $0x7  }
0xb9: {  	[smem:$0x7F6] =	sst s21;
	s22 =	simm.s32 $0xA680;
	s21 =	simm.s32 $0xAB00  }
0xba: {  	s7 =	simm.s32 $0xB280;
	s10 =	sadd.s32 s6, s4;
	s17 =	sshrl.u32 s15, $0x1  }
0xbb: {  	s1 =	sadd.s32 s1, s6;
	[smem:$0x7F7] =	sst s22;
	s22 =	simm.s32 $0xAB80  }
0xbc: {  	s6 =	simm.s32 $0xB200;
	s8 =	sadd.s32 s8, s9;
	s9 =	ssub.s32 s15, s17  }
0xbd: {  	[smem:$0x7EB] =	sst s1;
	s10 =	sadd.s32 $0x2C00, s10;
	s15 =	simm.s32 $0xA400  }
0xbe: {  	v0 =	vimm.s32 $0x7;
	s1 =	simm.s32 $0xB100;
	s4 =	sadd.s32 s8, s4;
	[smem:$0x7ED] =	sst s10  }
0xbf: {  	v1 =	vimm.s32 $0x1;
	v2 =	vimm.s32 $0x0;
	v3 =	vlaneseq.u32;
	s8 =	simm.s32 $0xA300;
	[smem:$0x7F0] =	sst s15;
	s19 =	smax.u32 s9, $0x1  }
0xc0: {  	vm0 =	vmmov $0x1;
	v4 =	vimm.s32 $0x2;
	v5 =	vimm.s32 $0x3;
	s10 =	sshrl.u32 s11, $0x3;
	s15 =	simm.s32 $0xB180;
	s9 =	simm.s32 $0xC8  }
0xc1: {  	v6 =	vimm.s32 $0x4;
	v7 =	vimm.s32 $0x5;
	v8 =	vimm.s32 $0x6;
	s11 =	simm.s32 $0x0;
	[smem:$0x7EE] =	sst s8;
	s8 =	sadd.s32 s0, s13  }
0xc2: {  	v9 =	vimm.s32 $0x8;
	v10 =	vimm.s32 $0x9;
	v11 =	vimm.s32 $0xA;
	s17 =	sadd.s32 $0x7C00, s4;
	[smem:$0x7F3] =	sst s19;
	s19 =	simm.s32 $0xAA00  }
0xc3: {  	v12 =	vimm.s32 $0xB;
	v13 =	vimm.s32 $0xC;
	v14 =	vimm.s32 $0xD;
	s0 =	simm.s32 $0xB000;
	s4 =	simm.s32 $0xB080;
	[smem:$0x7FD] =	sst s10  }
0xc4: {  	v15 =	vimm.s32 $0xE;
	v16 =	vimm.s32 $0xF;
	v3 =	vmul.u32 $0x8, v3;
	s13 =	simm.s32 $0x1;
	[smem:$0x7F1] =	sst s17;
	s17 =	simm.s32 $0xA900  }
.LBB2_1:
0xc5: {  	[smem:$0x75E] =	sst s11  }
0xc6: {  	s5 =	rddreg [dreg:$0x3]  }
0xc7: {  	[spmem:s10], [sflag:s14] =	dma.local [hbm:s5], $0x2800  }
0xc8: {  	_ =	swait.ge [sflag:s12], $0x2800  }
0xc9: {  	s14 =	sld [smem:$0x7EB]  }
0xca: {  	[sflag:s12] =	ssyncset.done $0x0  }
0xcb: {  	s11 =	simm.s32 $0x400;
	s10 =	simm.s32 $0x80;
	[sflag:s12] =	ssyncadd.s32 $0xFFFFD800  }
0xcc: {  	[tilespmem:s3], [sflag:$0x2] =	stream.strided.gather [hbm4b:s14+s10], $0x2780, s11, s10, $0x38;
	[tilespmem:$0x1F300] =	vst v63  }
0xcd: {  	_ =	swait.ge [sflag:s12], $0x2780  }
0xce: {  	s5 =	sld [smem:$0x7ED]  }
0xcf: {  	[sflag:s12] =	ssyncset.done $0x0  }
0xd0: {  	s14 =	simm.s32 $0x2780;
	[sflag:s12] =	ssyncadd.s32 $0xFFFFD880  }
0xd1: {  	[tilespmem:s14], [sflag:$0x2] =	stream.strided.gather [hbm4b:s5+s10], $0x2780, s11, s10, $0x38;
	[tilespmem:$0x1F300] =	vst v63  }
0xd2: {  	_ =	swait.ge [sflag:s12], $0x2780  }
0xd3: {  	[sflag:s12] =	ssyncset.done $0x0  }
0xd4: {  	[sflag:s12] =	ssyncadd.s32 $0xFFFFD880  }
0xd5: {  	s10 =	simm.s32 $0x0;
	[bflag:$0x0] =	sbarrier.arrive $0xFFFF  }
.LBB2_2:
0xd6: {  	s5 =	sshra.s32 s10, $0x2  }
0xd7: {  	v17 =	vld [tilespmem:s5+$0x0];
	_ =	sdelay $0x4  }
0xd8: {  	v18 =	vshll.u32 v17, $0x1  }
0xd9: {  	v17 =	vand.u32 $0x7, v17;
	v18 =	vand.u32 $0xFFFFFFF0, v18  }
0xda: {  	v17 =	vor.u32 v17, v18  }
0xdb: {  	v18 =	vperm.xlane v17, v2;
	_ =	sdelay $0x1  }
0xdc: {  	v19 =	vperm.xlane v17, v1;
	v18 =	vadd.s32 v3, v18;
	_ =	sdelay $0x1  }
0xdd: {  	v20 =	vperm.xlane v17, v4;
	v19 =	vadd.s32 v3, v19;
	_ =	sdelay $0x1  }
0xde: {  	v21 =	vperm.xlane v17, v5;
	v20 =	vadd.s32 v3, v20  }
0xdf: {  	[tilespmem:s16], [sflag:$0x1] =	stream.indirect_vreg.gather [hbm4b:s8+s3], $0x80, v18, vm0, $0xb8;
	[tilespmem:$0x1F300] =	vst v63  }
0xe0: {  	s11 =	rddreg [dreg:$0x6];
	v56 =	vperm.xlane v17, v6;
	v18 =	vadd.s32 v3, v21  }
0xe1: {  	[tilespmem:s11], [sflag:$0x1] =	stream.indirect_vreg.gather [hbm4b:s8+s3], $0x80, v19, vm0, $0xb8;
	[tilespmem:$0x1F300] =	vst v63  }
0xe2: {  	s14 =	rddreg [dreg:$0x7];
	v57 =	vperm.xlane v17, v7;
	v19 =	vadd.s32 v3, v56  }
0xe3: {  	[tilespmem:s14], [sflag:$0x1] =	stream.indirect_vreg.gather [hbm4b:s8+s3], $0x80, v20, vm0, $0xb8;
	[tilespmem:$0x1F300] =	vst v63  }
0xe4: {  	v59 =	vperm.xlane v17, v8;
	v58 =	vadd.s32 v3, v57;
	s11 =	rddreg [dreg:$0x8]  }
0xe5: {  	[tilespmem:s11], [sflag:$0x1] =	stream.indirect_vreg.gather [hbm4b:s8+s3], $0x80, v18, vm0, $0xb8;
	[tilespmem:$0x1F300] =	vst v63  }
0xe6: {  	v60 =	vperm.xlane v17, v0;
	s14 =	rddreg [dreg:$0x9];
	v18 =	vadd.s32 v3, v59  }
0xe7: {  	[tilespmem:s14], [sflag:$0x1] =	stream.indirect_vreg.gather [hbm4b:s8+s3], $0x80, v19, vm0, $0xb8;
	[tilespmem:$0x1F300] =	vst v63  }
0xe8: {  	v61 =	vperm.xlane v17, v9;
	s11 =	rddreg [dreg:$0xa];
	v19 =	vadd.s32 v3, v60  }
0xe9: {  	[tilespmem:s11], [sflag:$0x1] =	stream.indirect_vreg.gather [hbm4b:s8+s3], $0x80, v58, vm0, $0xb8;
	[tilespmem:$0x1F300] =	vst v63  }
0xea: {  	v63 =	vperm.xlane v17, v10;
	v62 =	vadd.s32 v3, v61;
	s14 =	rddreg [dreg:$0xb]  }
0xeb: {  	[tilespmem:s14], [sflag:$0x1] =	stream.indirect_vreg.gather [hbm4b:s8+s3], $0x80, v18, vm0, $0xb8;
	[tilespmem:$0x1F300] =	vst v63  }
0xec: {  	v24 =	vperm.xlane v17, v11;
	s11 =	rddreg [dreg:$0xc];
	v18 =	vadd.s32 v3, v63  }
0xed: {  	[tilespmem:s11], [sflag:$0x1] =	stream.indirect_vreg.gather [hbm4b:s8+s3], $0x80, v19, vm0, $0xb8;
	[tilespmem:$0x1F300] =	vst v63  }
0xee: {  	v25 =	vperm.xlane v17, v12;
	s14 =	rddreg [dreg:$0xd];
	v19 =	vadd.s32 v3, v24  }
0xef: {  	[tilespmem:s14], [sflag:$0x1] =	stream.indirect_vreg.gather [hbm4b:s8+s3], $0x80, v62, vm0, $0xb8;
	[tilespmem:$0x1F300] =	vst v63  }
0xf0: {  	v27 =	vperm.xlane v17, v13;
	v26 =	vadd.s32 v3, v25;
	s11 =	rddreg [dreg:$0xe]  }
0xf1: {  	[tilespmem:s11], [sflag:$0x1] =	stream.indirect_vreg.gather [hbm4b:s8+s3], $0x80, v18, vm0, $0xb8;
	[tilespmem:$0x1F300] =	vst v63  }
0xf2: {  	v28 =	vperm.xlane v17, v14;
	s14 =	rddreg [dreg:$0xf];
	v18 =	vadd.s32 v3, v27  }
0xf3: {  	[tilespmem:s14], [sflag:$0x1] =	stream.indirect_vreg.gather [hbm4b:s8+s3], $0x80, v19, vm0, $0xb8;
	[tilespmem:$0x1F300] =	vst v63  }
0xf4: {  	v29 =	vperm.xlane v17, v15;
	s11 =	rddreg [dreg:$0x10];
	v19 =	vadd.s32 v3, v28  }
0xf5: {  	[tilespmem:s11], [sflag:$0x1] =	stream.indirect_vreg.gather [hbm4b:s8+s3], $0x80, v26, vm0, $0xb8;
	[tilespmem:$0x1F300] =	vst v63  }
0xf6: {  	v17 =	vperm.xlane v17, v16;
	v30 =	vadd.s32 v3, v29;
	s14 =	rddreg [dreg:$0x11]  }
0xf7: {  	[tilespmem:s14], [sflag:$0x1] =	stream.indirect_vreg.gather [hbm4b:s8+s3], $0x80, v18, vm0, $0xb8;
	[tilespmem:$0x1F300] =	vst v63  }
0xf8: {  	v17 =	vadd.s32 v3, v17;
	s11 =	rddreg [dreg:$0x12]  }
0xf9: {  	[tilespmem:s11], [sflag:$0x1] =	stream.indirect_vreg.gather [hbm4b:s8+s3], $0x80, v19, vm0, $0xb8;
	[tilespmem:$0x1F300] =	vst v63  }
0xfa: {  	s14 =	rddreg [dreg:$0x13]  }
0xfb: {  	[tilespmem:s14], [sflag:$0x1] =	stream.indirect_vreg.gather [hbm4b:s8+s3], $0x80, v30, vm0, $0xb8;
	[tilespmem:$0x1F300] =	vst v63  }
0xfc: {  	s11 =	rddreg [dreg:$0x14]  }
0xfd: {  	[tilespmem:s11], [sflag:$0x1] =	stream.indirect_vreg.gather [hbm4b:s8+s3], $0x80, v17, vm0, $0xb8;
	[tilespmem:$0x1F300] =	vst v63  }
0xfe: {  	v17 =	vld [tilespmem:s5+$0x10];
	_ =	sdelay $0x4  }
0xff: {  	v18 =	vshll.u32 v17, $0x1  }
0x100: {  	v17 =	vand.u32 $0x7, v17;
	v18 =	vand.u32 $0xFFFFFFF0, v18  }
0x101: {  	v17 =	vor.u32 v17, v18  }
0x102: {  	v18 =	vperm.xlane v17, v2;
	_ =	sdelay $0x1  }
0x103: {  	v19 =	vperm.xlane v17, v1;
	v18 =	vadd.s32 v3, v18;
	_ =	sdelay $0x1  }
0x104: {  	v31 =	vperm.xlane v17, v4;
	v19 =	vadd.s32 v3, v19  }
0x105: {  	s14 =	rddreg [dreg:$0x16]  }
0x106: {  	s11 =	rddreg [dreg:$0x15];
	v32 =	vperm.xlane v17, v5;
	v20 =	vadd.s32 v3, v31  }
0x107: {  	[tilespmem:s11], [sflag:$0x1] =	stream.indirect_vreg.gather [hbm4b:s8+s3], $0x80, v18, vm0, $0xb8;
	[tilespmem:$0x1F300] =	vst v63  }
0x108: {  	v33 =	vperm.xlane v17, v6;
	s11 =	rddreg [dreg:$0x17];
	v18 =	vadd.s32 v3, v32  }
0x109: {  	[tilespmem:s14], [sflag:$0x1] =	stream.indirect_vreg.gather [hbm4b:s8+s3], $0x80, v19, vm0, $0xb8;
	[tilespmem:$0x1F300] =	vst v63  }
0x10a: {  	v34 =	vperm.xlane v17, v7;
	s14 =	rddreg [dreg:$0x18];
	v19 =	vadd.s32 v3, v33  }
0x10b: {  	[tilespmem:s11], [sflag:$0x1] =	stream.indirect_vreg.gather [hbm4b:s8+s3], $0x80, v20, vm0, $0xb8;
	[tilespmem:$0x1F300] =	vst v63  }
0x10c: {  	v36 =	vperm.xlane v17, v8;
	v35 =	vadd.s32 v3, v34;
	s11 =	rddreg [dreg:$0x19]  }
0x10d: {  	[tilespmem:s14], [sflag:$0x1] =	stream.indirect_vreg.gather [hbm4b:s8+s3], $0x80, v18, vm0, $0xb8;
	[tilespmem:$0x1F300] =	vst v63  }
0x10e: {  	v37 =	vperm.xlane v17, v0;
	s14 =	rddreg [dreg:$0x1a];
	v18 =	vadd.s32 v3, v36  }
0x10f: {  	[tilespmem:s11], [sflag:$0x1] =	stream.indirect_vreg.gather [hbm4b:s8+s3], $0x80, v19, vm0, $0xb8;
	[tilespmem:$0x1F300] =	vst v63  }
0x110: {  	v38 =	vperm.xlane v17, v9;
	s11 =	rddreg [dreg:$0x1b];
	v19 =	vadd.s32 v3, v37  }
0x111: {  	[tilespmem:s14], [sflag:$0x1] =	stream.indirect_vreg.gather [hbm4b:s8+s3], $0x80, v35, vm0, $0xb8;
	[tilespmem:$0x1F300] =	vst v63  }
0x112: {  	v40 =	vperm.xlane v17, v10;
	v39 =	vadd.s32 v3, v38;
	s14 =	rddreg [dreg:$0x1c]  }
0x113: {  	[tilespmem:s11], [sflag:$0x1] =	stream.indirect_vreg.gather [hbm4b:s8+s3], $0x80, v18, vm0, $0xb8;
	[tilespmem:$0x1F300] =	vst v63  }
0x114: {  	v41 =	vperm.xlane v17, v11;
	s11 =	rddreg [dreg:$0x1d];
	v18 =	vadd.s32 v3, v40  }
0x115: {  	[tilespmem:s14], [sflag:$0x1] =	stream.indirect_vreg.gather [hbm4b:s8+s3], $0x80, v19, vm0, $0xb8;
	[tilespmem:$0x1F300] =	vst v63  }
0x116: {  	v42 =	vperm.xlane v17, v12;
	s14 =	rddreg [dreg:$0x1e];
	v19 =	vadd.s32 v3, v41  }
0x117: {  	[tilespmem:s11], [sflag:$0x1] =	stream.indirect_vreg.gather [hbm4b:s8+s3], $0x80, v39, vm0, $0xb8;
	[tilespmem:$0x1F300] =	vst v63  }
0x118: {  	v44 =	vperm.xlane v17, v13;
	v43 =	vadd.s32 v3, v42;
	s11 =	rddreg [dreg:$0x1f]  }
0x119: {  	[tilespmem:s14], [sflag:$0x1] =	stream.indirect_vreg.gather [hbm4b:s8+s3], $0x80, v18, vm0, $0xb8;
	[tilespmem:$0x1F300] =	vst v63  }
0x11a: {  	v45 =	vperm.xlane v17, v14;
	s14 =	sld [smem:$0x75F];
	v18 =	vadd.s32 v3, v44  }
0x11b: {  	[tilespmem:s11], [sflag:$0x1] =	stream.indirect_vreg.gather [hbm4b:s8+s3], $0x80, v19, vm0, $0xb8;
	[tilespmem:$0x1F300] =	vst v63  }
0x11c: {  	v46 =	vperm.xlane v17, v15;
	s11 =	sld [smem:$0x760];
	v19 =	vadd.s32 v3, v45  }
0x11d: {  	[tilespmem:s14], [sflag:$0x1] =	stream.indirect_vreg.gather [hbm4b:s8+s3], $0x80, v43, vm0, $0xb8;
	[tilespmem:$0x1F300] =	vst v63  }
0x11e: {  	v17 =	vperm.xlane v17, v16;
	v47 =	vadd.s32 v3, v46;
	s14 =	sld [smem:$0x761]  }
0x11f: {  	[tilespmem:s11], [sflag:$0x1] =	stream.indirect_vreg.gather [hbm4b:s8+s3], $0x80, v18, vm0, $0xb8;
	[tilespmem:$0x1F300] =	vst v63  }
0x120: {  	v17 =	vadd.s32 v3, v17;
	s11 =	sld [smem:$0x762]  }
0x121: {  	[tilespmem:s14], [sflag:$0x1] =	stream.indirect_vreg.gather [hbm4b:s8+s3], $0x80, v19, vm0, $0xb8;
	[tilespmem:$0x1F300] =	vst v63  }
0x122: {  	s14 =	sld [smem:$0x763]  }
0x123: {  	[tilespmem:s11], [sflag:$0x1] =	stream.indirect_vreg.gather [hbm4b:s8+s3], $0x80, v47, vm0, $0xb8;
	[tilespmem:$0x1F300] =	vst v63  }
0x124: {  	_ = 	snop  }
0x125: {  	[tilespmem:s14], [sflag:$0x1] =	stream.indirect_vreg.gather [hbm4b:s8+s3], $0x80, v17, vm0, $0xb8;
	[tilespmem:$0x1F300] =	vst v63  }
0x126: {  	v17 =	vld [tilespmem:s5+$0x20];
	_ =	sdelay $0x4  }
0x127: {  	v18 =	vshll.u32 v17, $0x1  }
0x128: {  	v17 =	vand.u32 $0x7, v17;
	v18 =	vand.u32 $0xFFFFFFF0, v18  }
0x129: {  	v17 =	vor.u32 v17, v18  }
0x12a: {  	v18 =	vperm.xlane v17, v2;
	_ =	sdelay $0x1  }
0x12b: {  	v19 =	vperm.xlane v17, v1;
	v18 =	vadd.s32 v3, v18;
	_ =	sdelay $0x1  }
0x12c: {  	s11 =	sld [smem:$0x764];
	v48 =	vperm.xlane v17, v4;
	v19 =	vadd.s32 v3, v19;
	_ =	sdelay $0x1  }
0x12d: {  	s14 =	sld [smem:$0x765];
	v49 =	vperm.xlane v17, v5;
	v20 =	vadd.s32 v3, v48  }
0x12e: {  	[tilespmem:s11], [sflag:$0x1] =	stream.indirect_vreg.gather [hbm4b:s8+s3], $0x80, v18, vm0, $0xb8;
	[tilespmem:$0x1F300] =	vst v63  }
0x12f: {  	v50 =	vperm.xlane v17, v6;
	s11 =	sld [smem:$0x766];
	v18 =	vadd.s32 v3, v49  }
0x130: {  	[tilespmem:s14], [sflag:$0x1] =	stream.indirect_vreg.gather [hbm4b:s8+s3], $0x80, v19, vm0, $0xb8;
	[tilespmem:$0x1F300] =	vst v63  }
0x131: {  	v51 =	vperm.xlane v17, v7;
	s14 =	sld [smem:$0x767];
	v19 =	vadd.s32 v3, v50  }
0x132: {  	[tilespmem:s11], [sflag:$0x1] =	stream.indirect_vreg.gather [hbm4b:s8+s3], $0x80, v20, vm0, $0xb8;
	[tilespmem:$0x1F300] =	vst v63  }
0x133: {  	v53 =	vperm.xlane v17, v8;
	v52 =	vadd.s32 v3, v51;
	s11 =	sld [smem:$0x768]  }
0x134: {  	[tilespmem:s14], [sflag:$0x1] =	stream.indirect_vreg.gather [hbm4b:s8+s3], $0x80, v18, vm0, $0xb8;
	[tilespmem:$0x1F300] =	vst v63  }
0x135: {  	v54 =	vperm.xlane v17, v0;
	s14 =	sld [smem:$0x769];
	v18 =	vadd.s32 v3, v53  }
0x136: {  	[tilespmem:s11], [sflag:$0x1] =	stream.indirect_vreg.gather [hbm4b:s8+s3], $0x80, v19, vm0, $0xb8;
	[tilespmem:$0x1F300] =	vst v63  }
0x137: {  	v55 =	vperm.xlane v17, v9;
	s11 =	sld [smem:$0x76A];
	v19 =	vadd.s32 v3, v54  }
0x138: {  	[tilespmem:s14], [sflag:$0x1] =	stream.indirect_vreg.gather [hbm4b:s8+s3], $0x80, v52, vm0, $0xb8;
	[tilespmem:$0x1F300] =	vst v63  }
0x139: {  	v57 =	vperm.xlane v17, v10;
	v56 =	vadd.s32 v3, v55;
	s14 =	sld [smem:$0x76B]  }
0x13a: {  	[tilespmem:s11], [sflag:$0x1] =	stream.indirect_vreg.gather [hbm4b:s8+s3], $0x80, v18, vm0, $0xb8;
	[tilespmem:$0x1F300] =	vst v63  }
0x13b: {  	v58 =	vperm.xlane v17, v11;
	s11 =	sld [smem:$0x76C];
	v18 =	vadd.s32 v3, v57  }
0x13c: {  	[tilespmem:s14], [sflag:$0x1] =	stream.indirect_vreg.gather [hbm4b:s8+s3], $0x80, v19, vm0, $0xb8;
	[tilespmem:$0x1F300] =	vst v63  }
0x13d: {  	v59 =	vperm.xlane v17, v12;
	s14 =	sld [smem:$0x76D];
	v19 =	vadd.s32 v3, v58  }
0x13e: {  	[tilespmem:s11], [sflag:$0x1] =	stream.indirect_vreg.gather [hbm4b:s8+s3], $0x80, v56, vm0, $0xb8;
	[tilespmem:$0x1F300] =	vst v63  }
0x13f: {  	v61 =	vperm.xlane v17, v13;
	v60 =	vadd.s32 v3, v59;
	s11 =	sld [smem:$0x76E]  }
0x140: {  	[tilespmem:s14], [sflag:$0x1] =	stream.indirect_vreg.gather [hbm4b:s8+s3], $0x80, v18, vm0, $0xb8;
	[tilespmem:$0x1F300] =	vst v63  }
0x141: {  	v62 =	vperm.xlane v17, v14;
	s14 =	sld [smem:$0x76F];
	v18 =	vadd.s32 v3, v61  }
0x142: {  	[tilespmem:s11], [sflag:$0x1] =	stream.indirect_vreg.gather [hbm4b:s8+s3], $0x80, v19, vm0, $0xb8;
	[tilespmem:$0x1F300] =	vst v63  }
0x143: {  	v63 =	vperm.xlane v17, v15;
	s11 =	sld [smem:$0x770];
	v19 =	vadd.s32 v3, v62  }
0x144: {  	[tilespmem:s14], [sflag:$0x1] =	stream.indirect_vreg.gather [hbm4b:s8+s3], $0x80, v60, vm0, $0xb8;
	[tilespmem:$0x1F300] =	vst v63  }
0x145: {  	v17 =	vperm.xlane v17, v16;
	v24 =	vadd.s32 v3, v63;
	s14 =	sld [smem:$0x771]  }
0x146: {  	[tilespmem:s11], [sflag:$0x1] =	stream.indirect_vreg.gather [hbm4b:s8+s3], $0x80, v18, vm0, $0xb8;
	[tilespmem:$0x1F300] =	vst v63  }
0x147: {  	v17 =	vadd.s32 v3, v17;
	s11 =	sld [smem:$0x772]  }
0x148: {  	[tilespmem:s14], [sflag:$0x1] =	stream.indirect_vreg.gather [hbm4b:s8+s3], $0x80, v19, vm0, $0xb8;
	[tilespmem:$0x1F300] =	vst v63  }
0x149: {  	s14 =	sld [smem:$0x773]  }
0x14a: {  	[tilespmem:s11], [sflag:$0x1] =	stream.indirect_vreg.gather [hbm4b:s8+s3], $0x80, v24, vm0, $0xb8;
	[tilespmem:$0x1F300] =	vst v63  }
0x14b: {  	_ = 	snop  }
0x14c: {  	[tilespmem:s14], [sflag:$0x1] =	stream.indirect_vreg.gather [hbm4b:s8+s3], $0x80, v17, vm0, $0xb8;
	[tilespmem:$0x1F300] =	vst v63  }
0x14d: {  	v17 =	vld [tilespmem:s5+$0x30];
	_ =	sdelay $0x4  }
0x14e: {  	v18 =	vshll.u32 v17, $0x1  }
0x14f: {  	v17 =	vand.u32 $0x7, v17;
	v18 =	vand.u32 $0xFFFFFFF0, v18  }
0x150: {  	v17 =	vor.u32 v17, v18  }
0x151: {  	v18 =	vperm.xlane v17, v2;
	_ =	sdelay $0x1  }
0x152: {  	v19 =	vperm.xlane v17, v1;
	v18 =	vadd.s32 v3, v18;
	_ =	sdelay $0x1  }
0x153: {  	s11 =	sld [smem:$0x774];
	v25 =	vperm.xlane v17, v4;
	v19 =	vadd.s32 v3, v19;
	_ =	sdelay $0x1  }
0x154: {  	s14 =	sld [smem:$0x775];
	v26 =	vperm.xlane v17, v5;
	v20 =	vadd.s32 v3, v25  }
0x155: {  	[tilespmem:s11], [sflag:$0x1] =	stream.indirect_vreg.gather [hbm4b:s8+s3], $0x80, v18, vm0, $0xb8;
	[tilespmem:$0x1F300] =	vst v63  }
0x156: {  	v27 =	vperm.xlane v17, v6;
	s11 =	sld [smem:$0x776];
	v18 =	vadd.s32 v3, v26  }
0x157: {  	[tilespmem:s14], [sflag:$0x1] =	stream.indirect_vreg.gather [hbm4b:s8+s3], $0x80, v19, vm0, $0xb8;
	[tilespmem:$0x1F300] =	vst v63  }
0x158: {  	v28 =	vperm.xlane v17, v7;
	s14 =	sld [smem:$0x777];
	v19 =	vadd.s32 v3, v27  }
0x159: {  	[tilespmem:s11], [sflag:$0x1] =	stream.indirect_vreg.gather [hbm4b:s8+s3], $0x80, v20, vm0, $0xb8;
	[tilespmem:$0x1F300] =	vst v63  }
0x15a: {  	v30 =	vperm.xlane v17, v8;
	v29 =	vadd.s32 v3, v28;
	s11 =	sld [smem:$0x778]  }
0x15b: {  	[tilespmem:s14], [sflag:$0x1] =	stream.indirect_vreg.gather [hbm4b:s8+s3], $0x80, v18, vm0, $0xb8;
	[tilespmem:$0x1F300] =	vst v63  }
0x15c: {  	v31 =	vperm.xlane v17, v0;
	s14 =	sld [smem:$0x779];
	v18 =	vadd.s32 v3, v30  }
0x15d: {  	[tilespmem:s11], [sflag:$0x1] =	stream.indirect_vreg.gather [hbm4b:s8+s3], $0x80, v19, vm0, $0xb8;
	[tilespmem:$0x1F300] =	vst v63  }
0x15e: {  	v32 =	vperm.xlane v17, v9;
	s11 =	sld [smem:$0x77A];
	v19 =	vadd.s32 v3, v31  }
0x15f: {  	[tilespmem:s14], [sflag:$0x1] =	stream.indirect_vreg.gather [hbm4b:s8+s3], $0x80, v29, vm0, $0xb8;
	[tilespmem:$0x1F300] =	vst v63  }
0x160: {  	v34 =	vperm.xlane v17, v10;
	v33 =	vadd.s32 v3, v32;
	s14 =	sld [smem:$0x77B]  }
0x161: {  	[tilespmem:s11], [sflag:$0x1] =	stream.indirect_vreg.gather [hbm4b:s8+s3], $0x80, v18, vm0, $0xb8;
	[tilespmem:$0x1F300] =	vst v63  }
0x162: {  	v35 =	vperm.xlane v17, v11;
	s11 =	sld [smem:$0x77C];
	v18 =	vadd.s32 v3, v34  }
0x163: {  	[tilespmem:s14], [sflag:$0x1] =	stream.indirect_vreg.gather [hbm4b:s8+s3], $0x80, v19, vm0, $0xb8;
	[tilespmem:$0x1F300] =	vst v63  }
0x164: {  	v36 =	vperm.xlane v17, v12;
	s14 =	sld [smem:$0x77D];
	v19 =	vadd.s32 v3, v35  }
0x165: {  	[tilespmem:s11], [sflag:$0x1] =	stream.indirect_vreg.gather [hbm4b:s8+s3], $0x80, v33, vm0, $0xb8;
	[tilespmem:$0x1F300] =	vst v63  }
0x166: {  	v38 =	vperm.xlane v17, v13;
	v37 =	vadd.s32 v3, v36;
	s11 =	sld [smem:$0x77E]  }
0x167: {  	[tilespmem:s14], [sflag:$0x1] =	stream.indirect_vreg.gather [hbm4b:s8+s3], $0x80, v18, vm0, $0xb8;
	[tilespmem:$0x1F300] =	vst v63  }
0x168: {  	v39 =	vperm.xlane v17, v14;
	s14 =	sld [smem:$0x77F];
	v18 =	vadd.s32 v3, v38  }
0x169: {  	[tilespmem:s11], [sflag:$0x1] =	stream.indirect_vreg.gather [hbm4b:s8+s3], $0x80, v19, vm0, $0xb8;
	[tilespmem:$0x1F300] =	vst v63  }
0x16a: {  	v40 =	vperm.xlane v17, v15;
	s11 =	sld [smem:$0x780];
	v19 =	vadd.s32 v3, v39  }
0x16b: {  	[tilespmem:s14], [sflag:$0x1] =	stream.indirect_vreg.gather [hbm4b:s8+s3], $0x80, v37, vm0, $0xb8;
	[tilespmem:$0x1F300] =	vst v63  }
0x16c: {  	v17 =	vperm.xlane v17, v16;
	v41 =	vadd.s32 v3, v40;
	s14 =	sld [smem:$0x781]  }
0x16d: {  	[tilespmem:s11], [sflag:$0x1] =	stream.indirect_vreg.gather [hbm4b:s8+s3], $0x80, v18, vm0, $0xb8;
	[tilespmem:$0x1F300] =	vst v63  }
0x16e: {  	v17 =	vadd.s32 v3, v17;
	s11 =	sld [smem:$0x782]  }
0x16f: {  	[tilespmem:s14], [sflag:$0x1] =	stream.indirect_vreg.gather [hbm4b:s8+s3], $0x80, v19, vm0, $0xb8;
	[tilespmem:$0x1F300] =	vst v63  }
0x170: {  	s14 =	sld [smem:$0x783]  }
0x171: {  	[tilespmem:s11], [sflag:$0x1] =	stream.indirect_vreg.gather [hbm4b:s8+s3], $0x80, v41, vm0, $0xb8;
	[tilespmem:$0x1F300] =	vst v63  }
0x172: {  	_ = 	snop  }
0x173: {  	[tilespmem:s14], [sflag:$0x1] =	stream.indirect_vreg.gather [hbm4b:s8+s3], $0x80, v17, vm0, $0xb8;
	[tilespmem:$0x1F300] =	vst v63  }
0x174: {  	v17 =	vld [tilespmem:s5+$0x40];
	_ =	sdelay $0x4  }
0x175: {  	v18 =	vshll.u32 v17, $0x1  }
0x176: {  	v17 =	vand.u32 $0x7, v17;
	v18 =	vand.u32 $0xFFFFFFF0, v18  }
0x177: {  	v17 =	vor.u32 v17, v18  }
0x178: {  	v18 =	vperm.xlane v17, v2;
	_ =	sdelay $0x1  }
0x179: {  	v19 =	vperm.xlane v17, v1;
	v18 =	vadd.s32 v3, v18;
	_ =	sdelay $0x1  }
0x17a: {  	s11 =	sld [smem:$0x784];
	v42 =	vperm.xlane v17, v4;
	v19 =	vadd.s32 v3, v19;
	_ =	sdelay $0x1  }
0x17b: {  	s14 =	sld [smem:$0x785];
	v43 =	vperm.xlane v17, v5;
	v20 =	vadd.s32 v3, v42  }
0x17c: {  	[tilespmem:s11], [sflag:$0x1] =	stream.indirect_vreg.gather [hbm4b:s8+s3], $0x80, v18, vm0, $0xb8;
	[tilespmem:$0x1F300] =	vst v63  }
0x17d: {  	v44 =	vperm.xlane v17, v6;
	s11 =	sld [smem:$0x786];
	v18 =	vadd.s32 v3, v43  }
0x17e: {  	[tilespmem:s14], [sflag:$0x1] =	stream.indirect_vreg.gather [hbm4b:s8+s3], $0x80, v19, vm0, $0xb8;
	[tilespmem:$0x1F300] =	vst v63  }
0x17f: {  	v45 =	vperm.xlane v17, v7;
	s14 =	sld [smem:$0x787];
	v19 =	vadd.s32 v3, v44  }
0x180: {  	[tilespmem:s11], [sflag:$0x1] =	stream.indirect_vreg.gather [hbm4b:s8+s3], $0x80, v20, vm0, $0xb8;
	[tilespmem:$0x1F300] =	vst v63  }
0x181: {  	v47 =	vperm.xlane v17, v8;
	v46 =	vadd.s32 v3, v45;
	s11 =	sld [smem:$0x788]  }
0x182: {  	[tilespmem:s14], [sflag:$0x1] =	stream.indirect_vreg.gather [hbm4b:s8+s3], $0x80, v18, vm0, $0xb8;
	[tilespmem:$0x1F300] =	vst v63  }
0x183: {  	v48 =	vperm.xlane v17, v0;
	s14 =	sld [smem:$0x789];
	v18 =	vadd.s32 v3, v47  }
0x184: {  	[tilespmem:s11], [sflag:$0x1] =	stream.indirect_vreg.gather [hbm4b:s8+s3], $0x80, v19, vm0, $0xb8;
	[tilespmem:$0x1F300] =	vst v63  }
0x185: {  	v49 =	vperm.xlane v17, v9;
	s11 =	sld [smem:$0x78A];
	v19 =	vadd.s32 v3, v48  }
0x186: {  	[tilespmem:s14], [sflag:$0x1] =	stream.indirect_vreg.gather [hbm4b:s8+s3], $0x80, v46, vm0, $0xb8;
	[tilespmem:$0x1F300] =	vst v63  }
0x187: {  	v51 =	vperm.xlane v17, v10;
	v50 =	vadd.s32 v3, v49;
	s14 =	sld [smem:$0x78B]  }
0x188: {  	[tilespmem:s11], [sflag:$0x1] =	stream.indirect_vreg.gather [hbm4b:s8+s3], $0x80, v18, vm0, $0xb8;
	[tilespmem:$0x1F300] =	vst v63  }
0x189: {  	v52 =	vperm.xlane v17, v11;
	s11 =	sld [smem:$0x78C];
	v18 =	vadd.s32 v3, v51  }
0x18a: {  	[tilespmem:s14], [sflag:$0x1] =	stream.indirect_vreg.gather [hbm4b:s8+s3], $0x80, v19, vm0, $0xb8;
	[tilespmem:$0x1F300] =	vst v63  }
0x18b: {  	v53 =	vperm.xlane v17, v12;
	s14 =	sld [smem:$0x78D];
	v19 =	vadd.s32 v3, v52  }
0x18c: {  	[tilespmem:s11], [sflag:$0x1] =	stream.indirect_vreg.gather [hbm4b:s8+s3], $0x80, v50, vm0, $0xb8;
	[tilespmem:$0x1F300] =	vst v63  }
0x18d: {  	v55 =	vperm.xlane v17, v13;
	v54 =	vadd.s32 v3, v53;
	s11 =	sld [smem:$0x78E]  }
0x18e: {  	[tilespmem:s14], [sflag:$0x1] =	stream.indirect_vreg.gather [hbm4b:s8+s3], $0x80, v18, vm0, $0xb8;
	[tilespmem:$0x1F300] =	vst v63  }
0x18f: {  	v56 =	vperm.xlane v17, v14;
	s14 =	sld [smem:$0x78F];
	v18 =	vadd.s32 v3, v55  }
0x190: {  	[tilespmem:s11], [sflag:$0x1] =	stream.indirect_vreg.gather [hbm4b:s8+s3], $0x80, v19, vm0, $0xb8;
	[tilespmem:$0x1F300] =	vst v63  }
0x191: {  	v57 =	vperm.xlane v17, v15;
	s11 =	sld [smem:$0x790];
	v19 =	vadd.s32 v3, v56  }
0x192: {  	[tilespmem:s14], [sflag:$0x1] =	stream.indirect_vreg.gather [hbm4b:s8+s3], $0x80, v54, vm0, $0xb8;
	[tilespmem:$0x1F300] =	vst v63  }
0x193: {  	v17 =	vperm.xlane v17, v16;
	v58 =	vadd.s32 v3, v57;
	s14 =	sld [smem:$0x791]  }
0x194: {  	[tilespmem:s11], [sflag:$0x1] =	stream.indirect_vreg.gather [hbm4b:s8+s3], $0x80, v18, vm0, $0xb8;
	[tilespmem:$0x1F300] =	vst v63  }
0x195: {  	v17 =	vadd.s32 v3, v17;
	s11 =	sld [smem:$0x792]  }
0x196: {  	[tilespmem:s14], [sflag:$0x1] =	stream.indirect_vreg.gather [hbm4b:s8+s3], $0x80, v19, vm0, $0xb8;
	[tilespmem:$0x1F300] =	vst v63  }
0x197: {  	s14 =	sld [smem:$0x793]  }
0x198: {  	[tilespmem:s11], [sflag:$0x1] =	stream.indirect_vreg.gather [hbm4b:s8+s3], $0x80, v58, vm0, $0xb8;
	[tilespmem:$0x1F300] =	vst v63  }
0x199: {  	_ = 	snop  }
0x19a: {  	[tilespmem:s14], [sflag:$0x1] =	stream.indirect_vreg.gather [hbm4b:s8+s3], $0x80, v17, vm0, $0xb8;
	[tilespmem:$0x1F300] =	vst v63  }
0x19b: {  	v17 =	vld [tilespmem:s5+$0x50];
	_ =	sdelay $0x4  }
0x19c: {  	v18 =	vshll.u32 v17, $0x1  }
0x19d: {  	v17 =	vand.u32 $0x7, v17;
	v18 =	vand.u32 $0xFFFFFFF0, v18  }
0x19e: {  	v17 =	vor.u32 v17, v18  }
0x19f: {  	v18 =	vperm.xlane v17, v2;
	_ =	sdelay $0x1  }
0x1a0: {  	v19 =	vperm.xlane v17, v1;
	v18 =	vadd.s32 v3, v18;
	_ =	sdelay $0x1  }
0x1a1: {  	s11 =	sld [smem:$0x794];
	v59 =	vperm.xlane v17, v4;
	v19 =	vadd.s32 v3, v19;
	_ =	sdelay $0x1  }
0x1a2: {  	s14 =	sld [smem:$0x795];
	v60 =	vperm.xlane v17, v5;
	v20 =	vadd.s32 v3, v59  }
0x1a3: {  	[tilespmem:s11], [sflag:$0x1] =	stream.indirect_vreg.gather [hbm4b:s8+s3], $0x80, v18, vm0, $0xb8;
	[tilespmem:$0x1F300] =	vst v63  }
0x1a4: {  	v61 =	vperm.xlane v17, v6;
	s11 =	sld [smem:$0x796];
	v18 =	vadd.s32 v3, v60  }
0x1a5: {  	[tilespmem:s14], [sflag:$0x1] =	stream.indirect_vreg.gather [hbm4b:s8+s3], $0x80, v19, vm0, $0xb8;
	[tilespmem:$0x1F300] =	vst v63  }
0x1a6: {  	v62 =	vperm.xlane v17, v7;
	s14 =	sld [smem:$0x797];
	v19 =	vadd.s32 v3, v61  }
0x1a7: {  	[tilespmem:s11], [sflag:$0x1] =	stream.indirect_vreg.gather [hbm4b:s8+s3], $0x80, v20, vm0, $0xb8;
	[tilespmem:$0x1F300] =	vst v63  }
0x1a8: {  	v24 =	vperm.xlane v17, v8;
	v63 =	vadd.s32 v3, v62;
	s11 =	sld [smem:$0x798]  }
0x1a9: {  	[tilespmem:s14], [sflag:$0x1] =	stream.indirect_vreg.gather [hbm4b:s8+s3], $0x80, v18, vm0, $0xb8;
	[tilespmem:$0x1F300] =	vst v63  }
0x1aa: {  	v25 =	vperm.xlane v17, v0;
	s14 =	sld [smem:$0x799];
	v18 =	vadd.s32 v3, v24  }
0x1ab: {  	[tilespmem:s11], [sflag:$0x1] =	stream.indirect_vreg.gather [hbm4b:s8+s3], $0x80, v19, vm0, $0xb8;
	[tilespmem:$0x1F300] =	vst v63  }
0x1ac: {  	v26 =	vperm.xlane v17, v9;
	s11 =	sld [smem:$0x79A];
	v19 =	vadd.s32 v3, v25  }
0x1ad: {  	[tilespmem:s14], [sflag:$0x1] =	stream.indirect_vreg.gather [hbm4b:s8+s3], $0x80, v63, vm0, $0xb8;
	[tilespmem:$0x1F300] =	vst v63  }
0x1ae: {  	v28 =	vperm.xlane v17, v10;
	v27 =	vadd.s32 v3, v26;
	s14 =	sld [smem:$0x79B]  }
0x1af: {  	[tilespmem:s11], [sflag:$0x1] =	stream.indirect_vreg.gather [hbm4b:s8+s3], $0x80, v18, vm0, $0xb8;
	[tilespmem:$0x1F300] =	vst v63  }
0x1b0: {  	v29 =	vperm.xlane v17, v11;
	s11 =	sld [smem:$0x79C];
	v18 =	vadd.s32 v3, v28  }
0x1b1: {  	[tilespmem:s14], [sflag:$0x1] =	stream.indirect_vreg.gather [hbm4b:s8+s3], $0x80, v19, vm0, $0xb8;
	[tilespmem:$0x1F300] =	vst v63  }
0x1b2: {  	v30 =	vperm.xlane v17, v12;
	s14 =	sld [smem:$0x79D];
	v19 =	vadd.s32 v3, v29  }
0x1b3: {  	[tilespmem:s11], [sflag:$0x1] =	stream.indirect_vreg.gather [hbm4b:s8+s3], $0x80, v27, vm0, $0xb8;
	[tilespmem:$0x1F300] =	vst v63  }
0x1b4: {  	v32 =	vperm.xlane v17, v13;
	v31 =	vadd.s32 v3, v30;
	s11 =	sld [smem:$0x79E]  }
0x1b5: {  	[tilespmem:s14], [sflag:$0x1] =	stream.indirect_vreg.gather [hbm4b:s8+s3], $0x80, v18, vm0, $0xb8;
	[tilespmem:$0x1F300] =	vst v63  }
0x1b6: {  	v33 =	vperm.xlane v17, v14;
	s14 =	sld [smem:$0x79F];
	v18 =	vadd.s32 v3, v32  }
0x1b7: {  	[tilespmem:s11], [sflag:$0x1] =	stream.indirect_vreg.gather [hbm4b:s8+s3], $0x80, v19, vm0, $0xb8;
	[tilespmem:$0x1F300] =	vst v63  }
0x1b8: {  	v34 =	vperm.xlane v17, v15;
	s11 =	sld [smem:$0x7A0];
	v19 =	vadd.s32 v3, v33  }
0x1b9: {  	[tilespmem:s14], [sflag:$0x1] =	stream.indirect_vreg.gather [hbm4b:s8+s3], $0x80, v31, vm0, $0xb8;
	[tilespmem:$0x1F300] =	vst v63  }
0x1ba: {  	v17 =	vperm.xlane v17, v16;
	v35 =	vadd.s32 v3, v34;
	s14 =	sld [smem:$0x7A1]  }
0x1bb: {  	[tilespmem:s11], [sflag:$0x1] =	stream.indirect_vreg.gather [hbm4b:s8+s3], $0x80, v18, vm0, $0xb8;
	[tilespmem:$0x1F300] =	vst v63  }
0x1bc: {  	v17 =	vadd.s32 v3, v17;
	s11 =	sld [smem:$0x7A2]  }
0x1bd: {  	[tilespmem:s14], [sflag:$0x1] =	stream.indirect_vreg.gather [hbm4b:s8+s3], $0x80, v19, vm0, $0xb8;
	[tilespmem:$0x1F300] =	vst v63  }
0x1be: {  	s14 =	sld [smem:$0x7A3]  }
0x1bf: {  	[tilespmem:s11], [sflag:$0x1] =	stream.indirect_vreg.gather [hbm4b:s8+s3], $0x80, v35, vm0, $0xb8;
	[tilespmem:$0x1F300] =	vst v63  }
0x1c0: {  	_ = 	snop  }
0x1c1: {  	[tilespmem:s14], [sflag:$0x1] =	stream.indirect_vreg.gather [hbm4b:s8+s3], $0x80, v17, vm0, $0xb8;
	[tilespmem:$0x1F300] =	vst v63  }
0x1c2: {  	v17 =	vld [tilespmem:s5+$0x60];
	_ =	sdelay $0x4  }
0x1c3: {  	v18 =	vshll.u32 v17, $0x1  }
0x1c4: {  	v17 =	vand.u32 $0x7, v17;
	v18 =	vand.u32 $0xFFFFFFF0, v18  }
0x1c5: {  	v17 =	vor.u32 v17, v18  }
0x1c6: {  	v18 =	vperm.xlane v17, v2;
	_ =	sdelay $0x1  }
0x1c7: {  	v19 =	vperm.xlane v17, v1;
	v18 =	vadd.s32 v3, v18;
	_ =	sdelay $0x1  }
0x1c8: {  	s11 =	sld [smem:$0x7A4];
	v36 =	vperm.xlane v17, v4;
	v19 =	vadd.s32 v3, v19;
	_ =	sdelay $0x1  }
0x1c9: {  	s14 =	sld [smem:$0x7A5];
	v37 =	vperm.xlane v17, v5;
	v20 =	vadd.s32 v3, v36  }
0x1ca: {  	[tilespmem:s11], [sflag:$0x1] =	stream.indirect_vreg.gather [hbm4b:s8+s3], $0x80, v18, vm0, $0xb8;
	[tilespmem:$0x1F300] =	vst v63  }
0x1cb: {  	v38 =	vperm.xlane v17, v6;
	s11 =	sld [smem:$0x7A6];
	v18 =	vadd.s32 v3, v37  }
0x1cc: {  	[tilespmem:s14], [sflag:$0x1] =	stream.indirect_vreg.gather [hbm4b:s8+s3], $0x80, v19, vm0, $0xb8;
	[tilespmem:$0x1F300] =	vst v63  }
0x1cd: {  	v39 =	vperm.xlane v17, v7;
	s14 =	sld [smem:$0x7A7];
	v19 =	vadd.s32 v3, v38  }
0x1ce: {  	[tilespmem:s11], [sflag:$0x1] =	stream.indirect_vreg.gather [hbm4b:s8+s3], $0x80, v20, vm0, $0xb8;
	[tilespmem:$0x1F300] =	vst v63  }
0x1cf: {  	v41 =	vperm.xlane v17, v8;
	v40 =	vadd.s32 v3, v39;
	s11 =	sld [smem:$0x7A8]  }
0x1d0: {  	[tilespmem:s14], [sflag:$0x1] =	stream.indirect_vreg.gather [hbm4b:s8+s3], $0x80, v18, vm0, $0xb8;
	[tilespmem:$0x1F300] =	vst v63  }
0x1d1: {  	v42 =	vperm.xlane v17, v0;
	s14 =	sld [smem:$0x7A9];
	v18 =	vadd.s32 v3, v41  }
0x1d2: {  	[tilespmem:s11], [sflag:$0x1] =	stream.indirect_vreg.gather [hbm4b:s8+s3], $0x80, v19, vm0, $0xb8;
	[tilespmem:$0x1F300] =	vst v63  }
0x1d3: {  	v43 =	vperm.xlane v17, v9;
	s11 =	sld [smem:$0x7AA];
	v19 =	vadd.s32 v3, v42  }
0x1d4: {  	[tilespmem:s14], [sflag:$0x1] =	stream.indirect_vreg.gather [hbm4b:s8+s3], $0x80, v40, vm0, $0xb8;
	[tilespmem:$0x1F300] =	vst v63  }
0x1d5: {  	v45 =	vperm.xlane v17, v10;
	v44 =	vadd.s32 v3, v43;
	s14 =	sld [smem:$0x7AB]  }
0x1d6: {  	[tilespmem:s11], [sflag:$0x1] =	stream.indirect_vreg.gather [hbm4b:s8+s3], $0x80, v18, vm0, $0xb8;
	[tilespmem:$0x1F300] =	vst v63  }
0x1d7: {  	v46 =	vperm.xlane v17, v11;
	s11 =	sld [smem:$0x7AC];
	v18 =	vadd.s32 v3, v45  }
0x1d8: {  	[tilespmem:s14], [sflag:$0x1] =	stream.indirect_vreg.gather [hbm4b:s8+s3], $0x80, v19, vm0, $0xb8;
	[tilespmem:$0x1F300] =	vst v63  }
0x1d9: {  	v47 =	vperm.xlane v17, v12;
	s14 =	sld [smem:$0x7AD];
	v19 =	vadd.s32 v3, v46  }
0x1da: {  	[tilespmem:s11], [sflag:$0x1] =	stream.indirect_vreg.gather [hbm4b:s8+s3], $0x80, v44, vm0, $0xb8;
	[tilespmem:$0x1F300] =	vst v63  }
0x1db: {  	v49 =	vperm.xlane v17, v13;
	v48 =	vadd.s32 v3, v47;
	s11 =	sld [smem:$0x7AE]  }
0x1dc: {  	[tilespmem:s14], [sflag:$0x1] =	stream.indirect_vreg.gather [hbm4b:s8+s3], $0x80, v18, vm0, $0xb8;
	[tilespmem:$0x1F300] =	vst v63  }
0x1dd: {  	v50 =	vperm.xlane v17, v14;
	s14 =	sld [smem:$0x7AF];
	v18 =	vadd.s32 v3, v49  }
0x1de: {  	[tilespmem:s11], [sflag:$0x1] =	stream.indirect_vreg.gather [hbm4b:s8+s3], $0x80, v19, vm0, $0xb8;
	[tilespmem:$0x1F300] =	vst v63  }
0x1df: {  	v51 =	vperm.xlane v17, v15;
	s11 =	sld [smem:$0x7B0];
	v19 =	vadd.s32 v3, v50  }
0x1e0: {  	[tilespmem:s14], [sflag:$0x1] =	stream.indirect_vreg.gather [hbm4b:s8+s3], $0x80, v48, vm0, $0xb8;
	[tilespmem:$0x1F300] =	vst v63  }
0x1e1: {  	v17 =	vperm.xlane v17, v16;
	v52 =	vadd.s32 v3, v51;
	s14 =	sld [smem:$0x7B1]  }
0x1e2: {  	[tilespmem:s11], [sflag:$0x1] =	stream.indirect_vreg.gather [hbm4b:s8+s3], $0x80, v18, vm0, $0xb8;
	[tilespmem:$0x1F300] =	vst v63  }
0x1e3: {  	v17 =	vadd.s32 v3, v17;
	s11 =	sld [smem:$0x7B2]  }
0x1e4: {  	[tilespmem:s14], [sflag:$0x1] =	stream.indirect_vreg.gather [hbm4b:s8+s3], $0x80, v19, vm0, $0xb8;
	[tilespmem:$0x1F300] =	vst v63  }
0x1e5: {  	s14 =	sld [smem:$0x7B3]  }
0x1e6: {  	[tilespmem:s11], [sflag:$0x1] =	stream.indirect_vreg.gather [hbm4b:s8+s3], $0x80, v52, vm0, $0xb8;
	[tilespmem:$0x1F300] =	vst v63  }
0x1e7: {  	_ = 	snop  }
0x1e8: {  	[tilespmem:s14], [sflag:$0x1] =	stream.indirect_vreg.gather [hbm4b:s8+s3], $0x80, v17, vm0, $0xb8;
	[tilespmem:$0x1F300] =	vst v63  }
0x1e9: {  	v17 =	vld [tilespmem:s5+$0x70];
	_ =	sdelay $0x4  }
0x1ea: {  	v18 =	vshll.u32 v17, $0x1  }
0x1eb: {  	v17 =	vand.u32 $0x7, v17;
	v18 =	vand.u32 $0xFFFFFFF0, v18  }
0x1ec: {  	v17 =	vor.u32 v17, v18  }
0x1ed: {  	v18 =	vperm.xlane v17, v2;
	_ =	sdelay $0x1  }
0x1ee: {  	v19 =	vperm.xlane v17, v1;
	v18 =	vadd.s32 v3, v18;
	_ =	sdelay $0x1  }
0x1ef: {  	s11 =	sld [smem:$0x7B4];
	v53 =	vperm.xlane v17, v4;
	v19 =	vadd.s32 v3, v19;
	_ =	sdelay $0x1  }
0x1f0: {  	s14 =	sld [smem:$0x7B5];
	v54 =	vperm.xlane v17, v5;
	v20 =	vadd.s32 v3, v53  }
0x1f1: {  	[tilespmem:s11], [sflag:$0x1] =	stream.indirect_vreg.gather [hbm4b:s8+s3], $0x80, v18, vm0, $0xb8;
	[tilespmem:$0x1F300] =	vst v63  }
0x1f2: {  	v55 =	vperm.xlane v17, v6;
	s11 =	sld [smem:$0x7B6];
	v18 =	vadd.s32 v3, v54  }
0x1f3: {  	[tilespmem:s14], [sflag:$0x1] =	stream.indirect_vreg.gather [hbm4b:s8+s3], $0x80, v19, vm0, $0xb8;
	[tilespmem:$0x1F300] =	vst v63  }
0x1f4: {  	v56 =	vperm.xlane v17, v7;
	s14 =	sld [smem:$0x7B7];
	v19 =	vadd.s32 v3, v55  }
0x1f5: {  	[tilespmem:s11], [sflag:$0x1] =	stream.indirect_vreg.gather [hbm4b:s8+s3], $0x80, v20, vm0, $0xb8;
	[tilespmem:$0x1F300] =	vst v63  }
0x1f6: {  	v58 =	vperm.xlane v17, v8;
	v57 =	vadd.s32 v3, v56;
	s11 =	sld [smem:$0x7B8]  }
0x1f7: {  	[tilespmem:s14], [sflag:$0x1] =	stream.indirect_vreg.gather [hbm4b:s8+s3], $0x80, v18, vm0, $0xb8;
	[tilespmem:$0x1F300] =	vst v63  }
0x1f8: {  	v59 =	vperm.xlane v17, v0;
	s14 =	sld [smem:$0x7B9];
	v18 =	vadd.s32 v3, v58  }
0x1f9: {  	[tilespmem:s11], [sflag:$0x1] =	stream.indirect_vreg.gather [hbm4b:s8+s3], $0x80, v19, vm0, $0xb8;
	[tilespmem:$0x1F300] =	vst v63  }
0x1fa: {  	v60 =	vperm.xlane v17, v9;
	s11 =	sld [smem:$0x7BA];
	v19 =	vadd.s32 v3, v59  }
0x1fb: {  	[tilespmem:s14], [sflag:$0x1] =	stream.indirect_vreg.gather [hbm4b:s8+s3], $0x80, v57, vm0, $0xb8;
	[tilespmem:$0x1F300] =	vst v63  }
0x1fc: {  	v62 =	vperm.xlane v17, v10;
	v61 =	vadd.s32 v3, v60;
	s14 =	sld [smem:$0x7BB]  }
0x1fd: {  	[tilespmem:s11], [sflag:$0x1] =	stream.indirect_vreg.gather [hbm4b:s8+s3], $0x80, v18, vm0, $0xb8;
	[tilespmem:$0x1F300] =	vst v63  }
0x1fe: {  	v63 =	vperm.xlane v17, v11;
	s11 =	sld [smem:$0x7BC];
	v18 =	vadd.s32 v3, v62  }
0x1ff: {  	[tilespmem:s14], [sflag:$0x1] =	stream.indirect_vreg.gather [hbm4b:s8+s3], $0x80, v19, vm0, $0xb8;
	[tilespmem:$0x1F300] =	vst v63  }
0x200: {  	v24 =	vperm.xlane v17, v12;
	s14 =	sld [smem:$0x7BD];
	v19 =	vadd.s32 v3, v63  }
0x201: {  	[tilespmem:s11], [sflag:$0x1] =	stream.indirect_vreg.gather [hbm4b:s8+s3], $0x80, v61, vm0, $0xb8;
	[tilespmem:$0x1F300] =	vst v63  }
0x202: {  	v26 =	vperm.xlane v17, v13;
	v25 =	vadd.s32 v3, v24;
	s11 =	sld [smem:$0x7BE]  }
0x203: {  	[tilespmem:s14], [sflag:$0x1] =	stream.indirect_vreg.gather [hbm4b:s8+s3], $0x80, v18, vm0, $0xb8;
	[tilespmem:$0x1F300] =	vst v63  }
0x204: {  	v27 =	vperm.xlane v17, v14;
	s14 =	sld [smem:$0x7BF];
	v18 =	vadd.s32 v3, v26  }
0x205: {  	[tilespmem:s11], [sflag:$0x1] =	stream.indirect_vreg.gather [hbm4b:s8+s3], $0x80, v19, vm0, $0xb8;
	[tilespmem:$0x1F300] =	vst v63  }
0x206: {  	v28 =	vperm.xlane v17, v15;
	s11 =	sld [smem:$0x7C0];
	v19 =	vadd.s32 v3, v27  }
0x207: {  	[tilespmem:s14], [sflag:$0x1] =	stream.indirect_vreg.gather [hbm4b:s8+s3], $0x80, v25, vm0, $0xb8;
	[tilespmem:$0x1F300] =	vst v63  }
0x208: {  	v17 =	vperm.xlane v17, v16;
	v29 =	vadd.s32 v3, v28;
	s14 =	sld [smem:$0x7C1]  }
0x209: {  	[tilespmem:s11], [sflag:$0x1] =	stream.indirect_vreg.gather [hbm4b:s8+s3], $0x80, v18, vm0, $0xb8;
	[tilespmem:$0x1F300] =	vst v63  }
0x20a: {  	v17 =	vadd.s32 v3, v17;
	s11 =	sld [smem:$0x7C2]  }
0x20b: {  	[tilespmem:s14], [sflag:$0x1] =	stream.indirect_vreg.gather [hbm4b:s8+s3], $0x80, v19, vm0, $0xb8;
	[tilespmem:$0x1F300] =	vst v63  }
0x20c: {  	s14 =	sld [smem:$0x7C3]  }
0x20d: {  	[tilespmem:s11], [sflag:$0x1] =	stream.indirect_vreg.gather [hbm4b:s8+s3], $0x80, v29, vm0, $0xb8;
	[tilespmem:$0x1F300] =	vst v63  }
0x20e: {  	_ = 	snop  }
0x20f: {  	[tilespmem:s14], [sflag:$0x1] =	stream.indirect_vreg.gather [hbm4b:s8+s3], $0x80, v17, vm0, $0xb8;
	[tilespmem:$0x1F300] =	vst v63  }
0x210: {  	v17 =	vld [tilespmem:s5+$0x80];
	_ =	sdelay $0x4  }
0x211: {  	v18 =	vshll.u32 v17, $0x1  }
0x212: {  	v17 =	vand.u32 $0x7, v17;
	v18 =	vand.u32 $0xFFFFFFF0, v18  }
0x213: {  	v17 =	vor.u32 v17, v18  }
0x214: {  	v18 =	vperm.xlane v17, v2;
	_ =	sdelay $0x1  }
0x215: {  	v19 =	vperm.xlane v17, v1;
	v18 =	vadd.s32 v3, v18;
	_ =	sdelay $0x1  }
0x216: {  	s11 =	sld [smem:$0x7C4];
	v30 =	vperm.xlane v17, v4;
	v19 =	vadd.s32 v3, v19;
	_ =	sdelay $0x1  }
0x217: {  	s14 =	sld [smem:$0x7C5];
	v31 =	vperm.xlane v17, v5;
	v20 =	vadd.s32 v3, v30  }
0x218: {  	[tilespmem:s11], [sflag:$0x1] =	stream.indirect_vreg.gather [hbm4b:s8+s3], $0x80, v18, vm0, $0xb8;
	[tilespmem:$0x1F300] =	vst v63  }
0x219: {  	v32 =	vperm.xlane v17, v6;
	s11 =	sld [smem:$0x7C6];
	v18 =	vadd.s32 v3, v31  }
0x21a: {  	[tilespmem:s14], [sflag:$0x1] =	stream.indirect_vreg.gather [hbm4b:s8+s3], $0x80, v19, vm0, $0xb8;
	[tilespmem:$0x1F300] =	vst v63  }
0x21b: {  	v33 =	vperm.xlane v17, v7;
	s14 =	sld [smem:$0x7C7];
	v19 =	vadd.s32 v3, v32  }
0x21c: {  	[tilespmem:s11], [sflag:$0x1] =	stream.indirect_vreg.gather [hbm4b:s8+s3], $0x80, v20, vm0, $0xb8;
	[tilespmem:$0x1F300] =	vst v63  }
0x21d: {  	v35 =	vperm.xlane v17, v8;
	v34 =	vadd.s32 v3, v33;
	s11 =	sld [smem:$0x7C8]  }
0x21e: {  	[tilespmem:s14], [sflag:$0x1] =	stream.indirect_vreg.gather [hbm4b:s8+s3], $0x80, v18, vm0, $0xb8;
	[tilespmem:$0x1F300] =	vst v63  }
0x21f: {  	v36 =	vperm.xlane v17, v0;
	s14 =	sld [smem:$0x7C9];
	v18 =	vadd.s32 v3, v35  }
0x220: {  	[tilespmem:s11], [sflag:$0x1] =	stream.indirect_vreg.gather [hbm4b:s8+s3], $0x80, v19, vm0, $0xb8;
	[tilespmem:$0x1F300] =	vst v63  }
0x221: {  	v37 =	vperm.xlane v17, v9;
	s11 =	sld [smem:$0x7CA];
	v19 =	vadd.s32 v3, v36  }
0x222: {  	[tilespmem:s14], [sflag:$0x1] =	stream.indirect_vreg.gather [hbm4b:s8+s3], $0x80, v34, vm0, $0xb8;
	[tilespmem:$0x1F300] =	vst v63  }
0x223: {  	v39 =	vperm.xlane v17, v10;
	v38 =	vadd.s32 v3, v37;
	s14 =	sld [smem:$0x7CB]  }
0x224: {  	[tilespmem:s11], [sflag:$0x1] =	stream.indirect_vreg.gather [hbm4b:s8+s3], $0x80, v18, vm0, $0xb8;
	[tilespmem:$0x1F300] =	vst v63  }
0x225: {  	v40 =	vperm.xlane v17, v11;
	s11 =	sld [smem:$0x7CC];
	v18 =	vadd.s32 v3, v39  }
0x226: {  	[tilespmem:s14], [sflag:$0x1] =	stream.indirect_vreg.gather [hbm4b:s8+s3], $0x80, v19, vm0, $0xb8;
	[tilespmem:$0x1F300] =	vst v63  }
0x227: {  	v41 =	vperm.xlane v17, v12;
	s14 =	sld [smem:$0x7CD];
	v19 =	vadd.s32 v3, v40  }
0x228: {  	[tilespmem:s11], [sflag:$0x1] =	stream.indirect_vreg.gather [hbm4b:s8+s3], $0x80, v38, vm0, $0xb8;
	[tilespmem:$0x1F300] =	vst v63  }
0x229: {  	v43 =	vperm.xlane v17, v13;
	v42 =	vadd.s32 v3, v41;
	s11 =	sld [smem:$0x7CE]  }
0x22a: {  	[tilespmem:s14], [sflag:$0x1] =	stream.indirect_vreg.gather [hbm4b:s8+s3], $0x80, v18, vm0, $0xb8;
	[tilespmem:$0x1F300] =	vst v63  }
0x22b: {  	v44 =	vperm.xlane v17, v14;
	s14 =	sld [smem:$0x7CF];
	v18 =	vadd.s32 v3, v43  }
0x22c: {  	[tilespmem:s11], [sflag:$0x1] =	stream.indirect_vreg.gather [hbm4b:s8+s3], $0x80, v19, vm0, $0xb8;
	[tilespmem:$0x1F300] =	vst v63  }
0x22d: {  	v45 =	vperm.xlane v17, v15;
	s11 =	sld [smem:$0x7D0];
	v19 =	vadd.s32 v3, v44  }
0x22e: {  	[tilespmem:s14], [sflag:$0x1] =	stream.indirect_vreg.gather [hbm4b:s8+s3], $0x80, v42, vm0, $0xb8;
	[tilespmem:$0x1F300] =	vst v63  }
0x22f: {  	v17 =	vperm.xlane v17, v16;
	v46 =	vadd.s32 v3, v45;
	s14 =	sld [smem:$0x7D1]  }
0x230: {  	[tilespmem:s11], [sflag:$0x1] =	stream.indirect_vreg.gather [hbm4b:s8+s3], $0x80, v18, vm0, $0xb8;
	[tilespmem:$0x1F300] =	vst v63  }
0x231: {  	v17 =	vadd.s32 v3, v17;
	s11 =	sld [smem:$0x7D2]  }
0x232: {  	[tilespmem:s14], [sflag:$0x1] =	stream.indirect_vreg.gather [hbm4b:s8+s3], $0x80, v19, vm0, $0xb8;
	[tilespmem:$0x1F300] =	vst v63  }
0x233: {  	s14 =	sld [smem:$0x7D3]  }
0x234: {  	[tilespmem:s11], [sflag:$0x1] =	stream.indirect_vreg.gather [hbm4b:s8+s3], $0x80, v46, vm0, $0xb8;
	[tilespmem:$0x1F300] =	vst v63  }
0x235: {  	_ = 	snop  }
0x236: {  	[tilespmem:s14], [sflag:$0x1] =	stream.indirect_vreg.gather [hbm4b:s8+s3], $0x80, v17, vm0, $0xb8;
	[tilespmem:$0x1F300] =	vst v63  }
0x237: {  	v17 =	vld [tilespmem:s5+$0x90];
	_ =	sdelay $0x4  }
0x238: {  	v18 =	vshll.u32 v17, $0x1  }
0x239: {  	v17 =	vand.u32 $0x7, v17;
	v18 =	vand.u32 $0xFFFFFFF0, v18  }
0x23a: {  	v17 =	vor.u32 v17, v18  }
0x23b: {  	v18 =	vperm.xlane v17, v2;
	_ =	sdelay $0x1  }
0x23c: {  	v19 =	vperm.xlane v17, v1;
	v18 =	vadd.s32 v3, v18;
	_ =	sdelay $0x1  }
0x23d: {  	s11 =	sld [smem:$0x7D4];
	v47 =	vperm.xlane v17, v4;
	v19 =	vadd.s32 v3, v19;
	_ =	sdelay $0x1  }
0x23e: {  	s14 =	sld [smem:$0x7D5];
	v48 =	vperm.xlane v17, v5;
	v20 =	vadd.s32 v3, v47  }
0x23f: {  	[tilespmem:s11], [sflag:$0x1] =	stream.indirect_vreg.gather [hbm4b:s8+s3], $0x80, v18, vm0, $0xb8;
	[tilespmem:$0x1F300] =	vst v63  }
0x240: {  	v49 =	vperm.xlane v17, v6;
	s11 =	sld [smem:$0x7D6];
	v18 =	vadd.s32 v3, v48  }
0x241: {  	[tilespmem:s14], [sflag:$0x1] =	stream.indirect_vreg.gather [hbm4b:s8+s3], $0x80, v19, vm0, $0xb8;
	[tilespmem:$0x1F300] =	vst v63  }
0x242: {  	v50 =	vperm.xlane v17, v7;
	s14 =	sld [smem:$0x7D7];
	v19 =	vadd.s32 v3, v49  }
0x243: {  	[tilespmem:s11], [sflag:$0x1] =	stream.indirect_vreg.gather [hbm4b:s8+s3], $0x80, v20, vm0, $0xb8;
	[tilespmem:$0x1F300] =	vst v63  }
0x244: {  	v52 =	vperm.xlane v17, v8;
	v51 =	vadd.s32 v3, v50;
	s11 =	sld [smem:$0x7D8]  }
0x245: {  	[tilespmem:s14], [sflag:$0x1] =	stream.indirect_vreg.gather [hbm4b:s8+s3], $0x80, v18, vm0, $0xb8;
	[tilespmem:$0x1F300] =	vst v63  }
0x246: {  	v53 =	vperm.xlane v17, v0;
	s14 =	sld [smem:$0x7D9];
	v18 =	vadd.s32 v3, v52  }
0x247: {  	[tilespmem:s11], [sflag:$0x1] =	stream.indirect_vreg.gather [hbm4b:s8+s3], $0x80, v19, vm0, $0xb8;
	[tilespmem:$0x1F300] =	vst v63  }
0x248: {  	v54 =	vperm.xlane v17, v9;
	s11 =	sld [smem:$0x7DA];
	v19 =	vadd.s32 v3, v53  }
0x249: {  	[tilespmem:s14], [sflag:$0x1] =	stream.indirect_vreg.gather [hbm4b:s8+s3], $0x80, v51, vm0, $0xb8;
	[tilespmem:$0x1F300] =	vst v63  }
0x24a: {  	v56 =	vperm.xlane v17, v10;
	v55 =	vadd.s32 v3, v54;
	s14 =	sld [smem:$0x7DB]  }
0x24b: {  	[tilespmem:s11], [sflag:$0x1] =	stream.indirect_vreg.gather [hbm4b:s8+s3], $0x80, v18, vm0, $0xb8;
	[tilespmem:$0x1F300] =	vst v63  }
0x24c: {  	v57 =	vperm.xlane v17, v11;
	s11 =	sld [smem:$0x7DC];
	v18 =	vadd.s32 v3, v56  }
0x24d: {  	[tilespmem:s14], [sflag:$0x1] =	stream.indirect_vreg.gather [hbm4b:s8+s3], $0x80, v19, vm0, $0xb8;
	[tilespmem:$0x1F300] =	vst v63  }
0x24e: {  	v58 =	vperm.xlane v17, v12;
	s14 =	sld [smem:$0x7DD];
	v19 =	vadd.s32 v3, v57  }
0x24f: {  	[tilespmem:s11], [sflag:$0x1] =	stream.indirect_vreg.gather [hbm4b:s8+s3], $0x80, v55, vm0, $0xb8;
	[tilespmem:$0x1F300] =	vst v63  }
0x250: {  	v60 =	vperm.xlane v17, v13;
	v59 =	vadd.s32 v3, v58;
	s11 =	sld [smem:$0x7DE]  }
0x251: {  	[tilespmem:s14], [sflag:$0x1] =	stream.indirect_vreg.gather [hbm4b:s8+s3], $0x80, v18, vm0, $0xb8;
	[tilespmem:$0x1F300] =	vst v63  }
0x252: {  	v61 =	vperm.xlane v17, v14;
	s14 =	sld [smem:$0x7DF];
	v18 =	vadd.s32 v3, v60  }
0x253: {  	[tilespmem:s11], [sflag:$0x1] =	stream.indirect_vreg.gather [hbm4b:s8+s3], $0x80, v19, vm0, $0xb8;
	[tilespmem:$0x1F300] =	vst v63  }
0x254: {  	v62 =	vperm.xlane v17, v15;
	s11 =	sld [smem:$0x7E0];
	v19 =	vadd.s32 v3, v61  }
0x255: {  	[tilespmem:s14], [sflag:$0x1] =	stream.indirect_vreg.gather [hbm4b:s8+s3], $0x80, v59, vm0, $0xb8;
	[tilespmem:$0x1F300] =	vst v63  }
0x256: {  	v17 =	vperm.xlane v17, v16;
	v63 =	vadd.s32 v3, v62;
	s14 =	sld [smem:$0x7E1]  }
0x257: {  	[tilespmem:s11], [sflag:$0x1] =	stream.indirect_vreg.gather [hbm4b:s8+s3], $0x80, v18, vm0, $0xb8;
	[tilespmem:$0x1F300] =	vst v63  }
0x258: {  	v17 =	vadd.s32 v3, v17;
	s11 =	sld [smem:$0x7E2]  }
0x259: {  	[tilespmem:s14], [sflag:$0x1] =	stream.indirect_vreg.gather [hbm4b:s8+s3], $0x80, v19, vm0, $0xb8;
	[tilespmem:$0x1F300] =	vst v63  }
0x25a: {  	s14 =	sld [smem:$0x7E3]  }
0x25b: {  	[tilespmem:s11], [sflag:$0x1] =	stream.indirect_vreg.gather [hbm4b:s8+s3], $0x80, v63, vm0, $0xb8;
	[tilespmem:$0x1F300] =	vst v63  }
0x25c: {  	_ = 	snop  }
0x25d: {  	[tilespmem:s14], [sflag:$0x1] =	stream.indirect_vreg.gather [hbm4b:s8+s3], $0x80, v17, vm0, $0xb8;
	[tilespmem:$0x1F300] =	vst v63  }
0x25e: {  	v17 =	vld [tilespmem:s5+$0xA0];
	_ =	sdelay $0x4  }
0x25f: {  	v18 =	vshll.u32 v17, $0x1  }
0x260: {  	v17 =	vand.u32 $0x7, v17;
	v18 =	vand.u32 $0xFFFFFFF0, v18  }
0x261: {  	v17 =	vor.u32 v17, v18  }
0x262: {  	v18 =	vperm.xlane v17, v2;
	_ =	sdelay $0x1  }
0x263: {  	v19 =	vperm.xlane v17, v1;
	v18 =	vadd.s32 v3, v18;
	_ =	sdelay $0x1  }
0x264: {  	s11 =	sld [smem:$0x7E4];
	v24 =	vperm.xlane v17, v4;
	v19 =	vadd.s32 v3, v19;
	_ =	sdelay $0x1  }
0x265: {  	s14 =	sld [smem:$0x7E5];
	v25 =	vperm.xlane v17, v5;
	v20 =	vadd.s32 v3, v24  }
0x266: {  	[tilespmem:s11], [sflag:$0x1] =	stream.indirect_vreg.gather [hbm4b:s8+s3], $0x80, v18, vm0, $0xb8;
	[tilespmem:$0x1F300] =	vst v63  }
0x267: {  	v26 =	vperm.xlane v17, v6;
	s11 =	sld [smem:$0x7E6];
	v18 =	vadd.s32 v3, v25  }
0x268: {  	[tilespmem:s14], [sflag:$0x1] =	stream.indirect_vreg.gather [hbm4b:s8+s3], $0x80, v19, vm0, $0xb8;
	[tilespmem:$0x1F300] =	vst v63  }
0x269: {  	v27 =	vperm.xlane v17, v7;
	s14 =	sld [smem:$0x7E7];
	v19 =	vadd.s32 v3, v26  }
0x26a: {  	[tilespmem:s11], [sflag:$0x1] =	stream.indirect_vreg.gather [hbm4b:s8+s3], $0x80, v20, vm0, $0xb8;
	[tilespmem:$0x1F300] =	vst v63  }
0x26b: {  	v29 =	vperm.xlane v17, v8;
	v28 =	vadd.s32 v3, v27;
	s11 =	sld [smem:$0x7E8]  }
0x26c: {  	[tilespmem:s14], [sflag:$0x1] =	stream.indirect_vreg.gather [hbm4b:s8+s3], $0x80, v18, vm0, $0xb8;
	[tilespmem:$0x1F300] =	vst v63  }
0x26d: {  	v30 =	vperm.xlane v17, v0;
	s14 =	sld [smem:$0x7E9];
	v18 =	vadd.s32 v3, v29  }
0x26e: {  	[tilespmem:s11], [sflag:$0x1] =	stream.indirect_vreg.gather [hbm4b:s8+s3], $0x80, v19, vm0, $0xb8;
	[tilespmem:$0x1F300] =	vst v63  }
0x26f: {  	v31 =	vperm.xlane v17, v9;
	s11 =	sld [smem:$0x7EA];
	v19 =	vadd.s32 v3, v30  }
0x270: {  	[tilespmem:s14], [sflag:$0x1] =	stream.indirect_vreg.gather [hbm4b:s8+s3], $0x80, v28, vm0, $0xb8;
	[tilespmem:$0x1F300] =	vst v63  }
0x271: {  	v33 =	vperm.xlane v17, v10;
	v32 =	vadd.s32 v3, v31;
	s14 =	sld [smem:$0x7EC]  }
0x272: {  	[tilespmem:s11], [sflag:$0x1] =	stream.indirect_vreg.gather [hbm4b:s8+s3], $0x80, v18, vm0, $0xb8;
	[tilespmem:$0x1F300] =	vst v63  }
0x273: {  	v34 =	vperm.xlane v17, v11;
	s11 =	sld [smem:$0x7EE];
	v18 =	vadd.s32 v3, v33  }
0x274: {  	[tilespmem:s14], [sflag:$0x1] =	stream.indirect_vreg.gather [hbm4b:s8+s3], $0x80, v19, vm0, $0xb8;
	[tilespmem:$0x1F300] =	vst v63  }
0x275: {  	v35 =	vperm.xlane v17, v12;
	s14 =	sld [smem:$0x7EF];
	v19 =	vadd.s32 v3, v34  }
0x276: {  	[tilespmem:s11], [sflag:$0x1] =	stream.indirect_vreg.gather [hbm4b:s8+s3], $0x80, v32, vm0, $0xb8;
	[tilespmem:$0x1F300] =	vst v63  }
0x277: {  	v37 =	vperm.xlane v17, v13;
	v36 =	vadd.s32 v3, v35;
	s11 =	sld [smem:$0x7F0]  }
0x278: {  	[tilespmem:s14], [sflag:$0x1] =	stream.indirect_vreg.gather [hbm4b:s8+s3], $0x80, v18, vm0, $0xb8;
	[tilespmem:$0x1F300] =	vst v63  }
0x279: {  	v38 =	vperm.xlane v17, v14;
	s14 =	sld [smem:$0x7F2];
	v18 =	vadd.s32 v3, v37  }
0x27a: {  	[tilespmem:s11], [sflag:$0x1] =	stream.indirect_vreg.gather [hbm4b:s8+s3], $0x80, v19, vm0, $0xb8;
	[tilespmem:$0x1F300] =	vst v63  }
0x27b: {  	v39 =	vperm.xlane v17, v15;
	s11 =	sld [smem:$0x7F4];
	v19 =	vadd.s32 v3, v38  }
0x27c: {  	[tilespmem:s14], [sflag:$0x1] =	stream.indirect_vreg.gather [hbm4b:s8+s3], $0x80, v36, vm0, $0xb8;
	[tilespmem:$0x1F300] =	vst v63  }
0x27d: {  	v17 =	vperm.xlane v17, v16;
	v40 =	vadd.s32 v3, v39;
	s14 =	sld [smem:$0x7F5]  }
0x27e: {  	[tilespmem:s11], [sflag:$0x1] =	stream.indirect_vreg.gather [hbm4b:s8+s3], $0x80, v18, vm0, $0xb8;
	[tilespmem:$0x1F300] =	vst v63  }
0x27f: {  	v17 =	vadd.s32 v3, v17;
	s11 =	sld [smem:$0x7F6]  }
0x280: {  	[tilespmem:s14], [sflag:$0x1] =	stream.indirect_vreg.gather [hbm4b:s8+s3], $0x80, v19, vm0, $0xb8;
	[tilespmem:$0x1F300] =	vst v63  }
0x281: {  	s14 =	sld [smem:$0x7F7]  }
0x282: {  	[tilespmem:s11], [sflag:$0x1] =	stream.indirect_vreg.gather [hbm4b:s8+s3], $0x80, v40, vm0, $0xb8;
	[tilespmem:$0x1F300] =	vst v63  }
0x283: {  	_ = 	snop  }
0x284: {  	[tilespmem:s14], [sflag:$0x1] =	stream.indirect_vreg.gather [hbm4b:s8+s3], $0x80, v17, vm0, $0xb8;
	[tilespmem:$0x1F300] =	vst v63  }
0x285: {  	v17 =	vld [tilespmem:s5+$0xB0];
	_ =	sdelay $0x4  }
0x286: {  	v18 =	vshll.u32 v17, $0x1  }
0x287: {  	v17 =	vand.u32 $0x7, v17;
	v18 =	vand.u32 $0xFFFFFFF0, v18  }
0x288: {  	v17 =	vor.u32 v17, v18  }
0x289: {  	v18 =	vperm.xlane v17, v2;
	_ =	sdelay $0x1  }
0x28a: {  	v19 =	vperm.xlane v17, v1;
	v18 =	vadd.s32 v3, v18;
	_ =	sdelay $0x1  }
0x28b: {  	s11 =	sld [smem:$0x7F8];
	v41 =	vperm.xlane v17, v4;
	v19 =	vadd.s32 v3, v19;
	_ =	sdelay $0x1  }
0x28c: {  	s14 =	sld [smem:$0x7F9];
	v42 =	vperm.xlane v17, v5;
	v20 =	vadd.s32 v3, v41  }
0x28d: {  	[tilespmem:s11], [sflag:$0x1] =	stream.indirect_vreg.gather [hbm4b:s8+s3], $0x80, v18, vm0, $0xb8;
	[tilespmem:$0x1F300] =	vst v63  }
0x28e: {  	v43 =	vperm.xlane v17, v6;
	s11 =	sld [smem:$0x7FA];
	v18 =	vadd.s32 v3, v42  }
0x28f: {  	[tilespmem:s14], [sflag:$0x1] =	stream.indirect_vreg.gather [hbm4b:s8+s3], $0x80, v19, vm0, $0xb8;
	[tilespmem:$0x1F300] =	vst v63  }
0x290: {  	v44 =	vperm.xlane v17, v7;
	s14 =	sld [smem:$0x7FB];
	v19 =	vadd.s32 v3, v43  }
0x291: {  	[tilespmem:s11], [sflag:$0x1] =	stream.indirect_vreg.gather [hbm4b:s8+s3], $0x80, v20, vm0, $0xb8;
	[tilespmem:$0x1F300] =	vst v63  }
0x292: {  	v46 =	vperm.xlane v17, v8;
	v45 =	vadd.s32 v3, v44  }
0x293: {  	[tilespmem:s14], [sflag:$0x1] =	stream.indirect_vreg.gather [hbm4b:s8+s3], $0x80, v18, vm0, $0xb8;
	[tilespmem:$0x1F300] =	vst v63  }
0x294: {  	v47 =	vperm.xlane v17, v0;
	v18 =	vadd.s32 v3, v46  }
0x295: {  	[tilespmem:s17], [sflag:$0x1] =	stream.indirect_vreg.gather [hbm4b:s8+s3], $0x80, v19, vm0, $0xb8;
	[tilespmem:$0x1F300] =	vst v63  }
0x296: {  	v48 =	vperm.xlane v17, v9;
	v19 =	vadd.s32 v3, v47  }
0x297: {  	[tilespmem:s18], [sflag:$0x1] =	stream.indirect_vreg.gather [hbm4b:s8+s3], $0x80, v45, vm0, $0xb8;
	[tilespmem:$0x1F300] =	vst v63  }
0x298: {  	v50 =	vperm.xlane v17, v10;
	v49 =	vadd.s32 v3, v48  }
0x299: {  	[tilespmem:s19], [sflag:$0x1] =	stream.indirect_vreg.gather [hbm4b:s8+s3], $0x80, v18, vm0, $0xb8;
	[tilespmem:$0x1F300] =	vst v63  }
0x29a: {  	v51 =	vperm.xlane v17, v11;
	v18 =	vadd.s32 v3, v50  }
0x29b: {  	[tilespmem:s20], [sflag:$0x1] =	stream.indirect_vreg.gather [hbm4b:s8+s3], $0x80, v19, vm0, $0xb8;
	[tilespmem:$0x1F300] =	vst v63  }
0x29c: {  	v52 =	vperm.xlane v17, v12;
	v19 =	vadd.s32 v3, v51  }
0x29d: {  	[tilespmem:s21], [sflag:$0x1] =	stream.indirect_vreg.gather [hbm4b:s8+s3], $0x80, v49, vm0, $0xb8;
	[tilespmem:$0x1F300] =	vst v63  }
0x29e: {  	v54 =	vperm.xlane v17, v13;
	v53 =	vadd.s32 v3, v52  }
0x29f: {  	[tilespmem:s22], [sflag:$0x1] =	stream.indirect_vreg.gather [hbm4b:s8+s3], $0x80, v18, vm0, $0xb8;
	[tilespmem:$0x1F300] =	vst v63  }
0x2a0: {  	v55 =	vperm.xlane v17, v14;
	v18 =	vadd.s32 v3, v54  }
0x2a1: {  	[tilespmem:s23], [sflag:$0x1] =	stream.indirect_vreg.gather [hbm4b:s8+s3], $0x80, v19, vm0, $0xb8;
	[tilespmem:$0x1F300] =	vst v63  }
0x2a2: {  	v56 =	vperm.xlane v17, v15;
	v19 =	vadd.s32 v3, v55  }
0x2a3: {  	[tilespmem:s24], [sflag:$0x1] =	stream.indirect_vreg.gather [hbm4b:s8+s3], $0x80, v53, vm0, $0xb8;
	[tilespmem:$0x1F300] =	vst v63  }
0x2a4: {  	v17 =	vperm.xlane v17, v16;
	v57 =	vadd.s32 v3, v56  }
0x2a5: {  	[tilespmem:s25], [sflag:$0x1] =	stream.indirect_vreg.gather [hbm4b:s8+s3], $0x80, v18, vm0, $0xb8;
	[tilespmem:$0x1F300] =	vst v63  }
0x2a6: {  	v17 =	vadd.s32 v3, v17  }
0x2a7: {  	[tilespmem:s26], [sflag:$0x1] =	stream.indirect_vreg.gather [hbm4b:s8+s3], $0x80, v19, vm0, $0xb8;
	[tilespmem:$0x1F300] =	vst v63  }
0x2a8: {  	_ = 	snop  }
0x2a9: {  	[tilespmem:s28], [sflag:$0x1] =	stream.indirect_vreg.gather [hbm4b:s8+s3], $0x80, v57, vm0, $0xb8;
	[tilespmem:$0x1F300] =	vst v63  }
0x2aa: {  	_ = 	snop  }
0x2ab: {  	[tilespmem:s29], [sflag:$0x1] =	stream.indirect_vreg.gather [hbm4b:s8+s3], $0x80, v17, vm0, $0xb8;
	[tilespmem:$0x1F300] =	vst v63  }
0x2ac: {  	v17 =	vld.msk [tilespmem:s5+$0xC0], $0xff;
	_ =	sdelay $0x4  }
0x2ad: {  	v18 =	vshll.u32 v17, $0x1  }
0x2ae: {  	v17 =	vand.u32 $0x7, v17;
	v18 =	vand.u32 $0xFFFFFFF0, v18  }
0x2af: {  	v17 =	vor.u32 v17, v18  }
0x2b0: {  	v18 =	vperm.xlane v17, v2;
	_ =	sdelay $0x1  }
0x2b1: {  	v19 =	vperm.xlane v17, v1;
	v18 =	vadd.s32 v3, v18;
	_ =	sdelay $0x1  }
0x2b2: {  	v58 =	vperm.xlane v17, v4;
	v19 =	vadd.s32 v3, v19;
	_ =	sdelay $0x1  }
0x2b3: {  	v59 =	vperm.xlane v17, v5;
	v20 =	vadd.s32 v3, v58  }
0x2b4: {  	[tilespmem:s30], [sflag:$0x1] =	stream.indirect_vreg.gather [hbm4b:s8+s3], $0x80, v18, vm0, $0xb8;
	[tilespmem:$0x1F300] =	vst v63  }
0x2b5: {  	v60 =	vperm.xlane v17, v6;
	v18 =	vadd.s32 v3, v59  }
0x2b6: {  	[tilespmem:s31], [sflag:$0x1] =	stream.indirect_vreg.gather [hbm4b:s8+s3], $0x80, v19, vm0, $0xb8;
	[tilespmem:$0x1F300] =	vst v63  }
0x2b7: {  	v61 =	vperm.xlane v17, v7;
	v19 =	vadd.s32 v3, v60  }
0x2b8: {  	[tilespmem:s0], [sflag:$0x1] =	stream.indirect_vreg.gather [hbm4b:s8+s3], $0x80, v20, vm0, $0xb8;
	[tilespmem:$0x1F300] =	vst v63  }
0x2b9: {  	v63 =	vperm.xlane v17, v8;
	v62 =	vadd.s32 v3, v61  }
0x2ba: {  	[tilespmem:s4], [sflag:$0x1] =	stream.indirect_vreg.gather [hbm4b:s8+s3], $0x80, v18, vm0, $0xb8;
	[tilespmem:$0x1F300] =	vst v63  }
0x2bb: {  	v17 =	vperm.xlane v17, v0;
	v18 =	vadd.s32 v3, v63  }
0x2bc: {  	[tilespmem:s1], [sflag:$0x1] =	stream.indirect_vreg.gather [hbm4b:s8+s3], $0x80, v19, vm0, $0xb8;
	[tilespmem:$0x1F300] =	vst v63  }
0x2bd: {  	v17 =	vadd.s32 v3, v17  }
0x2be: {  	[tilespmem:s15], [sflag:$0x1] =	stream.indirect_vreg.gather [hbm4b:s8+s3], $0x80, v62, vm0, $0xb8;
	[tilespmem:$0x1F300] =	vst v63  }
0x2bf: {  	_ = 	snop  }
0x2c0: {  	[tilespmem:s6], [sflag:$0x1] =	stream.indirect_vreg.gather [hbm4b:s8+s3], $0x80, v18, vm0, $0xb8;
	[tilespmem:$0x1F300] =	vst v63  }
0x2c1: {  	_ = 	snop  }
0x2c2: {  	[tilespmem:s7], [sflag:$0x1] =	stream.indirect_vreg.gather [hbm4b:s8+s3], $0x80, v17, vm0, $0xb8;
	[tilespmem:$0x1F300] =	vst v63  }
0x2c3: {  	_ =	swait.ge [sflag:s13], $0x6400  }
0x2c4: {  	p0 =	sne.s32 s10, $0x9920;
	[sflag:s13] =	ssyncset.done $0x0  }
.Ltmp0:
0x2c5: {  	s5 =	sadd.s32 $0x2780, s5;
	[sflag:s13] =	ssyncadd.s32 $0xFFFF9C00;
	(pc) =	sbr.rel @p0 .LBB2_2-.Ltmp0, $4  }
0x2c6: {  	[spmem:s2] =	stream.indirect.scatter.add.f32 [tilespmem:s16], [sflag:$0x2], $0x80, s5, s9, $0xb8;
	[tilespmem:$0x1F300] =	vst v63  }
0x2c7: {  	_ =	swait.ge [sflag:s12], $0x6400  }
0x2c8: {  	[sflag:s12] =	ssyncset.done $0x0  }
0x2c9: {  	s10 =	sadd.s32 $0x320, s10;
	[sflag:s12] =	ssyncadd.s32 $0xFFFF9C00  }
0x2ca: {  	[bflag:$0x0] =	sbarrier.arrive $0xFFFF  }
0x2cb: {  	s14 =	sld [smem:$0x7FC]  }
0x2cc: {  	s5 =	sld [smem:$0x7F1]  }
0x2cd: {  	s10 =	sld [smem:$0x7FD];
	_ =	sdelay $0x2  }
0x2ce: {  	[hbm:s5], [sflag:s14] =	dma.local [spmem:s10], $0x2800  }
0x2cf: {  	_ =	swait.ge [sflag:s12], $0x2800  }
0x2d0: {  	s11 =	sld [smem:$0x75E]  }
0x2d1: {  	s5 =	sld [smem:$0x7F3];
	_ =	sdelay $0x1  }
0x2d2: {  	s11 =	sadd.s32 $0x1, s11  }
0x2d3: {  	p0 =	sne.s32 s11, s5  }
.Ltmp1:
0x2d4: {  	_ = 	snop;
	(pc) =	sbr.rel @p0 .LBB2_1-.Ltmp1, $3  }
0x2d5: {  	_ =	sdelay $0x1  }
0x2d6: {  	[sflag:s12] =	ssyncset.done $0x0  }
0x2d7: {  	[sflag:s12] =	ssyncadd.s32 $0xFFFFD800  }
0x2d8: {  	_ =	sfence.sel $0x180000  }
0x2d9: {  	[bflag:$0x0] =	sbarrier.arrive $0xFFFF  }
0x2da: {  	_ =	strace $0x90000047  }
0x2db: {  	s0 =	stileid.u32;
	[bflag:$0x2] =	sbarrier.arrive $0xFFFF  }
0x2dc: {  	p0 =	sne.s32 s0, $0x0;
	s0 =	rddreg [dreg:$0x5]  }
0x2dd: {  	s0 =	sadd.s32 @!p0 $0x100000, s0  }
0x2de: {  	[sflag:s0] =	ssyncadd.tile.s32 @!p0 $0x1;
	_ =	shalt  }
.Lfunc_end2:
_tile_overlayer_lowered:
.L_overlay_start_2:
0x2df: {  	(tag) =	ssettag $0x2  }
0x2e0: {  	s0 =	rddreg [dreg:$0x0];
	s2 =	stileid.u32  }
0x2e1: {  	s1 =	rddreg [dreg:$0x1];
	p0 =	sne.s32 s2, $0x0  }
0x2e2: {  	s3 =	rddreg [dreg:$0x2];
	[bflag:$0x3] =	sbarrier.arrive $0xFFFF;
	s2 =	simm.s32 @!p0 $0x1C02  }
0x2e3: {  	[timem:s3], [sflag:s2] =	dma.local @!p0 [hbm:s0], s1  }
0x2e4: {  	s0 =	simm.s32 @!p0 $0x2  }
0x2e5: {  	_ =	swait.ge @!p0 [sflag:s0], s1  }
0x2e6: {  	s1 =	ssub.s32 @!p0 $0x0, s1;
	[sflag:s0] =	ssyncset.done @!p0 $0x0  }
0x2e7: {  	[sflag:s0] =	ssyncadd.s32 @!p0 s1  }
0x2e8: {  	[bflag:$0x3] =	sbarrier.arrive $0xFFFF  }
0x2e9: {  	_ =	shalt  }

</sc_bundles>
